<compile_context>
chip_gen: v7x
topology: tpu7x:2x2x1
jax: 0.10.2.dev20260603
libtpu: 0.0.44.dev20260713+nightly
codegen_flags: <defaults>
</compile_context>

<pallas_src>
import functools

import jax
import jax.numpy as jnp
from jax import lax
from jax.experimental import pallas as pl
from jax.experimental.pallas import tpu as pltpu
from jax.experimental.pallas import tpu_sc as plsc

B, S, F = 4, 4096, 2048
CTX = 2048
ROW0 = S - CTX
NINF = float("-inf")

RT = 1280
RS_SC = CTX - RT

NC, NS, L = 2, 16, 16
NW = NC * NS
SEGS = NW // B
RPW = RS_SC // SEGS
R = 8
NCHUNK = RPW // R
NJ = F // L

_MESH = plsc.VectorSubcoreMesh(
    core_axis_name="c", subcore_axis_name="s", num_cores=NC, num_subcores=NS
)


@functools.partial(
    pl.kernel,
    out_type=tuple(
        jax.ShapeDtypeStruct((B, SEGS, F), jnp.float32) for _ in range(4)
    ),
    mesh=_MESH,
    scratch_types=[
        pltpu.VMEM((2, R, F), jnp.float32),
        pltpu.VMEM((2, R, F), jnp.float32),
        pltpu.VMEM((F,), jnp.float32),
        pltpu.VMEM((F,), jnp.float32),
        pltpu.VMEM((F,), jnp.float32),
        pltpu.VMEM((F,), jnp.float32),
        pltpu.SemaphoreType.DMA,
        pltpu.SemaphoreType.DMA,
        pltpu.SemaphoreType.DMA,
        pltpu.SemaphoreType.DMA,
    ],
)
def _sc_part(data_hbm, mask_hbm, pdm_hbm, pm_hbm, pd_hbm, pmx_hbm,
             dbuf, mbuf, acc_dm, acc_m, acc_d, acc_mx,
             sd0, sd1, sm0, sm1):
    wid = lax.axis_index("s") * NC + lax.axis_index("c")
    b = wid // SEGS
    seg = wid % SEGS
    row_base = ROW0 + RT + seg * RPW
    sems_d = (sd0, sd1)
    sems_m = (sm0, sm1)

    def src_d(ck):
        return data_hbm.at[b, pl.ds(row_base + ck * R, R), pl.ds(0, F)]

    def src_m(ck):
        return mask_hbm.at[b, pl.ds(row_base + ck * R, R), pl.ds(0, F)]

    def start(ck, buf):
        pltpu.async_copy(src_d(ck), dbuf.at[buf], sems_d[buf])
        pltpu.async_copy(src_m(ck), mbuf.at[buf], sems_m[buf])

    def wait(buf):
        pltpu.make_async_copy(src_d(0), dbuf.at[buf], sems_d[buf]).wait()
        pltpu.make_async_copy(src_m(0), mbuf.at[buf], sems_m[buf]).wait()

    zeros = jnp.zeros((L,), jnp.float32)
    ninf = jnp.full((L,), NINF, jnp.float32)

    @plsc.parallel_loop(0, NJ, unroll=4)
    def _(j):
        sl = pl.ds(j * L, L)
        acc_dm[sl] = zeros
        acc_m[sl] = zeros
        acc_d[sl] = zeros
        acc_mx[sl] = ninf

    def compute(buf):
        @plsc.parallel_loop(0, NJ, unroll=2)
        def _(j):
            sl = pl.ds(j * L, L)
            a_dm = acc_dm[sl]
            a_m = acc_m[sl]
            a_d = acc_d[sl]
            a_mx = acc_mx[sl]
            for r in range(R):
                d = dbuf[buf, r, sl]
                m = mbuf[buf, r, sl]
                a_dm = a_dm + d * m
                a_m = a_m + m
                a_d = a_d + d
                a_mx = jnp.maximum(a_mx, m)
            acc_dm[sl] = a_dm
            acc_m[sl] = a_m
            acc_d[sl] = a_d
            acc_mx[sl] = a_mx

    start(0, 0)
    start(1, 1)

    def pair_body(cp, carry):
        g0 = 2 * cp
        wait(0)
        compute(0)
        start(g0 + 2, 0)
        wait(1)
        compute(1)
        start(g0 + 3, 1)
        return carry

    lax.fori_loop(0, NCHUNK // 2 - 1, pair_body, 0)
    wait(0)
    compute(0)
    wait(1)
    compute(1)

    pltpu.sync_copy(acc_dm, pdm_hbm.at[b, seg, pl.ds(0, F)])
    pltpu.sync_copy(acc_m, pm_hbm.at[b, seg, pl.ds(0, F)])
    pltpu.sync_copy(acc_d, pd_hbm.at[b, seg, pl.ds(0, F)])
    pltpu.sync_copy(acc_mx, pmx_hbm.at[b, seg, pl.ds(0, F)])


BR = 256
NRT = RT // BR


def _tc_body(d_ref, m_ref, pdm_ref, pm_ref, pd_ref, pmx_ref,
             adm, am, ad, amx):
    r = pl.program_id(1)

    @pl.when(r == 0)
    def _init():
        adm[...] = jnp.zeros_like(adm)
        am[...] = jnp.zeros_like(am)
        ad[...] = jnp.zeros_like(ad)
        amx[...] = jnp.full_like(amx, NINF)

    a_dm = adm[...]
    a_m = am[...]
    a_d = ad[...]
    a_mx = amx[...]
    for i in range(BR // 8):
        sl = pl.ds(i * 8, 8)
        d = d_ref[0, sl]
        m = m_ref[0, sl]
        a_dm += d * m
        a_m += m
        a_d += d
        a_mx = jnp.maximum(a_mx, m)
    adm[...] = a_dm
    am[...] = a_m
    ad[...] = a_d
    amx[...] = a_mx

    @pl.when(r == NRT - 1)
    def _fin():
        pdm_ref[0] = adm[...]
        pm_ref[0] = am[...]
        pd_ref[0] = ad[...]
        pmx_ref[0] = amx[...]


_tc_part = pl.pallas_call(
    _tc_body,
    grid=(B, NRT),
    in_specs=[
        pl.BlockSpec((1, BR, F), lambda b, r: (b, ROW0 // BR + r, 0)),
        pl.BlockSpec((1, BR, F), lambda b, r: (b, ROW0 // BR + r, 0)),
    ],
    out_specs=[
        pl.BlockSpec((1, 8, F), lambda b, r: (b, 0, 0)),
        pl.BlockSpec((1, 8, F), lambda b, r: (b, 0, 0)),
        pl.BlockSpec((1, 8, F), lambda b, r: (b, 0, 0)),
        pl.BlockSpec((1, 8, F), lambda b, r: (b, 0, 0)),
    ],
    out_shape=[
        jax.ShapeDtypeStruct((B, 8, F), jnp.float32),
        jax.ShapeDtypeStruct((B, 8, F), jnp.float32),
        jax.ShapeDtypeStruct((B, 8, F), jnp.float32),
        jax.ShapeDtypeStruct((B, 8, F), jnp.float32),
    ],
    scratch_shapes=[
        pltpu.VMEM((8, F), jnp.float32),
        pltpu.VMEM((8, F), jnp.float32),
        pltpu.VMEM((8, F), jnp.float32),
        pltpu.VMEM((8, F), jnp.float32),
    ],
)


def _combine_body(tdm, tm, td, tmx, sdm, sm, sd, smx, pooled_ref, mmax_ref):
    dm = jnp.sum(tdm[0], axis=0) + jnp.sum(sdm[0], axis=0)
    msum = jnp.sum(tm[0], axis=0) + jnp.sum(sm[0], axis=0)
    dsum = jnp.sum(td[0], axis=0) + jnp.sum(sd[0], axis=0)
    mx = jnp.maximum(jnp.max(tmx[0], axis=0), jnp.max(smx[0], axis=0))
    pooled_ref[0, 0] = jnp.where(
        msum == 0.0,
        dsum * jnp.float32(1.0 / CTX),
        dm / (msum + jnp.float32(1e-8)),
    )
    mmax_ref[0, 0] = mx


_combine = pl.pallas_call(
    _combine_body,
    grid=(B,),
    in_specs=[pl.BlockSpec((1, 8, F), lambda b: (b, 0, 0))] * 4
    + [pl.BlockSpec((1, SEGS, F), lambda b: (b, 0, 0))] * 4,
    out_specs=[
        pl.BlockSpec((1, 1, F), lambda b: (b, 0, 0)),
        pl.BlockSpec((1, 1, F), lambda b: (b, 0, 0)),
    ],
    out_shape=[
        jax.ShapeDtypeStruct((B, 1, F), jnp.float32),
        jax.ShapeDtypeStruct((B, 1, F), jnp.float32),
    ],
)


def kernel(data, mask):
    sdm, sm, sd, smx = _sc_part(data, mask)
    tdm, tm, td, tmx = _tc_part(data, mask)
    pooled, mmax = _combine(tdm, tm, td, tmx, sdm, sm, sd, smx)
    return (pooled, mmax)

# --- scband reference (transcript-rebuilt; emitter-appended) ---
"""Pipeline reference for scband-sum-extraction-block-6768868458658 (READ-ONLY COPY).

The authoritative reference and input builder live on the scoring server;
editing this copy changes nothing except your own understanding.
"""

import jax, jax.numpy as jnp
import numpy as np

CONTEXT_LENGTH = 2048

def setup_inputs(seed: int = 0) -> dict:
    key = jax.random.key(seed)
    k1, k2 = jax.random.split(key)
    data = jax.random.normal(k1, (4, 4096, 2048), dtype=jnp.float32)
    mask = jax.random.uniform(k2, (4, 4096, 2048), dtype=jnp.float32)
    return {"data": data, "mask": mask}

def reference(data, mask):
    # Eval-mode branch of SumExtractionBlock.forward (deterministic path).
    c = min(CONTEXT_LENGTH, data.shape[1])
    d = data[:, -c:, ...]
    m = mask[:, -c:, ...]
    msum = m.sum(axis=1)
    pooled = jnp.where(msum == 0, d.mean(axis=1), (d * m).sum(axis=1) / (msum + 1e-08))
    pooled = pooled[:, None, ...]
    mmax = m.max(axis=1)[:, None, ...]
    return (pooled, mmax)

if __name__ == "__main__":
    import jax
    _d = setup_inputs()
    print(jax.jit(kernel)(*tuple(_d.values())))

</pallas_src>

<mosaic_0001>
#map = affine_map<(d0, d1) -> (0, 0, 0)>
module attributes {stable_mosaic.version = 14 : i64} {
  func.func @_sc_part(%arg0: i32, %arg1: i32, %arg2: memref<4x4096x2048xf32, #tpu.memory_space<hbm>>, %arg3: memref<4x4096x2048xf32, #tpu.memory_space<hbm>>, %arg4: memref<4x8x2048xf32, #tpu.memory_space<hbm>>, %arg5: memref<4x8x2048xf32, #tpu.memory_space<hbm>>, %arg6: memref<4x8x2048xf32, #tpu.memory_space<hbm>>, %arg7: memref<4x8x2048xf32, #tpu.memory_space<hbm>>, %arg8: memref<2x8x2048xf32, #tpu.memory_space<vmem>>, %arg9: memref<2x8x2048xf32, #tpu.memory_space<vmem>>, %arg10: memref<2048xf32, #tpu.memory_space<vmem>>, %arg11: memref<2048xf32, #tpu.memory_space<vmem>>, %arg12: memref<2048xf32, #tpu.memory_space<vmem>>, %arg13: memref<2048xf32, #tpu.memory_space<vmem>>, %arg14: memref<!tpu.dma_semaphore, #tpu.memory_space<semaphore_mem>>, %arg15: memref<!tpu.dma_semaphore, #tpu.memory_space<semaphore_mem>>, %arg16: memref<!tpu.dma_semaphore, #tpu.memory_space<semaphore_mem>>, %arg17: memref<!tpu.dma_semaphore, #tpu.memory_space<semaphore_mem>>) attributes {dimension_semantics = [#tpu.dimension_semantics<core_parallel>, #tpu.dimension_semantics<subcore_parallel>], iteration_bounds = array<i64: 2, 16>, scalar_prefetch = 0 : i64, scratch_operands = 10 : i64, tpu.core_type = #tpu.core_type<sc_vector_subcore>, window_params = [{transform_indices = #map}, {transform_indices = #map}, {transform_indices = #map}, {transform_indices = #map}, {transform_indices = #map}, {transform_indices = #map}]} {
    %mul3A = arith.constant 2 : i32
    %mul3A_0 = arith.muli %arg1, %mul3A : i32
    %add3A = arith.addi %mul3A_0, %arg0 : i32
    %jit3A = arith.constant 8 : i32
    %div3A = arith.divsi %add3A, %jit3A : i32
    %sign3A = arith.constant 0 : i32
    %sign3A_1 = arith.cmpi sgt, %add3A, %sign3A : i32
    %sign3A_2 = arith.extui %sign3A_1 : i1 to i32
    %sign3A_3 = arith.constant 0 : i32
    %sign3A_4 = arith.cmpi slt, %add3A, %sign3A_3 : i32
    %sign3A_5 = arith.extui %sign3A_4 : i1 to i32
    %sign3A_6 = arith.subi %sign3A_2, %sign3A_5 : i32
    %sign3A_7 = arith.constant 0 : i32
    %sign3A_8 = arith.cmpi sgt, %jit3A, %sign3A_7 : i32
    %sign3A_9 = arith.extui %sign3A_8 : i1 to i32
    %sign3A_10 = arith.constant 0 : i32
    %sign3A_11 = arith.cmpi slt, %jit3A, %sign3A_10 : i32
    %sign3A_12 = arith.extui %sign3A_11 : i1 to i32
    %sign3A_13 = arith.subi %sign3A_9, %sign3A_12 : i32
    %ne3A = arith.cmpi ne, %sign3A_6, %sign3A_13 : i32
    %rem3A = arith.remsi %add3A, %jit3A : i32
    %ne3A_14 = arith.constant 0 : i32
    %ne3A_15 = arith.cmpi ne, %rem3A, %ne3A_14 : i32
    %and3A = arith.andi %ne3A, %ne3A_15 : i1
    %sub3A = arith.constant 1 : i32
    %sub3A_16 = arith.subi %div3A, %sub3A : i32
    %select_n3A = arith.select %and3A, %sub3A_16, %div3A : i32
    %jit3A_17 = arith.constant 8 : i32
    %eq3A = arith.constant 0 : i32
    %eq3A_18 = arith.cmpi eq, %jit3A_17, %eq3A : i32
    %jit3A_19 = arith.constant 1 : i32
    %select_n3A_20 = arith.select %eq3A_18, %jit3A_19, %jit3A_17 : i32
    %rem3A_21 = arith.remsi %add3A, %select_n3A_20 : i32
    %ne3A_22 = arith.constant 0 : i32
    %ne3A_23 = arith.cmpi ne, %rem3A_21, %ne3A_22 : i32
    %lt3A = arith.constant 0 : i32
    %lt3A_24 = arith.cmpi slt, %rem3A_21, %lt3A : i32
    %lt3A_25 = arith.constant 0 : i32
    %lt3A_26 = arith.cmpi slt, %select_n3A_20, %lt3A_25 : i32
    %ne3A_27 = arith.xori %lt3A_24, %lt3A_26 : i1
    %and3A_28 = arith.andi %ne3A_27, %ne3A_23 : i1
    %add3A_29 = arith.addi %rem3A_21, %select_n3A_20 : i32
    %select_n3A_30 = arith.select %and3A_28, %add3A_29, %rem3A_21 : i32
    %mul3A_31 = arith.constant 96 : i32
    %mul3A_32 = arith.muli %select_n3A_30, %mul3A_31 : i32
    %add3A_33 = arith.constant 3328 : i32
    %add3A_34 = arith.addi %add3A_33, %mul3A_32 : i32
    %broadcast_in_dim3A = arith.constant 0.000000e+00 : f32
    %broadcast_in_dim3A_35 = vector.broadcast %broadcast_in_dim3A : f32 to vector<16xf32>
    %broadcast_in_dim3A_36 = arith.constant 0xFF800000 : f32
    %broadcast_in_dim3A_37 = vector.broadcast %broadcast_in_dim3A_36 : f32 to vector<16xf32>
    %parallel_loop3A = arith.constant 0 : i32
    %parallel_loop3A_38 = arith.constant 128 : i32
    %parallel_loop3A_39 = arith.constant 1 : i32
    scf.for %parallel_loop3A_185 = %parallel_loop3A to %parallel_loop3A_38 step %parallel_loop3A_39  : i32 {
      %parallel_loop3A_186 = arith.constant 16 : i32
      %parallel_loop3A_187 = arith.muli %parallel_loop3A_185, %parallel_loop3A_186 : i32
      %parallel_loop3A_188 = arith.index_cast %parallel_loop3A_187 : i32 to index
      %parallel_loop3A_189 = tpu.vector_load %arg10[%parallel_loop3A_188] {strides = array<i32>} : memref<2048xf32, #tpu.memory_space<vmem>>, vector<16xf32>,
      %parallel_loop3A_190 = vector.shape_cast %parallel_loop3A_189 : vector<16xf32> to vector<16xf32>
      %parallel_loop3A_191 = vector.shape_cast %broadcast_in_dim3A_35 : vector<16xf32> to vector<16xf32>
      tpu.vector_store %arg10[%parallel_loop3A_188], %parallel_loop3A_191 {strides = array<i32>} : memref<2048xf32, #tpu.memory_space<vmem>>, vector<16xf32>,
      %parallel_loop3A_192 = arith.index_cast %parallel_loop3A_187 : i32 to index
      %parallel_loop3A_193 = tpu.vector_load %arg11[%parallel_loop3A_192] {strides = array<i32>} : memref<2048xf32, #tpu.memory_space<vmem>>, vector<16xf32>,
      %parallel_loop3A_194 = vector.shape_cast %parallel_loop3A_193 : vector<16xf32> to vector<16xf32>
      %parallel_loop3A_195 = vector.shape_cast %broadcast_in_dim3A_35 : vector<16xf32> to vector<16xf32>
      tpu.vector_store %arg11[%parallel_loop3A_192], %parallel_loop3A_195 {strides = array<i32>} : memref<2048xf32, #tpu.memory_space<vmem>>, vector<16xf32>,
      %parallel_loop3A_196 = arith.index_cast %parallel_loop3A_187 : i32 to index
      %parallel_loop3A_197 = tpu.vector_load %arg12[%parallel_loop3A_196] {strides = array<i32>} : memref<2048xf32, #tpu.memory_space<vmem>>, vector<16xf32>,
      %parallel_loop3A_198 = vector.shape_cast %parallel_loop3A_197 : vector<16xf32> to vector<16xf32>
      %parallel_loop3A_199 = vector.shape_cast %broadcast_in_dim3A_35 : vector<16xf32> to vector<16xf32>
      tpu.vector_store %arg12[%parallel_loop3A_196], %parallel_loop3A_199 {strides = array<i32>} : memref<2048xf32, #tpu.memory_space<vmem>>, vector<16xf32>,
      %parallel_loop3A_200 = arith.index_cast %parallel_loop3A_187 : i32 to index
      %parallel_loop3A_201 = tpu.vector_load %arg13[%parallel_loop3A_200] {strides = array<i32>} : memref<2048xf32, #tpu.memory_space<vmem>>, vector<16xf32>,
      %parallel_loop3A_202 = vector.shape_cast %parallel_loop3A_201 : vector<16xf32> to vector<16xf32>
      %parallel_loop3A_203 = vector.shape_cast %broadcast_in_dim3A_37 : vector<16xf32> to vector<16xf32>
      tpu.vector_store %arg13[%parallel_loop3A_200], %parallel_loop3A_203 {strides = array<i32>} : memref<2048xf32, #tpu.memory_space<vmem>>, vector<16xf32>,
    } {sc.loop_unroll_factor = 4 : i64, sc.parallel_access}
    %add3A_40 = arith.constant 0 : i32
    %add3A_41 = arith.addi %add3A_34, %add3A_40 : i32
    %dma_start3A = arith.constant 0 : i32
    %dma_start3A_42 = arith.constant 0 : i32
    %dma_start3A_43 = arith.constant 0 : i32
    %dma_start3A_44 = tpu.memref_slice %arg8[%dma_start3A, %dma_start3A_42, %dma_start3A_43] : memref<2x8x2048xf32, #tpu.memory_space<vmem>> -> memref<1x8x2048xf32, #tpu.memory_space<vmem>>
    %dma_start3A_45 = tpu.memref_squeeze %dma_start3A_44 : memref<1x8x2048xf32, #tpu.memory_space<vmem>> -> memref<8x2048xf32, #tpu.memory_space<vmem>>
    %dma_start3A_46 = arith.constant 0 : i32
    %dma_start3A_47 = tpu.memref_slice %arg2[%select_n3A, %add3A_41, %dma_start3A_46] : memref<4x4096x2048xf32, #tpu.memory_space<hbm>> -> memref<1x8x2048xf32, #tpu.memory_space<hbm>>
    %dma_start3A_48 = tpu.memref_squeeze %dma_start3A_47 : memref<1x8x2048xf32, #tpu.memory_space<hbm>> -> memref<8x2048xf32, #tpu.memory_space<hbm>>
    %dma_start3A_49 = arith.constant 0 : i32
    %dma_start3A_50 = arith.constant 0 : i32
    %dma_start3A_51 = tpu.memref_slice %arg8[%dma_start3A, %dma_start3A_49, %dma_start3A_50] : memref<2x8x2048xf32, #tpu.memory_space<vmem>> -> memref<1x8x2048xf32, #tpu.memory_space<vmem>>
    %dma_start3A_52 = tpu.memref_squeeze %dma_start3A_51 : memref<1x8x2048xf32, #tpu.memory_space<vmem>> -> memref<8x2048xf32, #tpu.memory_space<vmem>>
    %dma_start3A_53 = arith.constant 0 : i32
    %dma_start3A_54 = tpu.memref_slice %arg2[%select_n3A, %add3A_41, %dma_start3A_53] : memref<4x4096x2048xf32, #tpu.memory_space<hbm>> -> memref<1x8x2048xf32, #tpu.memory_space<hbm>>
    %dma_start3A_55 = tpu.memref_squeeze %dma_start3A_54 : memref<1x8x2048xf32, #tpu.memory_space<hbm>> -> memref<8x2048xf32, #tpu.memory_space<hbm>>
    tpu.enqueue_dma source(%dma_start3A_55 : memref<8x2048xf32, #tpu.memory_space<hbm>>) target(%dma_start3A_52 : memref<8x2048xf32, #tpu.memory_space<vmem>>) target_semaphore(%arg14 : memref<!tpu.dma_semaphore, #tpu.memory_space<semaphore_mem>>)
    %add3A_56 = arith.constant 0 : i32
    %add3A_57 = arith.addi %add3A_34, %add3A_56 : i32
    %dma_start3A_58 = arith.constant 0 : i32
    %dma_start3A_59 = arith.constant 0 : i32
    %dma_start3A_60 = arith.constant 0 : i32
    %dma_start3A_61 = tpu.memref_slice %arg9[%dma_start3A_58, %dma_start3A_59, %dma_start3A_60] : memref<2x8x2048xf32, #tpu.memory_space<vmem>> -> memref<1x8x2048xf32, #tpu.memory_space<vmem>>
    %dma_start3A_62 = tpu.memref_squeeze %dma_start3A_61 : memref<1x8x2048xf32, #tpu.memory_space<vmem>> -> memref<8x2048xf32, #tpu.memory_space<vmem>>
    %dma_start3A_63 = arith.constant 0 : i32
    %dma_start3A_64 = tpu.memref_slice %arg3[%select_n3A, %add3A_57, %dma_start3A_63] : memref<4x4096x2048xf32, #tpu.memory_space<hbm>> -> memref<1x8x2048xf32, #tpu.memory_space<hbm>>
    %dma_start3A_65 = tpu.memref_squeeze %dma_start3A_64 : memref<1x8x2048xf32, #tpu.memory_space<hbm>> -> memref<8x2048xf32, #tpu.memory_space<hbm>>
    %dma_start3A_66 = arith.constant 0 : i32
    %dma_start3A_67 = arith.constant 0 : i32
    %dma_start3A_68 = tpu.memref_slice %arg9[%dma_start3A_58, %dma_start3A_66, %dma_start3A_67] : memref<2x8x2048xf32, #tpu.memory_space<vmem>> -> memref<1x8x2048xf32, #tpu.memory_space<vmem>>
    %dma_start3A_69 = tpu.memref_squeeze %dma_start3A_68 : memref<1x8x2048xf32, #tpu.memory_space<vmem>> -> memref<8x2048xf32, #tpu.memory_space<vmem>>
    %dma_start3A_70 = arith.constant 0 : i32
    %dma_start3A_71 = tpu.memref_slice %arg3[%select_n3A, %add3A_57, %dma_start3A_70] : memref<4x4096x2048xf32, #tpu.memory_space<hbm>> -> memref<1x8x2048xf32, #tpu.memory_space<hbm>>
    %dma_start3A_72 = tpu.memref_squeeze %dma_start3A_71 : memref<1x8x2048xf32, #tpu.memory_space<hbm>> -> memref<8x2048xf32, #tpu.memory_space<hbm>>
    tpu.enqueue_dma source(%dma_start3A_72 : memref<8x2048xf32, #tpu.memory_space<hbm>>) target(%dma_start3A_69 : memref<8x2048xf32, #tpu.memory_space<vmem>>) target_semaphore(%arg16 : memref<!tpu.dma_semaphore, #tpu.memory_space<semaphore_mem>>)
    %add3A_73 = arith.constant 8 : i32
    %add3A_74 = arith.addi %add3A_34, %add3A_73 : i32
    %dma_start3A_75 = arith.constant 1 : i32
    %dma_start3A_76 = arith.constant 0 : i32
    %dma_start3A_77 = arith.constant 0 : i32
    %dma_start3A_78 = tpu.memref_slice %arg8[%dma_start3A_75, %dma_start3A_76, %dma_start3A_77] : memref<2x8x2048xf32, #tpu.memory_space<vmem>> -> memref<1x8x2048xf32, #tpu.memory_space<vmem>>
    %dma_start3A_79 = tpu.memref_squeeze %dma_start3A_78 : memref<1x8x2048xf32, #tpu.memory_space<vmem>> -> memref<8x2048xf32, #tpu.memory_space<vmem>>
    %dma_start3A_80 = arith.constant 0 : i32
    %dma_start3A_81 = tpu.memref_slice %arg2[%select_n3A, %add3A_74, %dma_start3A_80] : memref<4x4096x2048xf32, #tpu.memory_space<hbm>> -> memref<1x8x2048xf32, #tpu.memory_space<hbm>>
    %dma_start3A_82 = tpu.memref_squeeze %dma_start3A_81 : memref<1x8x2048xf32, #tpu.memory_space<hbm>> -> memref<8x2048xf32, #tpu.memory_space<hbm>>
    %dma_start3A_83 = arith.constant 0 : i32
    %dma_start3A_84 = arith.constant 0 : i32
    %dma_start3A_85 = tpu.memref_slice %arg8[%dma_start3A_75, %dma_start3A_83, %dma_start3A_84] : memref<2x8x2048xf32, #tpu.memory_space<vmem>> -> memref<1x8x2048xf32, #tpu.memory_space<vmem>>
    %dma_start3A_86 = tpu.memref_squeeze %dma_start3A_85 : memref<1x8x2048xf32, #tpu.memory_space<vmem>> -> memref<8x2048xf32, #tpu.memory_space<vmem>>
    %dma_start3A_87 = arith.constant 0 : i32
    %dma_start3A_88 = tpu.memref_slice %arg2[%select_n3A, %add3A_74, %dma_start3A_87] : memref<4x4096x2048xf32, #tpu.memory_space<hbm>> -> memref<1x8x2048xf32, #tpu.memory_space<hbm>>
    %dma_start3A_89 = tpu.memref_squeeze %dma_start3A_88 : memref<1x8x2048xf32, #tpu.memory_space<hbm>> -> memref<8x2048xf32, #tpu.memory_space<hbm>>
    tpu.enqueue_dma source(%dma_start3A_89 : memref<8x2048xf32, #tpu.memory_space<hbm>>) target(%dma_start3A_86 : memref<8x2048xf32, #tpu.memory_space<vmem>>) target_semaphore(%arg15 : memref<!tpu.dma_semaphore, #tpu.memory_space<semaphore_mem>>)
    %add3A_90 = arith.constant 8 : i32
    %add3A_91 = arith.addi %add3A_34, %add3A_90 : i32
    %dma_start3A_92 = arith.constant 1 : i32
    %dma_start3A_93 = arith.constant 0 : i32
    %dma_start3A_94 = arith.constant 0 : i32
    %dma_start3A_95 = tpu.memref_slice %arg9[%dma_start3A_92, %dma_start3A_93, %dma_start3A_94] : memref<2x8x2048xf32, #tpu.memory_space<vmem>> -> memref<1x8x2048xf32, #tpu.memory_space<vmem>>
    %dma_start3A_96 = tpu.memref_squeeze %dma_start3A_95 : memref<1x8x2048xf32, #tpu.memory_space<vmem>> -> memref<8x2048xf32, #tpu.memory_space<vmem>>
    %dma_start3A_97 = arith.constant 0 : i32
    %dma_start3A_98 = tpu.memref_slice %arg3[%select_n3A, %add3A_91, %dma_start3A_97] : memref<4x4096x2048xf32, #tpu.memory_space<hbm>> -> memref<1x8x2048xf32, #tpu.memory_space<hbm>>
    %dma_start3A_99 = tpu.memref_squeeze %dma_start3A_98 : memref<1x8x2048xf32, #tpu.memory_space<hbm>> -> memref<8x2048xf32, #tpu.memory_space<hbm>>
    %dma_start3A_100 = arith.constant 0 : i32
    %dma_start3A_101 = arith.constant 0 : i32
    %dma_start3A_102 = tpu.memref_slice %arg9[%dma_start3A_92, %dma_start3A_100, %dma_start3A_101] : memref<2x8x2048xf32, #tpu.memory_space<vmem>> -> memref<1x8x2048xf32, #tpu.memory_space<vmem>>
    %dma_start3A_103 = tpu.memref_squeeze %dma_start3A_102 : memref<1x8x2048xf32, #tpu.memory_space<vmem>> -> memref<8x2048xf32, #tpu.memory_space<vmem>>
    %dma_start3A_104 = arith.constant 0 : i32
    %dma_start3A_105 = tpu.memref_slice %arg3[%select_n3A, %add3A_91, %dma_start3A_104] : memref<4x4096x2048xf32, #tpu.memory_space<hbm>> -> memref<1x8x2048xf32, #tpu.memory_space<hbm>>
    %dma_start3A_106 = tpu.memref_squeeze %dma_start3A_105 : memref<1x8x2048xf32, #tpu.memory_space<hbm>> -> memref<8x2048xf32, #tpu.memory_space<hbm>>
    tpu.enqueue_dma source(%dma_start3A_106 : memref<8x2048xf32, #tpu.memory_space<hbm>>) target(%dma_start3A_103 : memref<8x2048xf32, #tpu.memory_space<vmem>>) target_semaphore(%arg17 : memref<!tpu.dma_semaphore, #tpu.memory_space<semaphore_mem>>)
    %scan3A = arith.constant 0 : i32
    %scan3A_107 = arith.constant 0 : i32
    %scan3A_108 = arith.constant 5 : i32
    %scan3A_109 = arith.addi %scan3A_107, %scan3A_108 : i32
    %scan3A_110 = arith.constant 1 : i32
    scf.for %scan3A_185 = %scan3A_107 to %scan3A_109 step %scan3A_110  : i32 {
      %mul3A_186 = arith.constant 2 : i32
      %mul3A_187 = arith.muli %mul3A_186, %scan3A_185 : i32
      %add3A_188 = arith.constant 0 : i32
      %add3A_189 = arith.addi %add3A_34, %add3A_188 : i32
      %dma_wait3A_190 = arith.constant 0 : i32
      %dma_wait3A_191 = arith.constant 0 : i32
      %dma_wait3A_192 = arith.constant 0 : i32
      %dma_wait3A_193 = tpu.memref_slice %arg8[%dma_wait3A_190, %dma_wait3A_191, %dma_wait3A_192] : memref<2x8x2048xf32, #tpu.memory_space<vmem>> -> memref<1x8x2048xf32, #tpu.memory_space<vmem>>
      %dma_wait3A_194 = tpu.memref_squeeze %dma_wait3A_193 : memref<1x8x2048xf32, #tpu.memory_space<vmem>> -> memref<8x2048xf32, #tpu.memory_space<vmem>>
      %dma_wait3A_195 = arith.constant 0 : i32
      %dma_wait3A_196 = tpu.memref_slice %arg2[%select_n3A, %add3A_189, %dma_wait3A_195] : memref<4x4096x2048xf32, #tpu.memory_space<hbm>> -> memref<1x8x2048xf32, #tpu.memory_space<hbm>>
      %dma_wait3A_197 = tpu.memref_squeeze %dma_wait3A_196 : memref<1x8x2048xf32, #tpu.memory_space<hbm>> -> memref<8x2048xf32, #tpu.memory_space<hbm>>
      %dma_wait3A_198 = arith.constant 0 : i32
      %dma_wait3A_199 = arith.constant 0 : i32
      %dma_wait3A_200 = tpu.memref_slice %arg8[%dma_wait3A_190, %dma_wait3A_198, %dma_wait3A_199] : memref<2x8x2048xf32, #tpu.memory_space<vmem>> -> memref<1x8x2048xf32, #tpu.memory_space<vmem>>
      %dma_wait3A_201 = tpu.memref_squeeze %dma_wait3A_200 : memref<1x8x2048xf32, #tpu.memory_space<vmem>> -> memref<8x2048xf32, #tpu.memory_space<vmem>>
      %dma_wait3A_202 = arith.constant 0 : i32
      %dma_wait3A_203 = tpu.memref_slice %arg2[%select_n3A, %add3A_189, %dma_wait3A_202] : memref<4x4096x2048xf32, #tpu.memory_space<hbm>> -> memref<1x8x2048xf32, #tpu.memory_space<hbm>>
      %dma_wait3A_204 = tpu.memref_squeeze %dma_wait3A_203 : memref<1x8x2048xf32, #tpu.memory_space<hbm>> -> memref<8x2048xf32, #tpu.memory_space<hbm>>
      tpu.wait_dma2 semaphore(%arg14 : memref<!tpu.dma_semaphore, #tpu.memory_space<semaphore_mem>>) src(%dma_wait3A_204 : memref<8x2048xf32, #tpu.memory_space<hbm>>) dst(%dma_wait3A_201 : memref<8x2048xf32, #tpu.memory_space<vmem>>)
      %add3A_205 = arith.constant 0 : i32
      %add3A_206 = arith.addi %add3A_34, %add3A_205 : i32
      %dma_wait3A_207 = arith.constant 0 : i32
      %dma_wait3A_208 = arith.constant 0 : i32
      %dma_wait3A_209 = arith.constant 0 : i32
      %dma_wait3A_210 = tpu.memref_slice %arg9[%dma_wait3A_207, %dma_wait3A_208, %dma_wait3A_209] : memref<2x8x2048xf32, #tpu.memory_space<vmem>> -> memref<1x8x2048xf32, #tpu.memory_space<vmem>>
      %dma_wait3A_211 = tpu.memref_squeeze %dma_wait3A_210 : memref<1x8x2048xf32, #tpu.memory_space<vmem>> -> memref<8x2048xf32, #tpu.memory_space<vmem>>
      %dma_wait3A_212 = arith.constant 0 : i32
      %dma_wait3A_213 = tpu.memref_slice %arg3[%select_n3A, %add3A_206, %dma_wait3A_212] : memref<4x4096x2048xf32, #tpu.memory_space<hbm>> -> memref<1x8x2048xf32, #tpu.memory_space<hbm>>
      %dma_wait3A_214 = tpu.memref_squeeze %dma_wait3A_213 : memref<1x8x2048xf32, #tpu.memory_space<hbm>> -> memref<8x2048xf32, #tpu.memory_space<hbm>>
      %dma_wait3A_215 = arith.constant 0 : i32
      %dma_wait3A_216 = arith.constant 0 : i32
      %dma_wait3A_217 = tpu.memref_slice %arg9[%dma_wait3A_207, %dma_wait3A_215, %dma_wait3A_216] : memref<2x8x2048xf32, #tpu.memory_space<vmem>> -> memref<1x8x2048xf32, #tpu.memory_space<vmem>>
      %dma_wait3A_218 = tpu.memref_squeeze %dma_wait3A_217 : memref<1x8x2048xf32, #tpu.memory_space<vmem>> -> memref<8x2048xf32, #tpu.memory_space<vmem>>
      %dma_wait3A_219 = arith.constant 0 : i32
      %dma_wait3A_220 = tpu.memref_slice %arg3[%select_n3A, %add3A_206, %dma_wait3A_219] : memref<4x4096x2048xf32, #tpu.memory_space<hbm>> -> memref<1x8x2048xf32, #tpu.memory_space<hbm>>
      %dma_wait3A_221 = tpu.memref_squeeze %dma_wait3A_220 : memref<1x8x2048xf32, #tpu.memory_space<hbm>> -> memref<8x2048xf32, #tpu.memory_space<hbm>>
      tpu.wait_dma2 semaphore(%arg16 : memref<!tpu.dma_semaphore, #tpu.memory_space<semaphore_mem>>) src(%dma_wait3A_221 : memref<8x2048xf32, #tpu.memory_space<hbm>>) dst(%dma_wait3A_218 : memref<8x2048xf32, #tpu.memory_space<vmem>>)
      %parallel_loop3A_222 = arith.constant 0 : i32
      %parallel_loop3A_223 = arith.constant 128 : i32
      %parallel_loop3A_224 = arith.constant 1 : i32
      scf.for %parallel_loop3A_338 = %parallel_loop3A_222 to %parallel_loop3A_223 step %parallel_loop3A_224  : i32 {
        %parallel_loop3A_339 = arith.constant 16 : i32
        %parallel_loop3A_340 = arith.muli %parallel_loop3A_338, %parallel_loop3A_339 : i32
        %parallel_loop3A_341 = arith.index_cast %parallel_loop3A_340 : i32 to index
        %parallel_loop3A_342 = tpu.vector_load %arg10[%parallel_loop3A_341] {strides = array<i32>} : memref<2048xf32, #tpu.memory_space<vmem>>, vector<16xf32>,
        %parallel_loop3A_343 = vector.shape_cast %parallel_loop3A_342 : vector<16xf32> to vector<16xf32>
        %parallel_loop3A_344 = arith.index_cast %parallel_loop3A_340 : i32 to index
        %parallel_loop3A_345 = tpu.vector_load %arg11[%parallel_loop3A_344] {strides = array<i32>} : memref<2048xf32, #tpu.memory_space<vmem>>, vector<16xf32>,
        %parallel_loop3A_346 = vector.shape_cast %parallel_loop3A_345 : vector<16xf32> to vector<16xf32>
        %parallel_loop3A_347 = arith.index_cast %parallel_loop3A_340 : i32 to index
        %parallel_loop3A_348 = tpu.vector_load %arg12[%parallel_loop3A_347] {strides = array<i32>} : memref<2048xf32, #tpu.memory_space<vmem>>, vector<16xf32>,
        %parallel_loop3A_349 = vector.shape_cast %parallel_loop3A_348 : vector<16xf32> to vector<16xf32>
        %parallel_loop3A_350 = arith.index_cast %parallel_loop3A_340 : i32 to index
        %parallel_loop3A_351 = tpu.vector_load %arg13[%parallel_loop3A_350] {strides = array<i32>} : memref<2048xf32, #tpu.memory_space<vmem>>, vector<16xf32>,
        %parallel_loop3A_352 = vector.shape_cast %parallel_loop3A_351 : vector<16xf32> to vector<16xf32>
        %parallel_loop3A_353 = arith.constant 0 : i32
        %parallel_loop3A_354 = arith.constant 0 : i32
        %parallel_loop3A_355 = arith.index_cast %parallel_loop3A_353 : i32 to index
        %parallel_loop3A_356 = arith.index_cast %parallel_loop3A_354 : i32 to index
        %parallel_loop3A_357 = arith.index_cast %parallel_loop3A_340 : i32 to index
        %parallel_loop3A_358 = tpu.vector_load %arg8[%parallel_loop3A_355, %parallel_loop3A_356, %parallel_loop3A_357] {strides = array<i32>} : memref<2x8x2048xf32, #tpu.memory_space<vmem>>, vector<1x1x16xf32>,
        %parallel_loop3A_359 = vector.shape_cast %parallel_loop3A_358 : vector<1x1x16xf32> to vector<16xf32>
        %parallel_loop3A_360 = arith.constant 0 : i32
        %parallel_loop3A_361 = arith.constant 0 : i32
        %parallel_loop3A_362 = arith.index_cast %parallel_loop3A_360 : i32 to index
        %parallel_loop3A_363 = arith.index_cast %parallel_loop3A_361 : i32 to index
        %parallel_loop3A_364 = arith.index_cast %parallel_loop3A_340 : i32 to index
        %parallel_loop3A_365 = tpu.vector_load %arg9[%parallel_loop3A_362, %parallel_loop3A_363, %parallel_loop3A_364] {strides = array<i32>} : memref<2x8x2048xf32, #tpu.memory_space<vmem>>, vector<1x1x16xf32>,
        %parallel_loop3A_366 = vector.shape_cast %parallel_loop3A_365 : vector<1x1x16xf32> to vector<16xf32>
        %parallel_loop3A_367 = arith.mulf %parallel_loop3A_359, %parallel_loop3A_366 : vector<16xf32>
        %parallel_loop3A_368 = arith.addf %parallel_loop3A_343, %parallel_loop3A_367 : vector<16xf32>
        %parallel_loop3A_369 = arith.addf %parallel_loop3A_346, %parallel_loop3A_366 : vector<16xf32>
        %parallel_loop3A_370 = arith.addf %parallel_loop3A_349, %parallel_loop3A_359 : vector<16xf32>
        %parallel_loop3A_371 = arith.maximumf %parallel_loop3A_352, %parallel_loop3A_366 : vector<16xf32>
        %parallel_loop3A_372 = arith.constant 0 : i32
        %parallel_loop3A_373 = arith.constant 1 : i32
        %parallel_loop3A_374 = arith.index_cast %parallel_loop3A_372 : i32 to index
        %parallel_loop3A_375 = arith.index_cast %parallel_loop3A_373 : i32 to index
        %parallel_loop3A_376 = arith.index_cast %parallel_loop3A_340 : i32 to index
        %parallel_loop3A_377 = tpu.vector_load %arg8[%parallel_loop3A_374, %parallel_loop3A_375, %parallel_loop3A_376] {strides = array<i32>} : memref<2x8x2048xf32, #tpu.memory_space<vmem>>, vector<1x1x16xf32>,
        %parallel_loop3A_378 = vector.shape_cast %parallel_loop3A_377 : vector<1x1x16xf32> to vector<16xf32>
        %parallel_loop3A_379 = arith.constant 0 : i32
        %parallel_loop3A_380 = arith.constant 1 : i32
        %parallel_loop3A_381 = arith.index_cast %parallel_loop3A_379 : i32 to index
        %parallel_loop3A_382 = arith.index_cast %parallel_loop3A_380 : i32 to index
        %parallel_loop3A_383 = arith.index_cast %parallel_loop3A_340 : i32 to index
        %parallel_loop3A_384 = tpu.vector_load %arg9[%parallel_loop3A_381, %parallel_loop3A_382, %parallel_loop3A_383] {strides = array<i32>} : memref<2x8x2048xf32, #tpu.memory_space<vmem>>, vector<1x1x16xf32>,
        %parallel_loop3A_385 = vector.shape_cast %parallel_loop3A_384 : vector<1x1x16xf32> to vector<16xf32>
        %parallel_loop3A_386 = arith.mulf %parallel_loop3A_378, %parallel_loop3A_385 : vector<16xf32>
        %parallel_loop3A_387 = arith.addf %parallel_loop3A_368, %parallel_loop3A_386 : vector<16xf32>
        %parallel_loop3A_388 = arith.addf %parallel_loop3A_369, %parallel_loop3A_385 : vector<16xf32>
        %parallel_loop3A_389 = arith.addf %parallel_loop3A_370, %parallel_loop3A_378 : vector<16xf32>
        %parallel_loop3A_390 = arith.maximumf %parallel_loop3A_371, %parallel_loop3A_385 : vector<16xf32>
        %parallel_loop3A_391 = arith.constant 0 : i32
        %parallel_loop3A_392 = arith.constant 2 : i32
        %parallel_loop3A_393 = arith.index_cast %parallel_loop3A_391 : i32 to index
        %parallel_loop3A_394 = arith.index_cast %parallel_loop3A_392 : i32 to index
        %parallel_loop3A_395 = arith.index_cast %parallel_loop3A_340 : i32 to index
        %parallel_loop3A_396 = tpu.vector_load %arg8[%parallel_loop3A_393, %parallel_loop3A_394, %parallel_loop3A_395] {strides = array<i32>} : memref<2x8x2048xf32, #tpu.memory_space<vmem>>, vector<1x1x16xf32>,
        %parallel_loop3A_397 = vector.shape_cast %parallel_loop3A_396 : vector<1x1x16xf32> to vector<16xf32>
        %parallel_loop3A_398 = arith.constant 0 : i32
        %parallel_loop3A_399 = arith.constant 2 : i32
        %parallel_loop3A_400 = arith.index_cast %parallel_loop3A_398 : i32 to index
        %parallel_loop3A_401 = arith.index_cast %parallel_loop3A_399 : i32 to index
        %parallel_loop3A_402 = arith.index_cast %parallel_loop3A_340 : i32 to index
        %parallel_loop3A_403 = tpu.vector_load %arg9[%parallel_loop3A_400, %parallel_loop3A_401, %parallel_loop3A_402] {strides = array<i32>} : memref<2x8x2048xf32, #tpu.memory_space<vmem>>, vector<1x1x16xf32>,
        %parallel_loop3A_404 = vector.shape_cast %parallel_loop3A_403 : vector<1x1x16xf32> to vector<16xf32>
        %parallel_loop3A_405 = arith.mulf %parallel_loop3A_397, %parallel_loop3A_404 : vector<16xf32>
        %parallel_loop3A_406 = arith.addf %parallel_loop3A_387, %parallel_loop3A_405 : vector<16xf32>
        %parallel_loop3A_407 = arith.addf %parallel_loop3A_388, %parallel_loop3A_404 : vector<16xf32>
        %parallel_loop3A_408 = arith.addf %parallel_loop3A_389, %parallel_loop3A_397 : vector<16xf32>
        %parallel_loop3A_409 = arith.maximumf %parallel_loop3A_390, %parallel_loop3A_404 : vector<16xf32>
        %parallel_loop3A_410 = arith.constant 0 : i32
        %parallel_loop3A_411 = arith.constant 3 : i32
        %parallel_loop3A_412 = arith.index_cast %parallel_loop3A_410 : i32 to index
        %parallel_loop3A_413 = arith.index_cast %parallel_loop3A_411 : i32 to index
        %parallel_loop3A_414 = arith.index_cast %parallel_loop3A_340 : i32 to index
        %parallel_loop3A_415 = tpu.vector_load %arg8[%parallel_loop3A_412, %parallel_loop3A_413, %parallel_loop3A_414] {strides = array<i32>} : memref<2x8x2048xf32, #tpu.memory_space<vmem>>, vector<1x1x16xf32>,
        %parallel_loop3A_416 = vector.shape_cast %parallel_loop3A_415 : vector<1x1x16xf32> to vector<16xf32>
        %parallel_loop3A_417 = arith.constant 0 : i32
        %parallel_loop3A_418 = arith.constant 3 : i32
        %parallel_loop3A_419 = arith.index_cast %parallel_loop3A_417 : i32 to index
        %parallel_loop3A_420 = arith.index_cast %parallel_loop3A_418 : i32 to index
        %parallel_loop3A_421 = arith.index_cast %parallel_loop3A_340 : i32 to index
        %parallel_loop3A_422 = tpu.vector_load %arg9[%parallel_loop3A_419, %parallel_loop3A_420, %parallel_loop3A_421] {strides = array<i32>} : memref<2x8x2048xf32, #tpu.memory_space<vmem>>, vector<1x1x16xf32>,
        %parallel_loop3A_423 = vector.shape_cast %parallel_loop3A_422 : vector<1x1x16xf32> to vector<16xf32>
        %parallel_loop3A_424 = arith.mulf %parallel_loop3A_416, %parallel_loop3A_423 : vector<16xf32>
        %parallel_loop3A_425 = arith.addf %parallel_loop3A_406, %parallel_loop3A_424 : vector<16xf32>
        %parallel_loop3A_426 = arith.addf %parallel_loop3A_407, %parallel_loop3A_423 : vector<16xf32>
        %parallel_loop3A_427 = arith.addf %parallel_loop3A_408, %parallel_loop3A_416 : vector<16xf32>
        %parallel_loop3A_428 = arith.maximumf %parallel_loop3A_409, %parallel_loop3A_423 : vector<16xf32>
        %parallel_loop3A_429 = arith.constant 0 : i32
        %parallel_loop3A_430 = arith.constant 4 : i32
        %parallel_loop3A_431 = arith.index_cast %parallel_loop3A_429 : i32 to index
        %parallel_loop3A_432 = arith.index_cast %parallel_loop3A_430 : i32 to index
        %parallel_loop3A_433 = arith.index_cast %parallel_loop3A_340 : i32 to index
        %parallel_loop3A_434 = tpu.vector_load %arg8[%parallel_loop3A_431, %parallel_loop3A_432, %parallel_loop3A_433] {strides = array<i32>} : memref<2x8x2048xf32, #tpu.memory_space<vmem>>, vector<1x1x16xf32>,
        %parallel_loop3A_435 = vector.shape_cast %parallel_loop3A_434 : vector<1x1x16xf32> to vector<16xf32>
        %parallel_loop3A_436 = arith.constant 0 : i32
        %parallel_loop3A_437 = arith.constant 4 : i32
        %parallel_loop3A_438 = arith.index_cast %parallel_loop3A_436 : i32 to index
        %parallel_loop3A_439 = arith.index_cast %parallel_loop3A_437 : i32 to index
        %parallel_loop3A_440 = arith.index_cast %parallel_loop3A_340 : i32 to index
        %parallel_loop3A_441 = tpu.vector_load %arg9[%parallel_loop3A_438, %parallel_loop3A_439, %parallel_loop3A_440] {strides = array<i32>} : memref<2x8x2048xf32, #tpu.memory_space<vmem>>, vector<1x1x16xf32>,
        %parallel_loop3A_442 = vector.shape_cast %parallel_loop3A_441 : vector<1x1x16xf32> to vector<16xf32>
        %parallel_loop3A_443 = arith.mulf %parallel_loop3A_435, %parallel_loop3A_442 : vector<16xf32>
        %parallel_loop3A_444 = arith.addf %parallel_loop3A_425, %parallel_loop3A_443 : vector<16xf32>
        %parallel_loop3A_445 = arith.addf %parallel_loop3A_426, %parallel_loop3A_442 : vector<16xf32>
        %parallel_loop3A_446 = arith.addf %parallel_loop3A_427, %parallel_loop3A_435 : vector<16xf32>
        %parallel_loop3A_447 = arith.maximumf %parallel_loop3A_428, %parallel_loop3A_442 : vector<16xf32>
        %parallel_loop3A_448 = arith.constant 0 : i32
        %parallel_loop3A_449 = arith.constant 5 : i32
        %parallel_loop3A_450 = arith.index_cast %parallel_loop3A_448 : i32 to index
        %parallel_loop3A_451 = arith.index_cast %parallel_loop3A_449 : i32 to index
        %parallel_loop3A_452 = arith.index_cast %parallel_loop3A_340 : i32 to index
        %parallel_loop3A_453 = tpu.vector_load %arg8[%parallel_loop3A_450, %parallel_loop3A_451, %parallel_loop3A_452] {strides = array<i32>} : memref<2x8x2048xf32, #tpu.memory_space<vmem>>, vector<1x1x16xf32>,
        %parallel_loop3A_454 = vector.shape_cast %parallel_loop3A_453 : vector<1x1x16xf32> to vector<16xf32>
        %parallel_loop3A_455 = arith.constant 0 : i32
        %parallel_loop3A_456 = arith.constant 5 : i32
        %parallel_loop3A_457 = arith.index_cast %parallel_loop3A_455 : i32 to index
        %parallel_loop3A_458 = arith.index_cast %parallel_loop3A_456 : i32 to index
        %parallel_loop3A_459 = arith.index_cast %parallel_loop3A_340 : i32 to index
        %parallel_loop3A_460 = tpu.vector_load %arg9[%parallel_loop3A_457, %parallel_loop3A_458, %parallel_loop3A_459] {strides = array<i32>} : memref<2x8x2048xf32, #tpu.memory_space<vmem>>, vector<1x1x16xf32>,
        %parallel_loop3A_461 = vector.shape_cast %parallel_loop3A_460 : vector<1x1x16xf32> to vector<16xf32>
        %parallel_loop3A_462 = arith.mulf %parallel_loop3A_454, %parallel_loop3A_461 : vector<16xf32>
        %parallel_loop3A_463 = arith.addf %parallel_loop3A_444, %parallel_loop3A_462 : vector<16xf32>
        %parallel_loop3A_464 = arith.addf %parallel_loop3A_445, %parallel_loop3A_461 : vector<16xf32>
        %parallel_loop3A_465 = arith.addf %parallel_loop3A_446, %parallel_loop3A_454 : vector<16xf32>
        %parallel_loop3A_466 = arith.maximumf %parallel_loop3A_447, %parallel_loop3A_461 : vector<16xf32>
        %parallel_loop3A_467 = arith.constant 0 : i32
        %parallel_loop3A_468 = arith.constant 6 : i32
        %parallel_loop3A_469 = arith.index_cast %parallel_loop3A_467 : i32 to index
        %parallel_loop3A_470 = arith.index_cast %parallel_loop3A_468 : i32 to index
        %parallel_loop3A_471 = arith.index_cast %parallel_loop3A_340 : i32 to index
        %parallel_loop3A_472 = tpu.vector_load %arg8[%parallel_loop3A_469, %parallel_loop3A_470, %parallel_loop3A_471] {strides = array<i32>} : memref<2x8x2048xf32, #tpu.memory_space<vmem>>, vector<1x1x16xf32>,
        %parallel_loop3A_473 = vector.shape_cast %parallel_loop3A_472 : vector<1x1x16xf32> to vector<16xf32>
        %parallel_loop3A_474 = arith.constant 0 : i32
        %parallel_loop3A_475 = arith.constant 6 : i32
        %parallel_loop3A_476 = arith.index_cast %parallel_loop3A_474 : i32 to index
        %parallel_loop3A_477 = arith.index_cast %parallel_loop3A_475 : i32 to index
        %parallel_loop3A_478 = arith.index_cast %parallel_loop3A_340 : i32 to index
        %parallel_loop3A_479 = tpu.vector_load %arg9[%parallel_loop3A_476, %parallel_loop3A_477, %parallel_loop3A_478] {strides = array<i32>} : memref<2x8x2048xf32, #tpu.memory_space<vmem>>, vector<1x1x16xf32>,
        %parallel_loop3A_480 = vector.shape_cast %parallel_loop3A_479 : vector<1x1x16xf32> to vector<16xf32>
        %parallel_loop3A_481 = arith.mulf %parallel_loop3A_473, %parallel_loop3A_480 : vector<16xf32>
        %parallel_loop3A_482 = arith.addf %parallel_loop3A_463, %parallel_loop3A_481 : vector<16xf32>
        %parallel_loop3A_483 = arith.addf %parallel_loop3A_464, %parallel_loop3A_480 : vector<16xf32>
        %parallel_loop3A_484 = arith.addf %parallel_loop3A_465, %parallel_loop3A_473 : vector<16xf32>
        %parallel_loop3A_485 = arith.maximumf %parallel_loop3A_466, %parallel_loop3A_480 : vector<16xf32>
        %parallel_loop3A_486 = arith.constant 0 : i32
        %parallel_loop3A_487 = arith.constant 7 : i32
        %parallel_loop3A_488 = arith.index_cast %parallel_loop3A_486 : i32 to index
        %parallel_loop3A_489 = arith.index_cast %parallel_loop3A_487 : i32 to index
        %parallel_loop3A_490 = arith.index_cast %parallel_loop3A_340 : i32 to index
        %parallel_loop3A_491 = tpu.vector_load %arg8[%parallel_loop3A_488, %parallel_loop3A_489, %parallel_loop3A_490] {strides = array<i32>} : memref<2x8x2048xf32, #tpu.memory_space<vmem>>, vector<1x1x16xf32>,
        %parallel_loop3A_492 = vector.shape_cast %parallel_loop3A_491 : vector<1x1x16xf32> to vector<16xf32>
        %parallel_loop3A_493 = arith.constant 0 : i32
        %parallel_loop3A_494 = arith.constant 7 : i32
        %parallel_loop3A_495 = arith.index_cast %parallel_loop3A_493 : i32 to index
        %parallel_loop3A_496 = arith.index_cast %parallel_loop3A_494 : i32 to index
        %parallel_loop3A_497 = arith.index_cast %parallel_loop3A_340 : i32 to index
        %parallel_loop3A_498 = tpu.vector_load %arg9[%parallel_loop3A_495, %parallel_loop3A_496, %parallel_loop3A_497] {strides = array<i32>} : memref<2x8x2048xf32, #tpu.memory_space<vmem>>, vector<1x1x16xf32>,
        %parallel_loop3A_499 = vector.shape_cast %parallel_loop3A_498 : vector<1x1x16xf32> to vector<16xf32>
        %parallel_loop3A_500 = arith.mulf %parallel_loop3A_492, %parallel_loop3A_499 : vector<16xf32>
        %parallel_loop3A_501 = arith.addf %parallel_loop3A_482, %parallel_loop3A_500 : vector<16xf32>
        %parallel_loop3A_502 = arith.addf %parallel_loop3A_483, %parallel_loop3A_499 : vector<16xf32>
        %parallel_loop3A_503 = arith.addf %parallel_loop3A_484, %parallel_loop3A_492 : vector<16xf32>
        %parallel_loop3A_504 = arith.maximumf %parallel_loop3A_485, %parallel_loop3A_499 : vector<16xf32>
        %parallel_loop3A_505 = arith.index_cast %parallel_loop3A_340 : i32 to index
        %parallel_loop3A_506 = tpu.vector_load %arg10[%parallel_loop3A_505] {strides = array<i32>} : memref<2048xf32, #tpu.memory_space<vmem>>, vector<16xf32>,
        %parallel_loop3A_507 = vector.shape_cast %parallel_loop3A_506 : vector<16xf32> to vector<16xf32>
        %parallel_loop3A_508 = vector.shape_cast %parallel_loop3A_501 : vector<16xf32> to vector<16xf32>
        tpu.vector_store %arg10[%parallel_loop3A_505], %parallel_loop3A_508 {strides = array<i32>} : memref<2048xf32, #tpu.memory_space<vmem>>, vector<16xf32>,
        %parallel_loop3A_509 = arith.index_cast %parallel_loop3A_340 : i32 to index
        %parallel_loop3A_510 = tpu.vector_load %arg11[%parallel_loop3A_509] {strides = array<i32>} : memref<2048xf32, #tpu.memory_space<vmem>>, vector<16xf32>,
        %parallel_loop3A_511 = vector.shape_cast %parallel_loop3A_510 : vector<16xf32> to vector<16xf32>
        %parallel_loop3A_512 = vector.shape_cast %parallel_loop3A_502 : vector<16xf32> to vector<16xf32>
        tpu.vector_store %arg11[%parallel_loop3A_509], %parallel_loop3A_512 {strides = array<i32>} : memref<2048xf32, #tpu.memory_space<vmem>>, vector<16xf32>,
        %parallel_loop3A_513 = arith.index_cast %parallel_loop3A_340 : i32 to index
        %parallel_loop3A_514 = tpu.vector_load %arg12[%parallel_loop3A_513] {strides = array<i32>} : memref<2048xf32, #tpu.memory_space<vmem>>, vector<16xf32>,
        %parallel_loop3A_515 = vector.shape_cast %parallel_loop3A_514 : vector<16xf32> to vector<16xf32>
        %parallel_loop3A_516 = vector.shape_cast %parallel_loop3A_503 : vector<16xf32> to vector<16xf32>
        tpu.vector_store %arg12[%parallel_loop3A_513], %parallel_loop3A_516 {strides = array<i32>} : memref<2048xf32, #tpu.memory_space<vmem>>, vector<16xf32>,
        %parallel_loop3A_517 = arith.index_cast %parallel_loop3A_340 : i32 to index
        %parallel_loop3A_518 = tpu.vector_load %arg13[%parallel_loop3A_517] {strides = array<i32>} : memref<2048xf32, #tpu.memory_space<vmem>>, vector<16xf32>,
        %parallel_loop3A_519 = vector.shape_cast %parallel_loop3A_518 : vector<16xf32> to vector<16xf32>
        %parallel_loop3A_520 = vector.shape_cast %parallel_loop3A_504 : vector<16xf32> to vector<16xf32>
        tpu.vector_store %arg13[%parallel_loop3A_517], %parallel_loop3A_520 {strides = array<i32>} : memref<2048xf32, #tpu.memory_space<vmem>>, vector<16xf32>,
      } {sc.loop_unroll_factor = 2 : i64, sc.parallel_access}
      %add3A_225 = arith.constant 2 : i32
      %add3A_226 = arith.addi %mul3A_187, %add3A_225 : i32
      %mul3A_227 = arith.constant 8 : i32
      %mul3A_228 = arith.muli %add3A_226, %mul3A_227 : i32
      %add3A_229 = arith.addi %add3A_34, %mul3A_228 : i32
      %dma_start3A_230 = arith.constant 0 : i32
      %dma_start3A_231 = arith.constant 0 : i32
      %dma_start3A_232 = arith.constant 0 : i32
      %dma_start3A_233 = tpu.memref_slice %arg8[%dma_start3A_230, %dma_start3A_231, %dma_start3A_232] : memref<2x8x2048xf32, #tpu.memory_space<vmem>> -> memref<1x8x2048xf32, #tpu.memory_space<vmem>>
      %dma_start3A_234 = tpu.memref_squeeze %dma_start3A_233 : memref<1x8x2048xf32, #tpu.memory_space<vmem>> -> memref<8x2048xf32, #tpu.memory_space<vmem>>
      %dma_start3A_235 = arith.constant 0 : i32
      %dma_start3A_236 = tpu.memref_slice %arg2[%select_n3A, %add3A_229, %dma_start3A_235] : memref<4x4096x2048xf32, #tpu.memory_space<hbm>> -> memref<1x8x2048xf32, #tpu.memory_space<hbm>>
      %dma_start3A_237 = tpu.memref_squeeze %dma_start3A_236 : memref<1x8x2048xf32, #tpu.memory_space<hbm>> -> memref<8x2048xf32, #tpu.memory_space<hbm>>
      %dma_start3A_238 = arith.constant 0 : i32
      %dma_start3A_239 = arith.constant 0 : i32
      %dma_start3A_240 = tpu.memref_slice %arg8[%dma_start3A_230, %dma_start3A_238, %dma_start3A_239] : memref<2x8x2048xf32, #tpu.memory_space<vmem>> -> memref<1x8x2048xf32, #tpu.memory_space<vmem>>
      %dma_start3A_241 = tpu.memref_squeeze %dma_start3A_240 : memref<1x8x2048xf32, #tpu.memory_space<vmem>> -> memref<8x2048xf32, #tpu.memory_space<vmem>>
      %dma_start3A_242 = arith.constant 0 : i32
      %dma_start3A_243 = tpu.memref_slice %arg2[%select_n3A, %add3A_229, %dma_start3A_242] : memref<4x4096x2048xf32, #tpu.memory_space<hbm>> -> memref<1x8x2048xf32, #tpu.memory_space<hbm>>
      %dma_start3A_244 = tpu.memref_squeeze %dma_start3A_243 : memref<1x8x2048xf32, #tpu.memory_space<hbm>> -> memref<8x2048xf32, #tpu.memory_space<hbm>>
      tpu.enqueue_dma source(%dma_start3A_244 : memref<8x2048xf32, #tpu.memory_space<hbm>>) target(%dma_start3A_241 : memref<8x2048xf32, #tpu.memory_space<vmem>>) target_semaphore(%arg14 : memref<!tpu.dma_semaphore, #tpu.memory_space<semaphore_mem>>)
      %mul3A_245 = arith.constant 8 : i32
      %mul3A_246 = arith.muli %add3A_226, %mul3A_245 : i32
      %add3A_247 = arith.addi %add3A_34, %mul3A_246 : i32
      %dma_start3A_248 = arith.constant 0 : i32
      %dma_start3A_249 = arith.constant 0 : i32
      %dma_start3A_250 = arith.constant 0 : i32
      %dma_start3A_251 = tpu.memref_slice %arg9[%dma_start3A_248, %dma_start3A_249, %dma_start3A_250] : memref<2x8x2048xf32, #tpu.memory_space<vmem>> -> memref<1x8x2048xf32, #tpu.memory_space<vmem>>
      %dma_start3A_252 = tpu.memref_squeeze %dma_start3A_251 : memref<1x8x2048xf32, #tpu.memory_space<vmem>> -> memref<8x2048xf32, #tpu.memory_space<vmem>>
      %dma_start3A_253 = arith.constant 0 : i32
      %dma_start3A_254 = tpu.memref_slice %arg3[%select_n3A, %add3A_247, %dma_start3A_253] : memref<4x4096x2048xf32, #tpu.memory_space<hbm>> -> memref<1x8x2048xf32, #tpu.memory_space<hbm>>
      %dma_start3A_255 = tpu.memref_squeeze %dma_start3A_254 : memref<1x8x2048xf32, #tpu.memory_space<hbm>> -> memref<8x2048xf32, #tpu.memory_space<hbm>>
      %dma_start3A_256 = arith.constant 0 : i32
      %dma_start3A_257 = arith.constant 0 : i32
      %dma_start3A_258 = tpu.memref_slice %arg9[%dma_start3A_248, %dma_start3A_256, %dma_start3A_257] : memref<2x8x2048xf32, #tpu.memory_space<vmem>> -> memref<1x8x2048xf32, #tpu.memory_space<vmem>>
      %dma_start3A_259 = tpu.memref_squeeze %dma_start3A_258 : memref<1x8x2048xf32, #tpu.memory_space<vmem>> -> memref<8x2048xf32, #tpu.memory_space<vmem>>
      %dma_start3A_260 = arith.constant 0 : i32
      %dma_start3A_261 = tpu.memref_slice %arg3[%select_n3A, %add3A_247, %dma_start3A_260] : memref<4x4096x2048xf32, #tpu.memory_space<hbm>> -> memref<1x8x2048xf32, #tpu.memory_space<hbm>>
      %dma_start3A_262 = tpu.memref_squeeze %dma_start3A_261 : memref<1x8x2048xf32, #tpu.memory_space<hbm>> -> memref<8x2048xf32, #tpu.memory_space<hbm>>
      tpu.enqueue_dma source(%dma_start3A_262 : memref<8x2048xf32, #tpu.memory_space<hbm>>) target(%dma_start3A_259 : memref<8x2048xf32, #tpu.memory_space<vmem>>) target_semaphore(%arg16 : memref<!tpu.dma_semaphore, #tpu.memory_space<semaphore_mem>>)
      %add3A_263 = arith.constant 0 : i32
      %add3A_264 = arith.addi %add3A_34, %add3A_263 : i32
      %dma_wait3A_265 = arith.constant 1 : i32
      %dma_wait3A_266 = arith.constant 0 : i32
      %dma_wait3A_267 = arith.constant 0 : i32
      %dma_wait3A_268 = tpu.memref_slice %arg8[%dma_wait3A_265, %dma_wait3A_266, %dma_wait3A_267] : memref<2x8x2048xf32, #tpu.memory_space<vmem>> -> memref<1x8x2048xf32, #tpu.memory_space<vmem>>
      %dma_wait3A_269 = tpu.memref_squeeze %dma_wait3A_268 : memref<1x8x2048xf32, #tpu.memory_space<vmem>> -> memref<8x2048xf32, #tpu.memory_space<vmem>>
      %dma_wait3A_270 = arith.constant 0 : i32
      %dma_wait3A_271 = tpu.memref_slice %arg2[%select_n3A, %add3A_264, %dma_wait3A_270] : memref<4x4096x2048xf32, #tpu.memory_space<hbm>> -> memref<1x8x2048xf32, #tpu.memory_space<hbm>>
      %dma_wait3A_272 = tpu.memref_squeeze %dma_wait3A_271 : memref<1x8x2048xf32, #tpu.memory_space<hbm>> -> memref<8x2048xf32, #tpu.memory_space<hbm>>
      %dma_wait3A_273 = arith.constant 0 : i32
      %dma_wait3A_274 = arith.constant 0 : i32
      %dma_wait3A_275 = tpu.memref_slice %arg8[%dma_wait3A_265, %dma_wait3A_273, %dma_wait3A_274] : memref<2x8x2048xf32, #tpu.memory_space<vmem>> -> memref<1x8x2048xf32, #tpu.memory_space<vmem>>
      %dma_wait3A_276 = tpu.memref_squeeze %dma_wait3A_275 : memref<1x8x2048xf32, #tpu.memory_space<vmem>> -> memref<8x2048xf32, #tpu.memory_space<vmem>>
      %dma_wait3A_277 = arith.constant 0 : i32
      %dma_wait3A_278 = tpu.memref_slice %arg2[%select_n3A, %add3A_264, %dma_wait3A_277] : memref<4x4096x2048xf32, #tpu.memory_space<hbm>> -> memref<1x8x2048xf32, #tpu.memory_space<hbm>>
      %dma_wait3A_279 = tpu.memref_squeeze %dma_wait3A_278 : memref<1x8x2048xf32, #tpu.memory_space<hbm>> -> memref<8x2048xf32, #tpu.memory_space<hbm>>
      tpu.wait_dma2 semaphore(%arg15 : memref<!tpu.dma_semaphore, #tpu.memory_space<semaphore_mem>>) src(%dma_wait3A_279 : memref<8x2048xf32, #tpu.memory_space<hbm>>) dst(%dma_wait3A_276 : memref<8x2048xf32, #tpu.memory_space<vmem>>)
      %add3A_280 = arith.constant 0 : i32
      %add3A_281 = arith.addi %add3A_34, %add3A_280 : i32
      %dma_wait3A_282 = arith.constant 1 : i32
      %dma_wait3A_283 = arith.constant 0 : i32
      %dma_wait3A_284 = arith.constant 0 : i32
      %dma_wait3A_285 = tpu.memref_slice %arg9[%dma_wait3A_282, %dma_wait3A_283, %dma_wait3A_284] : memref<2x8x2048xf32, #tpu.memory_space<vmem>> -> memref<1x8x2048xf32, #tpu.memory_space<vmem>>
      %dma_wait3A_286 = tpu.memref_squeeze %dma_wait3A_285 : memref<1x8x2048xf32, #tpu.memory_space<vmem>> -> memref<8x2048xf32, #tpu.memory_space<vmem>>
      %dma_wait3A_287 = arith.constant 0 : i32
      %dma_wait3A_288 = tpu.memref_slice %arg3[%select_n3A, %add3A_281, %dma_wait3A_287] : memref<4x4096x2048xf32, #tpu.memory_space<hbm>> -> memref<1x8x2048xf32, #tpu.memory_space<hbm>>
      %dma_wait3A_289 = tpu.memref_squeeze %dma_wait3A_288 : memref<1x8x2048xf32, #tpu.memory_space<hbm>> -> memref<8x2048xf32, #tpu.memory_space<hbm>>
      %dma_wait3A_290 = arith.constant 0 : i32
      %dma_wait3A_291 = arith.constant 0 : i32
      %dma_wait3A_292 = tpu.memref_slice %arg9[%dma_wait3A_282, %dma_wait3A_290, %dma_wait3A_291] : memref<2x8x2048xf32, #tpu.memory_space<vmem>> -> memref<1x8x2048xf32, #tpu.memory_space<vmem>>
      %dma_wait3A_293 = tpu.memref_squeeze %dma_wait3A_292 : memref<1x8x2048xf32, #tpu.memory_space<vmem>> -> memref<8x2048xf32, #tpu.memory_space<vmem>>
      %dma_wait3A_294 = arith.constant 0 : i32
      %dma_wait3A_295 = tpu.memref_slice %arg3[%select_n3A, %add3A_281, %dma_wait3A_294] : memref<4x4096x2048xf32, #tpu.memory_space<hbm>> -> memref<1x8x2048xf32, #tpu.memory_space<hbm>>
      %dma_wait3A_296 = tpu.memref_squeeze %dma_wait3A_295 : memref<1x8x2048xf32, #tpu.memory_space<hbm>> -> memref<8x2048xf32, #tpu.memory_space<hbm>>
      tpu.wait_dma2 semaphore(%arg17 : memref<!tpu.dma_semaphore, #tpu.memory_space<semaphore_mem>>) src(%dma_wait3A_296 : memref<8x2048xf32, #tpu.memory_space<hbm>>) dst(%dma_wait3A_293 : memref<8x2048xf32, #tpu.memory_space<vmem>>)
      %parallel_loop3A_297 = arith.constant 0 : i32
      %parallel_loop3A_298 = arith.constant 128 : i32
      %parallel_loop3A_299 = arith.constant 1 : i32
      scf.for %parallel_loop3A_338 = %parallel_loop3A_297 to %parallel_loop3A_298 step %parallel_loop3A_299  : i32 {
        %parallel_loop3A_339 = arith.constant 16 : i32
        %parallel_loop3A_340 = arith.muli %parallel_loop3A_338, %parallel_loop3A_339 : i32
        %parallel_loop3A_341 = arith.index_cast %parallel_loop3A_340 : i32 to index
        %parallel_loop3A_342 = tpu.vector_load %arg10[%parallel_loop3A_341] {strides = array<i32>} : memref<2048xf32, #tpu.memory_space<vmem>>, vector<16xf32>,
        %parallel_loop3A_343 = vector.shape_cast %parallel_loop3A_342 : vector<16xf32> to vector<16xf32>
        %parallel_loop3A_344 = arith.index_cast %parallel_loop3A_340 : i32 to index
        %parallel_loop3A_345 = tpu.vector_load %arg11[%parallel_loop3A_344] {strides = array<i32>} : memref<2048xf32, #tpu.memory_space<vmem>>, vector<16xf32>,
        %parallel_loop3A_346 = vector.shape_cast %parallel_loop3A_345 : vector<16xf32> to vector<16xf32>
        %parallel_loop3A_347 = arith.index_cast %parallel_loop3A_340 : i32 to index
        %parallel_loop3A_348 = tpu.vector_load %arg12[%parallel_loop3A_347] {strides = array<i32>} : memref<2048xf32, #tpu.memory_space<vmem>>, vector<16xf32>,
        %parallel_loop3A_349 = vector.shape_cast %parallel_loop3A_348 : vector<16xf32> to vector<16xf32>
        %parallel_loop3A_350 = arith.index_cast %parallel_loop3A_340 : i32 to index
        %parallel_loop3A_351 = tpu.vector_load %arg13[%parallel_loop3A_350] {strides = array<i32>} : memref<2048xf32, #tpu.memory_space<vmem>>, vector<16xf32>,
        %parallel_loop3A_352 = vector.shape_cast %parallel_loop3A_351 : vector<16xf32> to vector<16xf32>
        %parallel_loop3A_353 = arith.constant 1 : i32
        %parallel_loop3A_354 = arith.constant 0 : i32
        %parallel_loop3A_355 = arith.index_cast %parallel_loop3A_353 : i32 to index
        %parallel_loop3A_356 = arith.index_cast %parallel_loop3A_354 : i32 to index
        %parallel_loop3A_357 = arith.index_cast %parallel_loop3A_340 : i32 to index
        %parallel_loop3A_358 = tpu.vector_load %arg8[%parallel_loop3A_355, %parallel_loop3A_356, %parallel_loop3A_357] {strides = array<i32>} : memref<2x8x2048xf32, #tpu.memory_space<vmem>>, vector<1x1x16xf32>,
        %parallel_loop3A_359 = vector.shape_cast %parallel_loop3A_358 : vector<1x1x16xf32> to vector<16xf32>
        %parallel_loop3A_360 = arith.constant 1 : i32
        %parallel_loop3A_361 = arith.constant 0 : i32
        %parallel_loop3A_362 = arith.index_cast %parallel_loop3A_360 : i32 to index
        %parallel_loop3A_363 = arith.index_cast %parallel_loop3A_361 : i32 to index
        %parallel_loop3A_364 = arith.index_cast %parallel_loop3A_340 : i32 to index
        %parallel_loop3A_365 = tpu.vector_load %arg9[%parallel_loop3A_362, %parallel_loop3A_363, %parallel_loop3A_364] {strides = array<i32>} : memref<2x8x2048xf32, #tpu.memory_space<vmem>>, vector<1x1x16xf32>,
        %parallel_loop3A_366 = vector.shape_cast %parallel_loop3A_365 : vector<1x1x16xf32> to vector<16xf32>
        %parallel_loop3A_367 = arith.mulf %parallel_loop3A_359, %parallel_loop3A_366 : vector<16xf32>
        %parallel_loop3A_368 = arith.addf %parallel_loop3A_343, %parallel_loop3A_367 : vector<16xf32>
        %parallel_loop3A_369 = arith.addf %parallel_loop3A_346, %parallel_loop3A_366 : vector<16xf32>
        %parallel_loop3A_370 = arith.addf %parallel_loop3A_349, %parallel_loop3A_359 : vector<16xf32>
        %parallel_loop3A_371 = arith.maximumf %parallel_loop3A_352, %parallel_loop3A_366 : vector<16xf32>
        %parallel_loop3A_372 = arith.constant 1 : i32
        %parallel_loop3A_373 = arith.constant 1 : i32
        %parallel_loop3A_374 = arith.index_cast %parallel_loop3A_372 : i32 to index
        %parallel_loop3A_375 = arith.index_cast %parallel_loop3A_373 : i32 to index
        %parallel_loop3A_376 = arith.index_cast %parallel_loop3A_340 : i32 to index
        %parallel_loop3A_377 = tpu.vector_load %arg8[%parallel_loop3A_374, %parallel_loop3A_375, %parallel_loop3A_376] {strides = array<i32>} : memref<2x8x2048xf32, #tpu.memory_space<vmem>>, vector<1x1x16xf32>,
        %parallel_loop3A_378 = vector.shape_cast %parallel_loop3A_377 : vector<1x1x16xf32> to vector<16xf32>
        %parallel_loop3A_379 = arith.constant 1 : i32
        %parallel_loop3A_380 = arith.constant 1 : i32
        %parallel_loop3A_381 = arith.index_cast %parallel_loop3A_379 : i32 to index
        %parallel_loop3A_382 = arith.index_cast %parallel_loop3A_380 : i32 to index
        %parallel_loop3A_383 = arith.index_cast %parallel_loop3A_340 : i32 to index
        %parallel_loop3A_384 = tpu.vector_load %arg9[%parallel_loop3A_381, %parallel_loop3A_382, %parallel_loop3A_383] {strides = array<i32>} : memref<2x8x2048xf32, #tpu.memory_space<vmem>>, vector<1x1x16xf32>,
        %parallel_loop3A_385 = vector.shape_cast %parallel_loop3A_384 : vector<1x1x16xf32> to vector<16xf32>
        %parallel_loop3A_386 = arith.mulf %parallel_loop3A_378, %parallel_loop3A_385 : vector<16xf32>
        %parallel_loop3A_387 = arith.addf %parallel_loop3A_368, %parallel_loop3A_386 : vector<16xf32>
        %parallel_loop3A_388 = arith.addf %parallel_loop3A_369, %parallel_loop3A_385 : vector<16xf32>
        %parallel_loop3A_389 = arith.addf %parallel_loop3A_370, %parallel_loop3A_378 : vector<16xf32>
        %parallel_loop3A_390 = arith.maximumf %parallel_loop3A_371, %parallel_loop3A_385 : vector<16xf32>
        %parallel_loop3A_391 = arith.constant 1 : i32
        %parallel_loop3A_392 = arith.constant 2 : i32
        %parallel_loop3A_393 = arith.index_cast %parallel_loop3A_391 : i32 to index
        %parallel_loop3A_394 = arith.index_cast %parallel_loop3A_392 : i32 to index
        %parallel_loop3A_395 = arith.index_cast %parallel_loop3A_340 : i32 to index
        %parallel_loop3A_396 = tpu.vector_load %arg8[%parallel_loop3A_393, %parallel_loop3A_394, %parallel_loop3A_395] {strides = array<i32>} : memref<2x8x2048xf32, #tpu.memory_space<vmem>>, vector<1x1x16xf32>,
        %parallel_loop3A_397 = vector.shape_cast %parallel_loop3A_396 : vector<1x1x16xf32> to vector<16xf32>
        %parallel_loop3A_398 = arith.constant 1 : i32
        %parallel_loop3A_399 = arith.constant 2 : i32
        %parallel_loop3A_400 = arith.index_cast %parallel_loop3A_398 : i32 to index
        %parallel_loop3A_401 = arith.index_cast %parallel_loop3A_399 : i32 to index
        %parallel_loop3A_402 = arith.index_cast %parallel_loop3A_340 : i32 to index
        %parallel_loop3A_403 = tpu.vector_load %arg9[%parallel_loop3A_400, %parallel_loop3A_401, %parallel_loop3A_402] {strides = array<i32>} : memref<2x8x2048xf32, #tpu.memory_space<vmem>>, vector<1x1x16xf32>,
        %parallel_loop3A_404 = vector.shape_cast %parallel_loop3A_403 : vector<1x1x16xf32> to vector<16xf32>
        %parallel_loop3A_405 = arith.mulf %parallel_loop3A_397, %parallel_loop3A_404 : vector<16xf32>
        %parallel_loop3A_406 = arith.addf %parallel_loop3A_387, %parallel_loop3A_405 : vector<16xf32>
        %parallel_loop3A_407 = arith.addf %parallel_loop3A_388, %parallel_loop3A_404 : vector<16xf32>
        %parallel_loop3A_408 = arith.addf %parallel_loop3A_389, %parallel_loop3A_397 : vector<16xf32>
        %parallel_loop3A_409 = arith.maximumf %parallel_loop3A_390, %parallel_loop3A_404 : vector<16xf32>
        %parallel_loop3A_410 = arith.constant 1 : i32
        %parallel_loop3A_411 = arith.constant 3 : i32
        %parallel_loop3A_412 = arith.index_cast %parallel_loop3A_410 : i32 to index
        %parallel_loop3A_413 = arith.index_cast %parallel_loop3A_411 : i32 to index
        %parallel_loop3A_414 = arith.index_cast %parallel_loop3A_340 : i32 to index
        %parallel_loop3A_415 = tpu.vector_load %arg8[%parallel_loop3A_412, %parallel_loop3A_413, %parallel_loop3A_414] {strides = array<i32>} : memref<2x8x2048xf32, #tpu.memory_space<vmem>>, vector<1x1x16xf32>,
        %parallel_loop3A_416 = vector.shape_cast %parallel_loop3A_415 : vector<1x1x16xf32> to vector<16xf32>
        %parallel_loop3A_417 = arith.constant 1 : i32
        %parallel_loop3A_418 = arith.constant 3 : i32
        %parallel_loop3A_419 = arith.index_cast %parallel_loop3A_417 : i32 to index
        %parallel_loop3A_420 = arith.index_cast %parallel_loop3A_418 : i32 to index
        %parallel_loop3A_421 = arith.index_cast %parallel_loop3A_340 : i32 to index
        %parallel_loop3A_422 = tpu.vector_load %arg9[%parallel_loop3A_419, %parallel_loop3A_420, %parallel_loop3A_421] {strides = array<i32>} : memref<2x8x2048xf32, #tpu.memory_space<vmem>>, vector<1x1x16xf32>,
        %parallel_loop3A_423 = vector.shape_cast %parallel_loop3A_422 : vector<1x1x16xf32> to vector<16xf32>
        %parallel_loop3A_424 = arith.mulf %parallel_loop3A_416, %parallel_loop3A_423 : vector<16xf32>
        %parallel_loop3A_425 = arith.addf %parallel_loop3A_406, %parallel_loop3A_424 : vector<16xf32>
        %parallel_loop3A_426 = arith.addf %parallel_loop3A_407, %parallel_loop3A_423 : vector<16xf32>
        %parallel_loop3A_427 = arith.addf %parallel_loop3A_408, %parallel_loop3A_416 : vector<16xf32>
        %parallel_loop3A_428 = arith.maximumf %parallel_loop3A_409, %parallel_loop3A_423 : vector<16xf32>
        %parallel_loop3A_429 = arith.constant 1 : i32
        %parallel_loop3A_430 = arith.constant 4 : i32
        %parallel_loop3A_431 = arith.index_cast %parallel_loop3A_429 : i32 to index
        %parallel_loop3A_432 = arith.index_cast %parallel_loop3A_430 : i32 to index
        %parallel_loop3A_433 = arith.index_cast %parallel_loop3A_340 : i32 to index
        %parallel_loop3A_434 = tpu.vector_load %arg8[%parallel_loop3A_431, %parallel_loop3A_432, %parallel_loop3A_433] {strides = array<i32>} : memref<2x8x2048xf32, #tpu.memory_space<vmem>>, vector<1x1x16xf32>,
        %parallel_loop3A_435 = vector.shape_cast %parallel_loop3A_434 : vector<1x1x16xf32> to vector<16xf32>
        %parallel_loop3A_436 = arith.constant 1 : i32
        %parallel_loop3A_437 = arith.constant 4 : i32
        %parallel_loop3A_438 = arith.index_cast %parallel_loop3A_436 : i32 to index
        %parallel_loop3A_439 = arith.index_cast %parallel_loop3A_437 : i32 to index
        %parallel_loop3A_440 = arith.index_cast %parallel_loop3A_340 : i32 to index
        %parallel_loop3A_441 = tpu.vector_load %arg9[%parallel_loop3A_438, %parallel_loop3A_439, %parallel_loop3A_440] {strides = array<i32>} : memref<2x8x2048xf32, #tpu.memory_space<vmem>>, vector<1x1x16xf32>,
        %parallel_loop3A_442 = vector.shape_cast %parallel_loop3A_441 : vector<1x1x16xf32> to vector<16xf32>
        %parallel_loop3A_443 = arith.mulf %parallel_loop3A_435, %parallel_loop3A_442 : vector<16xf32>
        %parallel_loop3A_444 = arith.addf %parallel_loop3A_425, %parallel_loop3A_443 : vector<16xf32>
        %parallel_loop3A_445 = arith.addf %parallel_loop3A_426, %parallel_loop3A_442 : vector<16xf32>
        %parallel_loop3A_446 = arith.addf %parallel_loop3A_427, %parallel_loop3A_435 : vector<16xf32>
        %parallel_loop3A_447 = arith.maximumf %parallel_loop3A_428, %parallel_loop3A_442 : vector<16xf32>
        %parallel_loop3A_448 = arith.constant 1 : i32
        %parallel_loop3A_449 = arith.constant 5 : i32
        %parallel_loop3A_450 = arith.index_cast %parallel_loop3A_448 : i32 to index
        %parallel_loop3A_451 = arith.index_cast %parallel_loop3A_449 : i32 to index
        %parallel_loop3A_452 = arith.index_cast %parallel_loop3A_340 : i32 to index
        %parallel_loop3A_453 = tpu.vector_load %arg8[%parallel_loop3A_450, %parallel_loop3A_451, %parallel_loop3A_452] {strides = array<i32>} : memref<2x8x2048xf32, #tpu.memory_space<vmem>>, vector<1x1x16xf32>,
        %parallel_loop3A_454 = vector.shape_cast %parallel_loop3A_453 : vector<1x1x16xf32> to vector<16xf32>
        %parallel_loop3A_455 = arith.constant 1 : i32
        %parallel_loop3A_456 = arith.constant 5 : i32
        %parallel_loop3A_457 = arith.index_cast %parallel_loop3A_455 : i32 to index
        %parallel_loop3A_458 = arith.index_cast %parallel_loop3A_456 : i32 to index
        %parallel_loop3A_459 = arith.index_cast %parallel_loop3A_340 : i32 to index
        %parallel_loop3A_460 = tpu.vector_load %arg9[%parallel_loop3A_457, %parallel_loop3A_458, %parallel_loop3A_459] {strides = array<i32>} : memref<2x8x2048xf32, #tpu.memory_space<vmem>>, vector<1x1x16xf32>,
        %parallel_loop3A_461 = vector.shape_cast %parallel_loop3A_460 : vector<1x1x16xf32> to vector<16xf32>
        %parallel_loop3A_462 = arith.mulf %parallel_loop3A_454, %parallel_loop3A_461 : vector<16xf32>
        %parallel_loop3A_463 = arith.addf %parallel_loop3A_444, %parallel_loop3A_462 : vector<16xf32>
        %parallel_loop3A_464 = arith.addf %parallel_loop3A_445, %parallel_loop3A_461 : vector<16xf32>
        %parallel_loop3A_465 = arith.addf %parallel_loop3A_446, %parallel_loop3A_454 : vector<16xf32>
        %parallel_loop3A_466 = arith.maximumf %parallel_loop3A_447, %parallel_loop3A_461 : vector<16xf32>
        %parallel_loop3A_467 = arith.constant 1 : i32
        %parallel_loop3A_468 = arith.constant 6 : i32
        %parallel_loop3A_469 = arith.index_cast %parallel_loop3A_467 : i32 to index
        %parallel_loop3A_470 = arith.index_cast %parallel_loop3A_468 : i32 to index
        %parallel_loop3A_471 = arith.index_cast %parallel_loop3A_340 : i32 to index
        %parallel_loop3A_472 = tpu.vector_load %arg8[%parallel_loop3A_469, %parallel_loop3A_470, %parallel_loop3A_471] {strides = array<i32>} : memref<2x8x2048xf32, #tpu.memory_space<vmem>>, vector<1x1x16xf32>,
        %parallel_loop3A_473 = vector.shape_cast %parallel_loop3A_472 : vector<1x1x16xf32> to vector<16xf32>
        %parallel_loop3A_474 = arith.constant 1 : i32
        %parallel_loop3A_475 = arith.constant 6 : i32
        %parallel_loop3A_476 = arith.index_cast %parallel_loop3A_474 : i32 to index
        %parallel_loop3A_477 = arith.index_cast %parallel_loop3A_475 : i32 to index
        %parallel_loop3A_478 = arith.index_cast %parallel_loop3A_340 : i32 to index
        %parallel_loop3A_479 = tpu.vector_load %arg9[%parallel_loop3A_476, %parallel_loop3A_477, %parallel_loop3A_478] {strides = array<i32>} : memref<2x8x2048xf32, #tpu.memory_space<vmem>>, vector<1x1x16xf32>,
        %parallel_loop3A_480 = vector.shape_cast %parallel_loop3A_479 : vector<1x1x16xf32> to vector<16xf32>
        %parallel_loop3A_481 = arith.mulf %parallel_loop3A_473, %parallel_loop3A_480 : vector<16xf32>
        %parallel_loop3A_482 = arith.addf %parallel_loop3A_463, %parallel_loop3A_481 : vector<16xf32>
        %parallel_loop3A_483 = arith.addf %parallel_loop3A_464, %parallel_loop3A_480 : vector<16xf32>
        %parallel_loop3A_484 = arith.addf %parallel_loop3A_465, %parallel_loop3A_473 : vector<16xf32>
        %parallel_loop3A_485 = arith.maximumf %parallel_loop3A_466, %parallel_loop3A_480 : vector<16xf32>
        %parallel_loop3A_486 = arith.constant 1 : i32
        %parallel_loop3A_487 = arith.constant 7 : i32
        %parallel_loop3A_488 = arith.index_cast %parallel_loop3A_486 : i32 to index
        %parallel_loop3A_489 = arith.index_cast %parallel_loop3A_487 : i32 to index
        %parallel_loop3A_490 = arith.index_cast %parallel_loop3A_340 : i32 to index
        %parallel_loop3A_491 = tpu.vector_load %arg8[%parallel_loop3A_488, %parallel_loop3A_489, %parallel_loop3A_490] {strides = array<i32>} : memref<2x8x2048xf32, #tpu.memory_space<vmem>>, vector<1x1x16xf32>,
        %parallel_loop3A_492 = vector.shape_cast %parallel_loop3A_491 : vector<1x1x16xf32> to vector<16xf32>
        %parallel_loop3A_493 = arith.constant 1 : i32
        %parallel_loop3A_494 = arith.constant 7 : i32
        %parallel_loop3A_495 = arith.index_cast %parallel_loop3A_493 : i32 to index
        %parallel_loop3A_496 = arith.index_cast %parallel_loop3A_494 : i32 to index
        %parallel_loop3A_497 = arith.index_cast %parallel_loop3A_340 : i32 to index
        %parallel_loop3A_498 = tpu.vector_load %arg9[%parallel_loop3A_495, %parallel_loop3A_496, %parallel_loop3A_497] {strides = array<i32>} : memref<2x8x2048xf32, #tpu.memory_space<vmem>>, vector<1x1x16xf32>,
        %parallel_loop3A_499 = vector.shape_cast %parallel_loop3A_498 : vector<1x1x16xf32> to vector<16xf32>
        %parallel_loop3A_500 = arith.mulf %parallel_loop3A_492, %parallel_loop3A_499 : vector<16xf32>
        %parallel_loop3A_501 = arith.addf %parallel_loop3A_482, %parallel_loop3A_500 : vector<16xf32>
        %parallel_loop3A_502 = arith.addf %parallel_loop3A_483, %parallel_loop3A_499 : vector<16xf32>
        %parallel_loop3A_503 = arith.addf %parallel_loop3A_484, %parallel_loop3A_492 : vector<16xf32>
        %parallel_loop3A_504 = arith.maximumf %parallel_loop3A_485, %parallel_loop3A_499 : vector<16xf32>
        %parallel_loop3A_505 = arith.index_cast %parallel_loop3A_340 : i32 to index
        %parallel_loop3A_506 = tpu.vector_load %arg10[%parallel_loop3A_505] {strides = array<i32>} : memref<2048xf32, #tpu.memory_space<vmem>>, vector<16xf32>,
        %parallel_loop3A_507 = vector.shape_cast %parallel_loop3A_506 : vector<16xf32> to vector<16xf32>
        %parallel_loop3A_508 = vector.shape_cast %parallel_loop3A_501 : vector<16xf32> to vector<16xf32>
        tpu.vector_store %arg10[%parallel_loop3A_505], %parallel_loop3A_508 {strides = array<i32>} : memref<2048xf32, #tpu.memory_space<vmem>>, vector<16xf32>,
        %parallel_loop3A_509 = arith.index_cast %parallel_loop3A_340 : i32 to index
        %parallel_loop3A_510 = tpu.vector_load %arg11[%parallel_loop3A_509] {strides = array<i32>} : memref<2048xf32, #tpu.memory_space<vmem>>, vector<16xf32>,
        %parallel_loop3A_511 = vector.shape_cast %parallel_loop3A_510 : vector<16xf32> to vector<16xf32>
        %parallel_loop3A_512 = vector.shape_cast %parallel_loop3A_502 : vector<16xf32> to vector<16xf32>
        tpu.vector_store %arg11[%parallel_loop3A_509], %parallel_loop3A_512 {strides = array<i32>} : memref<2048xf32, #tpu.memory_space<vmem>>, vector<16xf32>,
        %parallel_loop3A_513 = arith.index_cast %parallel_loop3A_340 : i32 to index
        %parallel_loop3A_514 = tpu.vector_load %arg12[%parallel_loop3A_513] {strides = array<i32>} : memref<2048xf32, #tpu.memory_space<vmem>>, vector<16xf32>,
        %parallel_loop3A_515 = vector.shape_cast %parallel_loop3A_514 : vector<16xf32> to vector<16xf32>
        %parallel_loop3A_516 = vector.shape_cast %parallel_loop3A_503 : vector<16xf32> to vector<16xf32>
        tpu.vector_store %arg12[%parallel_loop3A_513], %parallel_loop3A_516 {strides = array<i32>} : memref<2048xf32, #tpu.memory_space<vmem>>, vector<16xf32>,
        %parallel_loop3A_517 = arith.index_cast %parallel_loop3A_340 : i32 to index
        %parallel_loop3A_518 = tpu.vector_load %arg13[%parallel_loop3A_517] {strides = array<i32>} : memref<2048xf32, #tpu.memory_space<vmem>>, vector<16xf32>,
        %parallel_loop3A_519 = vector.shape_cast %parallel_loop3A_518 : vector<16xf32> to vector<16xf32>
        %parallel_loop3A_520 = vector.shape_cast %parallel_loop3A_504 : vector<16xf32> to vector<16xf32>
        tpu.vector_store %arg13[%parallel_loop3A_517], %parallel_loop3A_520 {strides = array<i32>} : memref<2048xf32, #tpu.memory_space<vmem>>, vector<16xf32>,
      } {sc.loop_unroll_factor = 2 : i64, sc.parallel_access}
      %add3A_300 = arith.constant 3 : i32
      %add3A_301 = arith.addi %mul3A_187, %add3A_300 : i32
      %mul3A_302 = arith.constant 8 : i32
      %mul3A_303 = arith.muli %add3A_301, %mul3A_302 : i32
      %add3A_304 = arith.addi %add3A_34, %mul3A_303 : i32
      %dma_start3A_305 = arith.constant 1 : i32
      %dma_start3A_306 = arith.constant 0 : i32
      %dma_start3A_307 = arith.constant 0 : i32
      %dma_start3A_308 = tpu.memref_slice %arg8[%dma_start3A_305, %dma_start3A_306, %dma_start3A_307] : memref<2x8x2048xf32, #tpu.memory_space<vmem>> -> memref<1x8x2048xf32, #tpu.memory_space<vmem>>
      %dma_start3A_309 = tpu.memref_squeeze %dma_start3A_308 : memref<1x8x2048xf32, #tpu.memory_space<vmem>> -> memref<8x2048xf32, #tpu.memory_space<vmem>>
      %dma_start3A_310 = arith.constant 0 : i32
      %dma_start3A_311 = tpu.memref_slice %arg2[%select_n3A, %add3A_304, %dma_start3A_310] : memref<4x4096x2048xf32, #tpu.memory_space<hbm>> -> memref<1x8x2048xf32, #tpu.memory_space<hbm>>
      %dma_start3A_312 = tpu.memref_squeeze %dma_start3A_311 : memref<1x8x2048xf32, #tpu.memory_space<hbm>> -> memref<8x2048xf32, #tpu.memory_space<hbm>>
      %dma_start3A_313 = arith.constant 0 : i32
      %dma_start3A_314 = arith.constant 0 : i32
      %dma_start3A_315 = tpu.memref_slice %arg8[%dma_start3A_305, %dma_start3A_313, %dma_start3A_314] : memref<2x8x2048xf32, #tpu.memory_space<vmem>> -> memref<1x8x2048xf32, #tpu.memory_space<vmem>>
      %dma_start3A_316 = tpu.memref_squeeze %dma_start3A_315 : memref<1x8x2048xf32, #tpu.memory_space<vmem>> -> memref<8x2048xf32, #tpu.memory_space<vmem>>
      %dma_start3A_317 = arith.constant 0 : i32
      %dma_start3A_318 = tpu.memref_slice %arg2[%select_n3A, %add3A_304, %dma_start3A_317] : memref<4x4096x2048xf32, #tpu.memory_space<hbm>> -> memref<1x8x2048xf32, #tpu.memory_space<hbm>>
      %dma_start3A_319 = tpu.memref_squeeze %dma_start3A_318 : memref<1x8x2048xf32, #tpu.memory_space<hbm>> -> memref<8x2048xf32, #tpu.memory_space<hbm>>
      tpu.enqueue_dma source(%dma_start3A_319 : memref<8x2048xf32, #tpu.memory_space<hbm>>) target(%dma_start3A_316 : memref<8x2048xf32, #tpu.memory_space<vmem>>) target_semaphore(%arg15 : memref<!tpu.dma_semaphore, #tpu.memory_space<semaphore_mem>>)
      %mul3A_320 = arith.constant 8 : i32
      %mul3A_321 = arith.muli %add3A_301, %mul3A_320 : i32
      %add3A_322 = arith.addi %add3A_34, %mul3A_321 : i32
      %dma_start3A_323 = arith.constant 1 : i32
      %dma_start3A_324 = arith.constant 0 : i32
      %dma_start3A_325 = arith.constant 0 : i32
      %dma_start3A_326 = tpu.memref_slice %arg9[%dma_start3A_323, %dma_start3A_324, %dma_start3A_325] : memref<2x8x2048xf32, #tpu.memory_space<vmem>> -> memref<1x8x2048xf32, #tpu.memory_space<vmem>>
      %dma_start3A_327 = tpu.memref_squeeze %dma_start3A_326 : memref<1x8x2048xf32, #tpu.memory_space<vmem>> -> memref<8x2048xf32, #tpu.memory_space<vmem>>
      %dma_start3A_328 = arith.constant 0 : i32
      %dma_start3A_329 = tpu.memref_slice %arg3[%select_n3A, %add3A_322, %dma_start3A_328] : memref<4x4096x2048xf32, #tpu.memory_space<hbm>> -> memref<1x8x2048xf32, #tpu.memory_space<hbm>>
      %dma_start3A_330 = tpu.memref_squeeze %dma_start3A_329 : memref<1x8x2048xf32, #tpu.memory_space<hbm>> -> memref<8x2048xf32, #tpu.memory_space<hbm>>
      %dma_start3A_331 = arith.constant 0 : i32
      %dma_start3A_332 = arith.constant 0 : i32
      %dma_start3A_333 = tpu.memref_slice %arg9[%dma_start3A_323, %dma_start3A_331, %dma_start3A_332] : memref<2x8x2048xf32, #tpu.memory_space<vmem>> -> memref<1x8x2048xf32, #tpu.memory_space<vmem>>
      %dma_start3A_334 = tpu.memref_squeeze %dma_start3A_333 : memref<1x8x2048xf32, #tpu.memory_space<vmem>> -> memref<8x2048xf32, #tpu.memory_space<vmem>>
      %dma_start3A_335 = arith.constant 0 : i32
      %dma_start3A_336 = tpu.memref_slice %arg3[%select_n3A, %add3A_322, %dma_start3A_335] : memref<4x4096x2048xf32, #tpu.memory_space<hbm>> -> memref<1x8x2048xf32, #tpu.memory_space<hbm>>
      %dma_start3A_337 = tpu.memref_squeeze %dma_start3A_336 : memref<1x8x2048xf32, #tpu.memory_space<hbm>> -> memref<8x2048xf32, #tpu.memory_space<hbm>>
      tpu.enqueue_dma source(%dma_start3A_337 : memref<8x2048xf32, #tpu.memory_space<hbm>>) target(%dma_start3A_334 : memref<8x2048xf32, #tpu.memory_space<vmem>>) target_semaphore(%arg17 : memref<!tpu.dma_semaphore, #tpu.memory_space<semaphore_mem>>)
    }
    %scan3A_111 = arith.constant 5 : i32
    %add3A_112 = arith.constant 0 : i32
    %add3A_113 = arith.addi %add3A_34, %add3A_112 : i32
    %dma_wait3A = arith.constant 0 : i32
    %dma_wait3A_114 = arith.constant 0 : i32
    %dma_wait3A_115 = arith.constant 0 : i32
    %dma_wait3A_116 = tpu.memref_slice %arg8[%dma_wait3A, %dma_wait3A_114, %dma_wait3A_115] : memref<2x8x2048xf32, #tpu.memory_space<vmem>> -> memref<1x8x2048xf32, #tpu.memory_space<vmem>>
    %dma_wait3A_117 = tpu.memref_squeeze %dma_wait3A_116 : memref<1x8x2048xf32, #tpu.memory_space<vmem>> -> memref<8x2048xf32, #tpu.memory_space<vmem>>
    %dma_wait3A_118 = arith.constant 0 : i32
    %dma_wait3A_119 = tpu.memref_slice %arg2[%select_n3A, %add3A_113, %dma_wait3A_118] : memref<4x4096x2048xf32, #tpu.memory_space<hbm>> -> memref<1x8x2048xf32, #tpu.memory_space<hbm>>
    %dma_wait3A_120 = tpu.memref_squeeze %dma_wait3A_119 : memref<1x8x2048xf32, #tpu.memory_space<hbm>> -> memref<8x2048xf32, #tpu.memory_space<hbm>>
    %dma_wait3A_121 = arith.constant 0 : i32
    %dma_wait3A_122 = arith.constant 0 : i32
    %dma_wait3A_123 = tpu.memref_slice %arg8[%dma_wait3A, %dma_wait3A_121, %dma_wait3A_122] : memref<2x8x2048xf32, #tpu.memory_space<vmem>> -> memref<1x8x2048xf32, #tpu.memory_space<vmem>>
    %dma_wait3A_124 = tpu.memref_squeeze %dma_wait3A_123 : memref<1x8x2048xf32, #tpu.memory_space<vmem>> -> memref<8x2048xf32, #tpu.memory_space<vmem>>
    %dma_wait3A_125 = arith.constant 0 : i32
    %dma_wait3A_126 = tpu.memref_slice %arg2[%select_n3A, %add3A_113, %dma_wait3A_125] : memref<4x4096x2048xf32, #tpu.memory_space<hbm>> -> memref<1x8x2048xf32, #tpu.memory_space<hbm>>
    %dma_wait3A_127 = tpu.memref_squeeze %dma_wait3A_126 : memref<1x8x2048xf32, #tpu.memory_space<hbm>> -> memref<8x2048xf32, #tpu.memory_space<hbm>>
    tpu.wait_dma2 semaphore(%arg14 : memref<!tpu.dma_semaphore, #tpu.memory_space<semaphore_mem>>) src(%dma_wait3A_127 : memref<8x2048xf32, #tpu.memory_space<hbm>>) dst(%dma_wait3A_124 : memref<8x2048xf32, #tpu.memory_space<vmem>>)
    %add3A_128 = arith.constant 0 : i32
    %add3A_129 = arith.addi %add3A_34, %add3A_128 : i32
    %dma_wait3A_130 = arith.constant 0 : i32
    %dma_wait3A_131 = arith.constant 0 : i32
    %dma_wait3A_132 = arith.constant 0 : i32
    %dma_wait3A_133 = tpu.memref_slice %arg9[%dma_wait3A_130, %dma_wait3A_131, %dma_wait3A_132] : memref<2x8x2048xf32, #tpu.memory_space<vmem>> -> memref<1x8x2048xf32, #tpu.memory_space<vmem>>
    %dma_wait3A_134 = tpu.memref_squeeze %dma_wait3A_133 : memref<1x8x2048xf32, #tpu.memory_space<vmem>> -> memref<8x2048xf32, #tpu.memory_space<vmem>>
    %dma_wait3A_135 = arith.constant 0 : i32
    %dma_wait3A_136 = tpu.memref_slice %arg3[%select_n3A, %add3A_129, %dma_wait3A_135] : memref<4x4096x2048xf32, #tpu.memory_space<hbm>> -> memref<1x8x2048xf32, #tpu.memory_space<hbm>>
    %dma_wait3A_137 = tpu.memref_squeeze %dma_wait3A_136 : memref<1x8x2048xf32, #tpu.memory_space<hbm>> -> memref<8x2048xf32, #tpu.memory_space<hbm>>
    %dma_wait3A_138 = arith.constant 0 : i32
    %dma_wait3A_139 = arith.constant 0 : i32
    %dma_wait3A_140 = tpu.memref_slice %arg9[%dma_wait3A_130, %dma_wait3A_138, %dma_wait3A_139] : memref<2x8x2048xf32, #tpu.memory_space<vmem>> -> memref<1x8x2048xf32, #tpu.memory_space<vmem>>
    %dma_wait3A_141 = tpu.memref_squeeze %dma_wait3A_140 : memref<1x8x2048xf32, #tpu.memory_space<vmem>> -> memref<8x2048xf32, #tpu.memory_space<vmem>>
    %dma_wait3A_142 = arith.constant 0 : i32
    %dma_wait3A_143 = tpu.memref_slice %arg3[%select_n3A, %add3A_129, %dma_wait3A_142] : memref<4x4096x2048xf32, #tpu.memory_space<hbm>> -> memref<1x8x2048xf32, #tpu.memory_space<hbm>>
    %dma_wait3A_144 = tpu.memref_squeeze %dma_wait3A_143 : memref<1x8x2048xf32, #tpu.memory_space<hbm>> -> memref<8x2048xf32, #tpu.memory_space<hbm>>
    tpu.wait_dma2 semaphore(%arg16 : memref<!tpu.dma_semaphore, #tpu.memory_space<semaphore_mem>>) src(%dma_wait3A_144 : memref<8x2048xf32, #tpu.memory_space<hbm>>) dst(%dma_wait3A_141 : memref<8x2048xf32, #tpu.memory_space<vmem>>)
    %parallel_loop3A_145 = arith.constant 0 : i32
    %parallel_loop3A_146 = arith.constant 128 : i32
    %parallel_loop3A_147 = arith.constant 1 : i32
    scf.for %parallel_loop3A_185 = %parallel_loop3A_145 to %parallel_loop3A_146 step %parallel_loop3A_147  : i32 {
      %parallel_loop3A_186 = arith.constant 16 : i32
      %parallel_loop3A_187 = arith.muli %parallel_loop3A_185, %parallel_loop3A_186 : i32
      %parallel_loop3A_188 = arith.index_cast %parallel_loop3A_187 : i32 to index
      %parallel_loop3A_189 = tpu.vector_load %arg10[%parallel_loop3A_188] {strides = array<i32>} : memref<2048xf32, #tpu.memory_space<vmem>>, vector<16xf32>,
      %parallel_loop3A_190 = vector.shape_cast %parallel_loop3A_189 : vector<16xf32> to vector<16xf32>
      %parallel_loop3A_191 = arith.index_cast %parallel_loop3A_187 : i32 to index
      %parallel_loop3A_192 = tpu.vector_load %arg11[%parallel_loop3A_191] {strides = array<i32>} : memref<2048xf32, #tpu.memory_space<vmem>>, vector<16xf32>,
      %parallel_loop3A_193 = vector.shape_cast %parallel_loop3A_192 : vector<16xf32> to vector<16xf32>
      %parallel_loop3A_194 = arith.index_cast %parallel_loop3A_187 : i32 to index
      %parallel_loop3A_195 = tpu.vector_load %arg12[%parallel_loop3A_194] {strides = array<i32>} : memref<2048xf32, #tpu.memory_space<vmem>>, vector<16xf32>,
      %parallel_loop3A_196 = vector.shape_cast %parallel_loop3A_195 : vector<16xf32> to vector<16xf32>
      %parallel_loop3A_197 = arith.index_cast %parallel_loop3A_187 : i32 to index
      %parallel_loop3A_198 = tpu.vector_load %arg13[%parallel_loop3A_197] {strides = array<i32>} : memref<2048xf32, #tpu.memory_space<vmem>>, vector<16xf32>,
      %parallel_loop3A_199 = vector.shape_cast %parallel_loop3A_198 : vector<16xf32> to vector<16xf32>
      %parallel_loop3A_200 = arith.constant 0 : i32
      %parallel_loop3A_201 = arith.constant 0 : i32
      %parallel_loop3A_202 = arith.index_cast %parallel_loop3A_200 : i32 to index
      %parallel_loop3A_203 = arith.index_cast %parallel_loop3A_201 : i32 to index
      %parallel_loop3A_204 = arith.index_cast %parallel_loop3A_187 : i32 to index
      %parallel_loop3A_205 = tpu.vector_load %arg8[%parallel_loop3A_202, %parallel_loop3A_203, %parallel_loop3A_204] {strides = array<i32>} : memref<2x8x2048xf32, #tpu.memory_space<vmem>>, vector<1x1x16xf32>,
      %parallel_loop3A_206 = vector.shape_cast %parallel_loop3A_205 : vector<1x1x16xf32> to vector<16xf32>
      %parallel_loop3A_207 = arith.constant 0 : i32
      %parallel_loop3A_208 = arith.constant 0 : i32
      %parallel_loop3A_209 = arith.index_cast %parallel_loop3A_207 : i32 to index
      %parallel_loop3A_210 = arith.index_cast %parallel_loop3A_208 : i32 to index
      %parallel_loop3A_211 = arith.index_cast %parallel_loop3A_187 : i32 to index
      %parallel_loop3A_212 = tpu.vector_load %arg9[%parallel_loop3A_209, %parallel_loop3A_210, %parallel_loop3A_211] {strides = array<i32>} : memref<2x8x2048xf32, #tpu.memory_space<vmem>>, vector<1x1x16xf32>,
      %parallel_loop3A_213 = vector.shape_cast %parallel_loop3A_212 : vector<1x1x16xf32> to vector<16xf32>
      %parallel_loop3A_214 = arith.mulf %parallel_loop3A_206, %parallel_loop3A_213 : vector<16xf32>
      %parallel_loop3A_215 = arith.addf %parallel_loop3A_190, %parallel_loop3A_214 : vector<16xf32>
      %parallel_loop3A_216 = arith.addf %parallel_loop3A_193, %parallel_loop3A_213 : vector<16xf32>
      %parallel_loop3A_217 = arith.addf %parallel_loop3A_196, %parallel_loop3A_206 : vector<16xf32>
      %parallel_loop3A_218 = arith.maximumf %parallel_loop3A_199, %parallel_loop3A_213 : vector<16xf32>
      %parallel_loop3A_219 = arith.constant 0 : i32
      %parallel_loop3A_220 = arith.constant 1 : i32
      %parallel_loop3A_221 = arith.index_cast %parallel_loop3A_219 : i32 to index
      %parallel_loop3A_222 = arith.index_cast %parallel_loop3A_220 : i32 to index
      %parallel_loop3A_223 = arith.index_cast %parallel_loop3A_187 : i32 to index
      %parallel_loop3A_224 = tpu.vector_load %arg8[%parallel_loop3A_221, %parallel_loop3A_222, %parallel_loop3A_223] {strides = array<i32>} : memref<2x8x2048xf32, #tpu.memory_space<vmem>>, vector<1x1x16xf32>,
      %parallel_loop3A_225 = vector.shape_cast %parallel_loop3A_224 : vector<1x1x16xf32> to vector<16xf32>
      %parallel_loop3A_226 = arith.constant 0 : i32
      %parallel_loop3A_227 = arith.constant 1 : i32
      %parallel_loop3A_228 = arith.index_cast %parallel_loop3A_226 : i32 to index
      %parallel_loop3A_229 = arith.index_cast %parallel_loop3A_227 : i32 to index
      %parallel_loop3A_230 = arith.index_cast %parallel_loop3A_187 : i32 to index
      %parallel_loop3A_231 = tpu.vector_load %arg9[%parallel_loop3A_228, %parallel_loop3A_229, %parallel_loop3A_230] {strides = array<i32>} : memref<2x8x2048xf32, #tpu.memory_space<vmem>>, vector<1x1x16xf32>,
      %parallel_loop3A_232 = vector.shape_cast %parallel_loop3A_231 : vector<1x1x16xf32> to vector<16xf32>
      %parallel_loop3A_233 = arith.mulf %parallel_loop3A_225, %parallel_loop3A_232 : vector<16xf32>
      %parallel_loop3A_234 = arith.addf %parallel_loop3A_215, %parallel_loop3A_233 : vector<16xf32>
      %parallel_loop3A_235 = arith.addf %parallel_loop3A_216, %parallel_loop3A_232 : vector<16xf32>
      %parallel_loop3A_236 = arith.addf %parallel_loop3A_217, %parallel_loop3A_225 : vector<16xf32>
      %parallel_loop3A_237 = arith.maximumf %parallel_loop3A_218, %parallel_loop3A_232 : vector<16xf32>
      %parallel_loop3A_238 = arith.constant 0 : i32
      %parallel_loop3A_239 = arith.constant 2 : i32
      %parallel_loop3A_240 = arith.index_cast %parallel_loop3A_238 : i32 to index
      %parallel_loop3A_241 = arith.index_cast %parallel_loop3A_239 : i32 to index
      %parallel_loop3A_242 = arith.index_cast %parallel_loop3A_187 : i32 to index
      %parallel_loop3A_243 = tpu.vector_load %arg8[%parallel_loop3A_240, %parallel_loop3A_241, %parallel_loop3A_242] {strides = array<i32>} : memref<2x8x2048xf32, #tpu.memory_space<vmem>>, vector<1x1x16xf32>,
      %parallel_loop3A_244 = vector.shape_cast %parallel_loop3A_243 : vector<1x1x16xf32> to vector<16xf32>
      %parallel_loop3A_245 = arith.constant 0 : i32
      %parallel_loop3A_246 = arith.constant 2 : i32
      %parallel_loop3A_247 = arith.index_cast %parallel_loop3A_245 : i32 to index
      %parallel_loop3A_248 = arith.index_cast %parallel_loop3A_246 : i32 to index
      %parallel_loop3A_249 = arith.index_cast %parallel_loop3A_187 : i32 to index
      %parallel_loop3A_250 = tpu.vector_load %arg9[%parallel_loop3A_247, %parallel_loop3A_248, %parallel_loop3A_249] {strides = array<i32>} : memref<2x8x2048xf32, #tpu.memory_space<vmem>>, vector<1x1x16xf32>,
      %parallel_loop3A_251 = vector.shape_cast %parallel_loop3A_250 : vector<1x1x16xf32> to vector<16xf32>
      %parallel_loop3A_252 = arith.mulf %parallel_loop3A_244, %parallel_loop3A_251 : vector<16xf32>
      %parallel_loop3A_253 = arith.addf %parallel_loop3A_234, %parallel_loop3A_252 : vector<16xf32>
      %parallel_loop3A_254 = arith.addf %parallel_loop3A_235, %parallel_loop3A_251 : vector<16xf32>
      %parallel_loop3A_255 = arith.addf %parallel_loop3A_236, %parallel_loop3A_244 : vector<16xf32>
      %parallel_loop3A_256 = arith.maximumf %parallel_loop3A_237, %parallel_loop3A_251 : vector<16xf32>
      %parallel_loop3A_257 = arith.constant 0 : i32
      %parallel_loop3A_258 = arith.constant 3 : i32
      %parallel_loop3A_259 = arith.index_cast %parallel_loop3A_257 : i32 to index
      %parallel_loop3A_260 = arith.index_cast %parallel_loop3A_258 : i32 to index
      %parallel_loop3A_261 = arith.index_cast %parallel_loop3A_187 : i32 to index
      %parallel_loop3A_262 = tpu.vector_load %arg8[%parallel_loop3A_259, %parallel_loop3A_260, %parallel_loop3A_261] {strides = array<i32>} : memref<2x8x2048xf32, #tpu.memory_space<vmem>>, vector<1x1x16xf32>,
      %parallel_loop3A_263 = vector.shape_cast %parallel_loop3A_262 : vector<1x1x16xf32> to vector<16xf32>
      %parallel_loop3A_264 = arith.constant 0 : i32
      %parallel_loop3A_265 = arith.constant 3 : i32
      %parallel_loop3A_266 = arith.index_cast %parallel_loop3A_264 : i32 to index
      %parallel_loop3A_267 = arith.index_cast %parallel_loop3A_265 : i32 to index
      %parallel_loop3A_268 = arith.index_cast %parallel_loop3A_187 : i32 to index
      %parallel_loop3A_269 = tpu.vector_load %arg9[%parallel_loop3A_266, %parallel_loop3A_267, %parallel_loop3A_268] {strides = array<i32>} : memref<2x8x2048xf32, #tpu.memory_space<vmem>>, vector<1x1x16xf32>,
      %parallel_loop3A_270 = vector.shape_cast %parallel_loop3A_269 : vector<1x1x16xf32> to vector<16xf32>
      %parallel_loop3A_271 = arith.mulf %parallel_loop3A_263, %parallel_loop3A_270 : vector<16xf32>
      %parallel_loop3A_272 = arith.addf %parallel_loop3A_253, %parallel_loop3A_271 : vector<16xf32>
      %parallel_loop3A_273 = arith.addf %parallel_loop3A_254, %parallel_loop3A_270 : vector<16xf32>
      %parallel_loop3A_274 = arith.addf %parallel_loop3A_255, %parallel_loop3A_263 : vector<16xf32>
      %parallel_loop3A_275 = arith.maximumf %parallel_loop3A_256, %parallel_loop3A_270 : vector<16xf32>
      %parallel_loop3A_276 = arith.constant 0 : i32
      %parallel_loop3A_277 = arith.constant 4 : i32
      %parallel_loop3A_278 = arith.index_cast %parallel_loop3A_276 : i32 to index
      %parallel_loop3A_279 = arith.index_cast %parallel_loop3A_277 : i32 to index
      %parallel_loop3A_280 = arith.index_cast %parallel_loop3A_187 : i32 to index
      %parallel_loop3A_281 = tpu.vector_load %arg8[%parallel_loop3A_278, %parallel_loop3A_279, %parallel_loop3A_280] {strides = array<i32>} : memref<2x8x2048xf32, #tpu.memory_space<vmem>>, vector<1x1x16xf32>,
      %parallel_loop3A_282 = vector.shape_cast %parallel_loop3A_281 : vector<1x1x16xf32> to vector<16xf32>
      %parallel_loop3A_283 = arith.constant 0 : i32
      %parallel_loop3A_284 = arith.constant 4 : i32
      %parallel_loop3A_285 = arith.index_cast %parallel_loop3A_283 : i32 to index
      %parallel_loop3A_286 = arith.index_cast %parallel_loop3A_284 : i32 to index
      %parallel_loop3A_287 = arith.index_cast %parallel_loop3A_187 : i32 to index
      %parallel_loop3A_288 = tpu.vector_load %arg9[%parallel_loop3A_285, %parallel_loop3A_286, %parallel_loop3A_287] {strides = array<i32>} : memref<2x8x2048xf32, #tpu.memory_space<vmem>>, vector<1x1x16xf32>,
      %parallel_loop3A_289 = vector.shape_cast %parallel_loop3A_288 : vector<1x1x16xf32> to vector<16xf32>
      %parallel_loop3A_290 = arith.mulf %parallel_loop3A_282, %parallel_loop3A_289 : vector<16xf32>
      %parallel_loop3A_291 = arith.addf %parallel_loop3A_272, %parallel_loop3A_290 : vector<16xf32>
      %parallel_loop3A_292 = arith.addf %parallel_loop3A_273, %parallel_loop3A_289 : vector<16xf32>
      %parallel_loop3A_293 = arith.addf %parallel_loop3A_274, %parallel_loop3A_282 : vector<16xf32>
      %parallel_loop3A_294 = arith.maximumf %parallel_loop3A_275, %parallel_loop3A_289 : vector<16xf32>
      %parallel_loop3A_295 = arith.constant 0 : i32
      %parallel_loop3A_296 = arith.constant 5 : i32
      %parallel_loop3A_297 = arith.index_cast %parallel_loop3A_295 : i32 to index
      %parallel_loop3A_298 = arith.index_cast %parallel_loop3A_296 : i32 to index
      %parallel_loop3A_299 = arith.index_cast %parallel_loop3A_187 : i32 to index
      %parallel_loop3A_300 = tpu.vector_load %arg8[%parallel_loop3A_297, %parallel_loop3A_298, %parallel_loop3A_299] {strides = array<i32>} : memref<2x8x2048xf32, #tpu.memory_space<vmem>>, vector<1x1x16xf32>,
      %parallel_loop3A_301 = vector.shape_cast %parallel_loop3A_300 : vector<1x1x16xf32> to vector<16xf32>
      %parallel_loop3A_302 = arith.constant 0 : i32
      %parallel_loop3A_303 = arith.constant 5 : i32
      %parallel_loop3A_304 = arith.index_cast %parallel_loop3A_302 : i32 to index
      %parallel_loop3A_305 = arith.index_cast %parallel_loop3A_303 : i32 to index
      %parallel_loop3A_306 = arith.index_cast %parallel_loop3A_187 : i32 to index
      %parallel_loop3A_307 = tpu.vector_load %arg9[%parallel_loop3A_304, %parallel_loop3A_305, %parallel_loop3A_306] {strides = array<i32>} : memref<2x8x2048xf32, #tpu.memory_space<vmem>>, vector<1x1x16xf32>,
      %parallel_loop3A_308 = vector.shape_cast %parallel_loop3A_307 : vector<1x1x16xf32> to vector<16xf32>
      %parallel_loop3A_309 = arith.mulf %parallel_loop3A_301, %parallel_loop3A_308 : vector<16xf32>
      %parallel_loop3A_310 = arith.addf %parallel_loop3A_291, %parallel_loop3A_309 : vector<16xf32>
      %parallel_loop3A_311 = arith.addf %parallel_loop3A_292, %parallel_loop3A_308 : vector<16xf32>
      %parallel_loop3A_312 = arith.addf %parallel_loop3A_293, %parallel_loop3A_301 : vector<16xf32>
      %parallel_loop3A_313 = arith.maximumf %parallel_loop3A_294, %parallel_loop3A_308 : vector<16xf32>
      %parallel_loop3A_314 = arith.constant 0 : i32
      %parallel_loop3A_315 = arith.constant 6 : i32
      %parallel_loop3A_316 = arith.index_cast %parallel_loop3A_314 : i32 to index
      %parallel_loop3A_317 = arith.index_cast %parallel_loop3A_315 : i32 to index
      %parallel_loop3A_318 = arith.index_cast %parallel_loop3A_187 : i32 to index
      %parallel_loop3A_319 = tpu.vector_load %arg8[%parallel_loop3A_316, %parallel_loop3A_317, %parallel_loop3A_318] {strides = array<i32>} : memref<2x8x2048xf32, #tpu.memory_space<vmem>>, vector<1x1x16xf32>,
      %parallel_loop3A_320 = vector.shape_cast %parallel_loop3A_319 : vector<1x1x16xf32> to vector<16xf32>
      %parallel_loop3A_321 = arith.constant 0 : i32
      %parallel_loop3A_322 = arith.constant 6 : i32
      %parallel_loop3A_323 = arith.index_cast %parallel_loop3A_321 : i32 to index
      %parallel_loop3A_324 = arith.index_cast %parallel_loop3A_322 : i32 to index
      %parallel_loop3A_325 = arith.index_cast %parallel_loop3A_187 : i32 to index
      %parallel_loop3A_326 = tpu.vector_load %arg9[%parallel_loop3A_323, %parallel_loop3A_324, %parallel_loop3A_325] {strides = array<i32>} : memref<2x8x2048xf32, #tpu.memory_space<vmem>>, vector<1x1x16xf32>,
      %parallel_loop3A_327 = vector.shape_cast %parallel_loop3A_326 : vector<1x1x16xf32> to vector<16xf32>
      %parallel_loop3A_328 = arith.mulf %parallel_loop3A_320, %parallel_loop3A_327 : vector<16xf32>
      %parallel_loop3A_329 = arith.addf %parallel_loop3A_310, %parallel_loop3A_328 : vector<16xf32>
      %parallel_loop3A_330 = arith.addf %parallel_loop3A_311, %parallel_loop3A_327 : vector<16xf32>
      %parallel_loop3A_331 = arith.addf %parallel_loop3A_312, %parallel_loop3A_320 : vector<16xf32>
      %parallel_loop3A_332 = arith.maximumf %parallel_loop3A_313, %parallel_loop3A_327 : vector<16xf32>
      %parallel_loop3A_333 = arith.constant 0 : i32
      %parallel_loop3A_334 = arith.constant 7 : i32
      %parallel_loop3A_335 = arith.index_cast %parallel_loop3A_333 : i32 to index
      %parallel_loop3A_336 = arith.index_cast %parallel_loop3A_334 : i32 to index
      %parallel_loop3A_337 = arith.index_cast %parallel_loop3A_187 : i32 to index
      %parallel_loop3A_338 = tpu.vector_load %arg8[%parallel_loop3A_335, %parallel_loop3A_336, %parallel_loop3A_337] {strides = array<i32>} : memref<2x8x2048xf32, #tpu.memory_space<vmem>>, vector<1x1x16xf32>,
      %parallel_loop3A_339 = vector.shape_cast %parallel_loop3A_338 : vector<1x1x16xf32> to vector<16xf32>
      %parallel_loop3A_340 = arith.constant 0 : i32
      %parallel_loop3A_341 = arith.constant 7 : i32
      %parallel_loop3A_342 = arith.index_cast %parallel_loop3A_340 : i32 to index
      %parallel_loop3A_343 = arith.index_cast %parallel_loop3A_341 : i32 to index
      %parallel_loop3A_344 = arith.index_cast %parallel_loop3A_187 : i32 to index
      %parallel_loop3A_345 = tpu.vector_load %arg9[%parallel_loop3A_342, %parallel_loop3A_343, %parallel_loop3A_344] {strides = array<i32>} : memref<2x8x2048xf32, #tpu.memory_space<vmem>>, vector<1x1x16xf32>,
      %parallel_loop3A_346 = vector.shape_cast %parallel_loop3A_345 : vector<1x1x16xf32> to vector<16xf32>
      %parallel_loop3A_347 = arith.mulf %parallel_loop3A_339, %parallel_loop3A_346 : vector<16xf32>
      %parallel_loop3A_348 = arith.addf %parallel_loop3A_329, %parallel_loop3A_347 : vector<16xf32>
      %parallel_loop3A_349 = arith.addf %parallel_loop3A_330, %parallel_loop3A_346 : vector<16xf32>
      %parallel_loop3A_350 = arith.addf %parallel_loop3A_331, %parallel_loop3A_339 : vector<16xf32>
      %parallel_loop3A_351 = arith.maximumf %parallel_loop3A_332, %parallel_loop3A_346 : vector<16xf32>
      %parallel_loop3A_352 = arith.index_cast %parallel_loop3A_187 : i32 to index
      %parallel_loop3A_353 = tpu.vector_load %arg10[%parallel_loop3A_352] {strides = array<i32>} : memref<2048xf32, #tpu.memory_space<vmem>>, vector<16xf32>,
      %parallel_loop3A_354 = vector.shape_cast %parallel_loop3A_353 : vector<16xf32> to vector<16xf32>
      %parallel_loop3A_355 = vector.shape_cast %parallel_loop3A_348 : vector<16xf32> to vector<16xf32>
      tpu.vector_store %arg10[%parallel_loop3A_352], %parallel_loop3A_355 {strides = array<i32>} : memref<2048xf32, #tpu.memory_space<vmem>>, vector<16xf32>,
      %parallel_loop3A_356 = arith.index_cast %parallel_loop3A_187 : i32 to index
      %parallel_loop3A_357 = tpu.vector_load %arg11[%parallel_loop3A_356] {strides = array<i32>} : memref<2048xf32, #tpu.memory_space<vmem>>, vector<16xf32>,
      %parallel_loop3A_358 = vector.shape_cast %parallel_loop3A_357 : vector<16xf32> to vector<16xf32>
      %parallel_loop3A_359 = vector.shape_cast %parallel_loop3A_349 : vector<16xf32> to vector<16xf32>
      tpu.vector_store %arg11[%parallel_loop3A_356], %parallel_loop3A_359 {strides = array<i32>} : memref<2048xf32, #tpu.memory_space<vmem>>, vector<16xf32>,
      %parallel_loop3A_360 = arith.index_cast %parallel_loop3A_187 : i32 to index
      %parallel_loop3A_361 = tpu.vector_load %arg12[%parallel_loop3A_360] {strides = array<i32>} : memref<2048xf32, #tpu.memory_space<vmem>>, vector<16xf32>,
      %parallel_loop3A_362 = vector.shape_cast %parallel_loop3A_361 : vector<16xf32> to vector<16xf32>
      %parallel_loop3A_363 = vector.shape_cast %parallel_loop3A_350 : vector<16xf32> to vector<16xf32>
      tpu.vector_store %arg12[%parallel_loop3A_360], %parallel_loop3A_363 {strides = array<i32>} : memref<2048xf32, #tpu.memory_space<vmem>>, vector<16xf32>,
      %parallel_loop3A_364 = arith.index_cast %parallel_loop3A_187 : i32 to index
      %parallel_loop3A_365 = tpu.vector_load %arg13[%parallel_loop3A_364] {strides = array<i32>} : memref<2048xf32, #tpu.memory_space<vmem>>, vector<16xf32>,
      %parallel_loop3A_366 = vector.shape_cast %parallel_loop3A_365 : vector<16xf32> to vector<16xf32>
      %parallel_loop3A_367 = vector.shape_cast %parallel_loop3A_351 : vector<16xf32> to vector<16xf32>
      tpu.vector_store %arg13[%parallel_loop3A_364], %parallel_loop3A_367 {strides = array<i32>} : memref<2048xf32, #tpu.memory_space<vmem>>, vector<16xf32>,
    } {sc.loop_unroll_factor = 2 : i64, sc.parallel_access}
    %add3A_148 = arith.constant 0 : i32
    %add3A_149 = arith.addi %add3A_34, %add3A_148 : i32
    %dma_wait3A_150 = arith.constant 1 : i32
    %dma_wait3A_151 = arith.constant 0 : i32
    %dma_wait3A_152 = arith.constant 0 : i32
    %dma_wait3A_153 = tpu.memref_slice %arg8[%dma_wait3A_150, %dma_wait3A_151, %dma_wait3A_152] : memref<2x8x2048xf32, #tpu.memory_space<vmem>> -> memref<1x8x2048xf32, #tpu.memory_space<vmem>>
    %dma_wait3A_154 = tpu.memref_squeeze %dma_wait3A_153 : memref<1x8x2048xf32, #tpu.memory_space<vmem>> -> memref<8x2048xf32, #tpu.memory_space<vmem>>
    %dma_wait3A_155 = arith.constant 0 : i32
    %dma_wait3A_156 = tpu.memref_slice %arg2[%select_n3A, %add3A_149, %dma_wait3A_155] : memref<4x4096x2048xf32, #tpu.memory_space<hbm>> -> memref<1x8x2048xf32, #tpu.memory_space<hbm>>
    %dma_wait3A_157 = tpu.memref_squeeze %dma_wait3A_156 : memref<1x8x2048xf32, #tpu.memory_space<hbm>> -> memref<8x2048xf32, #tpu.memory_space<hbm>>
    %dma_wait3A_158 = arith.constant 0 : i32
    %dma_wait3A_159 = arith.constant 0 : i32
    %dma_wait3A_160 = tpu.memref_slice %arg8[%dma_wait3A_150, %dma_wait3A_158, %dma_wait3A_159] : memref<2x8x2048xf32, #tpu.memory_space<vmem>> -> memref<1x8x2048xf32, #tpu.memory_space<vmem>>
    %dma_wait3A_161 = tpu.memref_squeeze %dma_wait3A_160 : memref<1x8x2048xf32, #tpu.memory_space<vmem>> -> memref<8x2048xf32, #tpu.memory_space<vmem>>
    %dma_wait3A_162 = arith.constant 0 : i32
    %dma_wait3A_163 = tpu.memref_slice %arg2[%select_n3A, %add3A_149, %dma_wait3A_162] : memref<4x4096x2048xf32, #tpu.memory_space<hbm>> -> memref<1x8x2048xf32, #tpu.memory_space<hbm>>
    %dma_wait3A_164 = tpu.memref_squeeze %dma_wait3A_163 : memref<1x8x2048xf32, #tpu.memory_space<hbm>> -> memref<8x2048xf32, #tpu.memory_space<hbm>>
    tpu.wait_dma2 semaphore(%arg15 : memref<!tpu.dma_semaphore, #tpu.memory_space<semaphore_mem>>) src(%dma_wait3A_164 : memref<8x2048xf32, #tpu.memory_space<hbm>>) dst(%dma_wait3A_161 : memref<8x2048xf32, #tpu.memory_space<vmem>>)
    %add3A_165 = arith.constant 0 : i32
    %add3A_166 = arith.addi %add3A_34, %add3A_165 : i32
    %dma_wait3A_167 = arith.constant 1 : i32
    %dma_wait3A_168 = arith.constant 0 : i32
    %dma_wait3A_169 = arith.constant 0 : i32
    %dma_wait3A_170 = tpu.memref_slice %arg9[%dma_wait3A_167, %dma_wait3A_168, %dma_wait3A_169] : memref<2x8x2048xf32, #tpu.memory_space<vmem>> -> memref<1x8x2048xf32, #tpu.memory_space<vmem>>
    %dma_wait3A_171 = tpu.memref_squeeze %dma_wait3A_170 : memref<1x8x2048xf32, #tpu.memory_space<vmem>> -> memref<8x2048xf32, #tpu.memory_space<vmem>>
    %dma_wait3A_172 = arith.constant 0 : i32
    %dma_wait3A_173 = tpu.memref_slice %arg3[%select_n3A, %add3A_166, %dma_wait3A_172] : memref<4x4096x2048xf32, #tpu.memory_space<hbm>> -> memref<1x8x2048xf32, #tpu.memory_space<hbm>>
    %dma_wait3A_174 = tpu.memref_squeeze %dma_wait3A_173 : memref<1x8x2048xf32, #tpu.memory_space<hbm>> -> memref<8x2048xf32, #tpu.memory_space<hbm>>
    %dma_wait3A_175 = arith.constant 0 : i32
    %dma_wait3A_176 = arith.constant 0 : i32
    %dma_wait3A_177 = tpu.memref_slice %arg9[%dma_wait3A_167, %dma_wait3A_175, %dma_wait3A_176] : memref<2x8x2048xf32, #tpu.memory_space<vmem>> -> memref<1x8x2048xf32, #tpu.memory_space<vmem>>
    %dma_wait3A_178 = tpu.memref_squeeze %dma_wait3A_177 : memref<1x8x2048xf32, #tpu.memory_space<vmem>> -> memref<8x2048xf32, #tpu.memory_space<vmem>>
    %dma_wait3A_179 = arith.constant 0 : i32
    %dma_wait3A_180 = tpu.memref_slice %arg3[%select_n3A, %add3A_166, %dma_wait3A_179] : memref<4x4096x2048xf32, #tpu.memory_space<hbm>> -> memref<1x8x2048xf32, #tpu.memory_space<hbm>>
    %dma_wait3A_181 = tpu.memref_squeeze %dma_wait3A_180 : memref<1x8x2048xf32, #tpu.memory_space<hbm>> -> memref<8x2048xf32, #tpu.memory_space<hbm>>
    tpu.wait_dma2 semaphore(%arg17 : memref<!tpu.dma_semaphore, #tpu.memory_space<semaphore_mem>>) src(%dma_wait3A_181 : memref<8x2048xf32, #tpu.memory_space<hbm>>) dst(%dma_wait3A_178 : memref<8x2048xf32, #tpu.memory_space<vmem>>)
    %parallel_loop3A_182 = arith.constant 0 : i32
    %parallel_loop3A_183 = arith.constant 128 : i32
    %parallel_loop3A_184 = arith.constant 1 : i32
    scf.for %parallel_loop3A_185 = %parallel_loop3A_182 to %parallel_loop3A_183 step %parallel_loop3A_184  : i32 {
      %parallel_loop3A_186 = arith.constant 16 : i32
      %parallel_loop3A_187 = arith.muli %parallel_loop3A_185, %parallel_loop3A_186 : i32
      %parallel_loop3A_188 = arith.index_cast %parallel_loop3A_187 : i32 to index
      %parallel_loop3A_189 = tpu.vector_load %arg10[%parallel_loop3A_188] {strides = array<i32>} : memref<2048xf32, #tpu.memory_space<vmem>>, vector<16xf32>,
      %parallel_loop3A_190 = vector.shape_cast %parallel_loop3A_189 : vector<16xf32> to vector<16xf32>
      %parallel_loop3A_191 = arith.index_cast %parallel_loop3A_187 : i32 to index
      %parallel_loop3A_192 = tpu.vector_load %arg11[%parallel_loop3A_191] {strides = array<i32>} : memref<2048xf32, #tpu.memory_space<vmem>>, vector<16xf32>,
      %parallel_loop3A_193 = vector.shape_cast %parallel_loop3A_192 : vector<16xf32> to vector<16xf32>
      %parallel_loop3A_194 = arith.index_cast %parallel_loop3A_187 : i32 to index
      %parallel_loop3A_195 = tpu.vector_load %arg12[%parallel_loop3A_194] {strides = array<i32>} : memref<2048xf32, #tpu.memory_space<vmem>>, vector<16xf32>,
      %parallel_loop3A_196 = vector.shape_cast %parallel_loop3A_195 : vector<16xf32> to vector<16xf32>
      %parallel_loop3A_197 = arith.index_cast %parallel_loop3A_187 : i32 to index
      %parallel_loop3A_198 = tpu.vector_load %arg13[%parallel_loop3A_197] {strides = array<i32>} : memref<2048xf32, #tpu.memory_space<vmem>>, vector<16xf32>,
      %parallel_loop3A_199 = vector.shape_cast %parallel_loop3A_198 : vector<16xf32> to vector<16xf32>
      %parallel_loop3A_200 = arith.constant 1 : i32
      %parallel_loop3A_201 = arith.constant 0 : i32
      %parallel_loop3A_202 = arith.index_cast %parallel_loop3A_200 : i32 to index
      %parallel_loop3A_203 = arith.index_cast %parallel_loop3A_201 : i32 to index
      %parallel_loop3A_204 = arith.index_cast %parallel_loop3A_187 : i32 to index
      %parallel_loop3A_205 = tpu.vector_load %arg8[%parallel_loop3A_202, %parallel_loop3A_203, %parallel_loop3A_204] {strides = array<i32>} : memref<2x8x2048xf32, #tpu.memory_space<vmem>>, vector<1x1x16xf32>,
      %parallel_loop3A_206 = vector.shape_cast %parallel_loop3A_205 : vector<1x1x16xf32> to vector<16xf32>
      %parallel_loop3A_207 = arith.constant 1 : i32
      %parallel_loop3A_208 = arith.constant 0 : i32
      %parallel_loop3A_209 = arith.index_cast %parallel_loop3A_207 : i32 to index
      %parallel_loop3A_210 = arith.index_cast %parallel_loop3A_208 : i32 to index
      %parallel_loop3A_211 = arith.index_cast %parallel_loop3A_187 : i32 to index
      %parallel_loop3A_212 = tpu.vector_load %arg9[%parallel_loop3A_209, %parallel_loop3A_210, %parallel_loop3A_211] {strides = array<i32>} : memref<2x8x2048xf32, #tpu.memory_space<vmem>>, vector<1x1x16xf32>,
      %parallel_loop3A_213 = vector.shape_cast %parallel_loop3A_212 : vector<1x1x16xf32> to vector<16xf32>
      %parallel_loop3A_214 = arith.mulf %parallel_loop3A_206, %parallel_loop3A_213 : vector<16xf32>
      %parallel_loop3A_215 = arith.addf %parallel_loop3A_190, %parallel_loop3A_214 : vector<16xf32>
      %parallel_loop3A_216 = arith.addf %parallel_loop3A_193, %parallel_loop3A_213 : vector<16xf32>
      %parallel_loop3A_217 = arith.addf %parallel_loop3A_196, %parallel_loop3A_206 : vector<16xf32>
      %parallel_loop3A_218 = arith.maximumf %parallel_loop3A_199, %parallel_loop3A_213 : vector<16xf32>
      %parallel_loop3A_219 = arith.constant 1 : i32
      %parallel_loop3A_220 = arith.constant 1 : i32
      %parallel_loop3A_221 = arith.index_cast %parallel_loop3A_219 : i32 to index
      %parallel_loop3A_222 = arith.index_cast %parallel_loop3A_220 : i32 to index
      %parallel_loop3A_223 = arith.index_cast %parallel_loop3A_187 : i32 to index
      %parallel_loop3A_224 = tpu.vector_load %arg8[%parallel_loop3A_221, %parallel_loop3A_222, %parallel_loop3A_223] {strides = array<i32>} : memref<2x8x2048xf32, #tpu.memory_space<vmem>>, vector<1x1x16xf32>,
      %parallel_loop3A_225 = vector.shape_cast %parallel_loop3A_224 : vector<1x1x16xf32> to vector<16xf32>
      %parallel_loop3A_226 = arith.constant 1 : i32
      %parallel_loop3A_227 = arith.constant 1 : i32
      %parallel_loop3A_228 = arith.index_cast %parallel_loop3A_226 : i32 to index
      %parallel_loop3A_229 = arith.index_cast %parallel_loop3A_227 : i32 to index
      %parallel_loop3A_230 = arith.index_cast %parallel_loop3A_187 : i32 to index
      %parallel_loop3A_231 = tpu.vector_load %arg9[%parallel_loop3A_228, %parallel_loop3A_229, %parallel_loop3A_230] {strides = array<i32>} : memref<2x8x2048xf32, #tpu.memory_space<vmem>>, vector<1x1x16xf32>,
      %parallel_loop3A_232 = vector.shape_cast %parallel_loop3A_231 : vector<1x1x16xf32> to vector<16xf32>
      %parallel_loop3A_233 = arith.mulf %parallel_loop3A_225, %parallel_loop3A_232 : vector<16xf32>
      %parallel_loop3A_234 = arith.addf %parallel_loop3A_215, %parallel_loop3A_233 : vector<16xf32>
      %parallel_loop3A_235 = arith.addf %parallel_loop3A_216, %parallel_loop3A_232 : vector<16xf32>
      %parallel_loop3A_236 = arith.addf %parallel_loop3A_217, %parallel_loop3A_225 : vector<16xf32>
      %parallel_loop3A_237 = arith.maximumf %parallel_loop3A_218, %parallel_loop3A_232 : vector<16xf32>
      %parallel_loop3A_238 = arith.constant 1 : i32
      %parallel_loop3A_239 = arith.constant 2 : i32
      %parallel_loop3A_240 = arith.index_cast %parallel_loop3A_238 : i32 to index
      %parallel_loop3A_241 = arith.index_cast %parallel_loop3A_239 : i32 to index
      %parallel_loop3A_242 = arith.index_cast %parallel_loop3A_187 : i32 to index
      %parallel_loop3A_243 = tpu.vector_load %arg8[%parallel_loop3A_240, %parallel_loop3A_241, %parallel_loop3A_242] {strides = array<i32>} : memref<2x8x2048xf32, #tpu.memory_space<vmem>>, vector<1x1x16xf32>,
      %parallel_loop3A_244 = vector.shape_cast %parallel_loop3A_243 : vector<1x1x16xf32> to vector<16xf32>
      %parallel_loop3A_245 = arith.constant 1 : i32
      %parallel_loop3A_246 = arith.constant 2 : i32
      %parallel_loop3A_247 = arith.index_cast %parallel_loop3A_245 : i32 to index
      %parallel_loop3A_248 = arith.index_cast %parallel_loop3A_246 : i32 to index
      %parallel_loop3A_249 = arith.index_cast %parallel_loop3A_187 : i32 to index
      %parallel_loop3A_250 = tpu.vector_load %arg9[%parallel_loop3A_247, %parallel_loop3A_248, %parallel_loop3A_249] {strides = array<i32>} : memref<2x8x2048xf32, #tpu.memory_space<vmem>>, vector<1x1x16xf32>,
      %parallel_loop3A_251 = vector.shape_cast %parallel_loop3A_250 : vector<1x1x16xf32> to vector<16xf32>
      %parallel_loop3A_252 = arith.mulf %parallel_loop3A_244, %parallel_loop3A_251 : vector<16xf32>
      %parallel_loop3A_253 = arith.addf %parallel_loop3A_234, %parallel_loop3A_252 : vector<16xf32>
      %parallel_loop3A_254 = arith.addf %parallel_loop3A_235, %parallel_loop3A_251 : vector<16xf32>
      %parallel_loop3A_255 = arith.addf %parallel_loop3A_236, %parallel_loop3A_244 : vector<16xf32>
      %parallel_loop3A_256 = arith.maximumf %parallel_loop3A_237, %parallel_loop3A_251 : vector<16xf32>
      %parallel_loop3A_257 = arith.constant 1 : i32
      %parallel_loop3A_258 = arith.constant 3 : i32
      %parallel_loop3A_259 = arith.index_cast %parallel_loop3A_257 : i32 to index
      %parallel_loop3A_260 = arith.index_cast %parallel_loop3A_258 : i32 to index
      %parallel_loop3A_261 = arith.index_cast %parallel_loop3A_187 : i32 to index
      %parallel_loop3A_262 = tpu.vector_load %arg8[%parallel_loop3A_259, %parallel_loop3A_260, %parallel_loop3A_261] {strides = array<i32>} : memref<2x8x2048xf32, #tpu.memory_space<vmem>>, vector<1x1x16xf32>,
      %parallel_loop3A_263 = vector.shape_cast %parallel_loop3A_262 : vector<1x1x16xf32> to vector<16xf32>
      %parallel_loop3A_264 = arith.constant 1 : i32
      %parallel_loop3A_265 = arith.constant 3 : i32
      %parallel_loop3A_266 = arith.index_cast %parallel_loop3A_264 : i32 to index
      %parallel_loop3A_267 = arith.index_cast %parallel_loop3A_265 : i32 to index
      %parallel_loop3A_268 = arith.index_cast %parallel_loop3A_187 : i32 to index
      %parallel_loop3A_269 = tpu.vector_load %arg9[%parallel_loop3A_266, %parallel_loop3A_267, %parallel_loop3A_268] {strides = array<i32>} : memref<2x8x2048xf32, #tpu.memory_space<vmem>>, vector<1x1x16xf32>,
      %parallel_loop3A_270 = vector.shape_cast %parallel_loop3A_269 : vector<1x1x16xf32> to vector<16xf32>
      %parallel_loop3A_271 = arith.mulf %parallel_loop3A_263, %parallel_loop3A_270 : vector<16xf32>
      %parallel_loop3A_272 = arith.addf %parallel_loop3A_253, %parallel_loop3A_271 : vector<16xf32>
      %parallel_loop3A_273 = arith.addf %parallel_loop3A_254, %parallel_loop3A_270 : vector<16xf32>
      %parallel_loop3A_274 = arith.addf %parallel_loop3A_255, %parallel_loop3A_263 : vector<16xf32>
      %parallel_loop3A_275 = arith.maximumf %parallel_loop3A_256, %parallel_loop3A_270 : vector<16xf32>
      %parallel_loop3A_276 = arith.constant 1 : i32
      %parallel_loop3A_277 = arith.constant 4 : i32
      %parallel_loop3A_278 = arith.index_cast %parallel_loop3A_276 : i32 to index
      %parallel_loop3A_279 = arith.index_cast %parallel_loop3A_277 : i32 to index
      %parallel_loop3A_280 = arith.index_cast %parallel_loop3A_187 : i32 to index
      %parallel_loop3A_281 = tpu.vector_load %arg8[%parallel_loop3A_278, %parallel_loop3A_279, %parallel_loop3A_280] {strides = array<i32>} : memref<2x8x2048xf32, #tpu.memory_space<vmem>>, vector<1x1x16xf32>,
      %parallel_loop3A_282 = vector.shape_cast %parallel_loop3A_281 : vector<1x1x16xf32> to vector<16xf32>
      %parallel_loop3A_283 = arith.constant 1 : i32
      %parallel_loop3A_284 = arith.constant 4 : i32
      %parallel_loop3A_285 = arith.index_cast %parallel_loop3A_283 : i32 to index
      %parallel_loop3A_286 = arith.index_cast %parallel_loop3A_284 : i32 to index
      %parallel_loop3A_287 = arith.index_cast %parallel_loop3A_187 : i32 to index
      %parallel_loop3A_288 = tpu.vector_load %arg9[%parallel_loop3A_285, %parallel_loop3A_286, %parallel_loop3A_287] {strides = array<i32>} : memref<2x8x2048xf32, #tpu.memory_space<vmem>>, vector<1x1x16xf32>,
      %parallel_loop3A_289 = vector.shape_cast %parallel_loop3A_288 : vector<1x1x16xf32> to vector<16xf32>
      %parallel_loop3A_290 = arith.mulf %parallel_loop3A_282, %parallel_loop3A_289 : vector<16xf32>
      %parallel_loop3A_291 = arith.addf %parallel_loop3A_272, %parallel_loop3A_290 : vector<16xf32>
      %parallel_loop3A_292 = arith.addf %parallel_loop3A_273, %parallel_loop3A_289 : vector<16xf32>
      %parallel_loop3A_293 = arith.addf %parallel_loop3A_274, %parallel_loop3A_282 : vector<16xf32>
      %parallel_loop3A_294 = arith.maximumf %parallel_loop3A_275, %parallel_loop3A_289 : vector<16xf32>
      %parallel_loop3A_295 = arith.constant 1 : i32
      %parallel_loop3A_296 = arith.constant 5 : i32
      %parallel_loop3A_297 = arith.index_cast %parallel_loop3A_295 : i32 to index
      %parallel_loop3A_298 = arith.index_cast %parallel_loop3A_296 : i32 to index
      %parallel_loop3A_299 = arith.index_cast %parallel_loop3A_187 : i32 to index
      %parallel_loop3A_300 = tpu.vector_load %arg8[%parallel_loop3A_297, %parallel_loop3A_298, %parallel_loop3A_299] {strides = array<i32>} : memref<2x8x2048xf32, #tpu.memory_space<vmem>>, vector<1x1x16xf32>,
      %parallel_loop3A_301 = vector.shape_cast %parallel_loop3A_300 : vector<1x1x16xf32> to vector<16xf32>
      %parallel_loop3A_302 = arith.constant 1 : i32
      %parallel_loop3A_303 = arith.constant 5 : i32
      %parallel_loop3A_304 = arith.index_cast %parallel_loop3A_302 : i32 to index
      %parallel_loop3A_305 = arith.index_cast %parallel_loop3A_303 : i32 to index
      %parallel_loop3A_306 = arith.index_cast %parallel_loop3A_187 : i32 to index
      %parallel_loop3A_307 = tpu.vector_load %arg9[%parallel_loop3A_304, %parallel_loop3A_305, %parallel_loop3A_306] {strides = array<i32>} : memref<2x8x2048xf32, #tpu.memory_space<vmem>>, vector<1x1x16xf32>,
      %parallel_loop3A_308 = vector.shape_cast %parallel_loop3A_307 : vector<1x1x16xf32> to vector<16xf32>
      %parallel_loop3A_309 = arith.mulf %parallel_loop3A_301, %parallel_loop3A_308 : vector<16xf32>
      %parallel_loop3A_310 = arith.addf %parallel_loop3A_291, %parallel_loop3A_309 : vector<16xf32>
      %parallel_loop3A_311 = arith.addf %parallel_loop3A_292, %parallel_loop3A_308 : vector<16xf32>
      %parallel_loop3A_312 = arith.addf %parallel_loop3A_293, %parallel_loop3A_301 : vector<16xf32>
      %parallel_loop3A_313 = arith.maximumf %parallel_loop3A_294, %parallel_loop3A_308 : vector<16xf32>
      %parallel_loop3A_314 = arith.constant 1 : i32
      %parallel_loop3A_315 = arith.constant 6 : i32
      %parallel_loop3A_316 = arith.index_cast %parallel_loop3A_314 : i32 to index
      %parallel_loop3A_317 = arith.index_cast %parallel_loop3A_315 : i32 to index
      %parallel_loop3A_318 = arith.index_cast %parallel_loop3A_187 : i32 to index
      %parallel_loop3A_319 = tpu.vector_load %arg8[%parallel_loop3A_316, %parallel_loop3A_317, %parallel_loop3A_318] {strides = array<i32>} : memref<2x8x2048xf32, #tpu.memory_space<vmem>>, vector<1x1x16xf32>,
      %parallel_loop3A_320 = vector.shape_cast %parallel_loop3A_319 : vector<1x1x16xf32> to vector<16xf32>
      %parallel_loop3A_321 = arith.constant 1 : i32
      %parallel_loop3A_322 = arith.constant 6 : i32
      %parallel_loop3A_323 = arith.index_cast %parallel_loop3A_321 : i32 to index
      %parallel_loop3A_324 = arith.index_cast %parallel_loop3A_322 : i32 to index
      %parallel_loop3A_325 = arith.index_cast %parallel_loop3A_187 : i32 to index
      %parallel_loop3A_326 = tpu.vector_load %arg9[%parallel_loop3A_323, %parallel_loop3A_324, %parallel_loop3A_325] {strides = array<i32>} : memref<2x8x2048xf32, #tpu.memory_space<vmem>>, vector<1x1x16xf32>,
      %parallel_loop3A_327 = vector.shape_cast %parallel_loop3A_326 : vector<1x1x16xf32> to vector<16xf32>
      %parallel_loop3A_328 = arith.mulf %parallel_loop3A_320, %parallel_loop3A_327 : vector<16xf32>
      %parallel_loop3A_329 = arith.addf %parallel_loop3A_310, %parallel_loop3A_328 : vector<16xf32>
      %parallel_loop3A_330 = arith.addf %parallel_loop3A_311, %parallel_loop3A_327 : vector<16xf32>
      %parallel_loop3A_331 = arith.addf %parallel_loop3A_312, %parallel_loop3A_320 : vector<16xf32>
      %parallel_loop3A_332 = arith.maximumf %parallel_loop3A_313, %parallel_loop3A_327 : vector<16xf32>
      %parallel_loop3A_333 = arith.constant 1 : i32
      %parallel_loop3A_334 = arith.constant 7 : i32
      %parallel_loop3A_335 = arith.index_cast %parallel_loop3A_333 : i32 to index
      %parallel_loop3A_336 = arith.index_cast %parallel_loop3A_334 : i32 to index
      %parallel_loop3A_337 = arith.index_cast %parallel_loop3A_187 : i32 to index
      %parallel_loop3A_338 = tpu.vector_load %arg8[%parallel_loop3A_335, %parallel_loop3A_336, %parallel_loop3A_337] {strides = array<i32>} : memref<2x8x2048xf32, #tpu.memory_space<vmem>>, vector<1x1x16xf32>,
      %parallel_loop3A_339 = vector.shape_cast %parallel_loop3A_338 : vector<1x1x16xf32> to vector<16xf32>
      %parallel_loop3A_340 = arith.constant 1 : i32
      %parallel_loop3A_341 = arith.constant 7 : i32
      %parallel_loop3A_342 = arith.index_cast %parallel_loop3A_340 : i32 to index
      %parallel_loop3A_343 = arith.index_cast %parallel_loop3A_341 : i32 to index
      %parallel_loop3A_344 = arith.index_cast %parallel_loop3A_187 : i32 to index
      %parallel_loop3A_345 = tpu.vector_load %arg9[%parallel_loop3A_342, %parallel_loop3A_343, %parallel_loop3A_344] {strides = array<i32>} : memref<2x8x2048xf32, #tpu.memory_space<vmem>>, vector<1x1x16xf32>,
      %parallel_loop3A_346 = vector.shape_cast %parallel_loop3A_345 : vector<1x1x16xf32> to vector<16xf32>
      %parallel_loop3A_347 = arith.mulf %parallel_loop3A_339, %parallel_loop3A_346 : vector<16xf32>
      %parallel_loop3A_348 = arith.addf %parallel_loop3A_329, %parallel_loop3A_347 : vector<16xf32>
      %parallel_loop3A_349 = arith.addf %parallel_loop3A_330, %parallel_loop3A_346 : vector<16xf32>
      %parallel_loop3A_350 = arith.addf %parallel_loop3A_331, %parallel_loop3A_339 : vector<16xf32>
      %parallel_loop3A_351 = arith.maximumf %parallel_loop3A_332, %parallel_loop3A_346 : vector<16xf32>
      %parallel_loop3A_352 = arith.index_cast %parallel_loop3A_187 : i32 to index
      %parallel_loop3A_353 = tpu.vector_load %arg10[%parallel_loop3A_352] {strides = array<i32>} : memref<2048xf32, #tpu.memory_space<vmem>>, vector<16xf32>,
      %parallel_loop3A_354 = vector.shape_cast %parallel_loop3A_353 : vector<16xf32> to vector<16xf32>
      %parallel_loop3A_355 = vector.shape_cast %parallel_loop3A_348 : vector<16xf32> to vector<16xf32>
      tpu.vector_store %arg10[%parallel_loop3A_352], %parallel_loop3A_355 {strides = array<i32>} : memref<2048xf32, #tpu.memory_space<vmem>>, vector<16xf32>,
      %parallel_loop3A_356 = arith.index_cast %parallel_loop3A_187 : i32 to index
      %parallel_loop3A_357 = tpu.vector_load %arg11[%parallel_loop3A_356] {strides = array<i32>} : memref<2048xf32, #tpu.memory_space<vmem>>, vector<16xf32>,
      %parallel_loop3A_358 = vector.shape_cast %parallel_loop3A_357 : vector<16xf32> to vector<16xf32>
      %parallel_loop3A_359 = vector.shape_cast %parallel_loop3A_349 : vector<16xf32> to vector<16xf32>
      tpu.vector_store %arg11[%parallel_loop3A_356], %parallel_loop3A_359 {strides = array<i32>} : memref<2048xf32, #tpu.memory_space<vmem>>, vector<16xf32>,
      %parallel_loop3A_360 = arith.index_cast %parallel_loop3A_187 : i32 to index
      %parallel_loop3A_361 = tpu.vector_load %arg12[%parallel_loop3A_360] {strides = array<i32>} : memref<2048xf32, #tpu.memory_space<vmem>>, vector<16xf32>,
      %parallel_loop3A_362 = vector.shape_cast %parallel_loop3A_361 : vector<16xf32> to vector<16xf32>
      %parallel_loop3A_363 = vector.shape_cast %parallel_loop3A_350 : vector<16xf32> to vector<16xf32>
      tpu.vector_store %arg12[%parallel_loop3A_360], %parallel_loop3A_363 {strides = array<i32>} : memref<2048xf32, #tpu.memory_space<vmem>>, vector<16xf32>,
      %parallel_loop3A_364 = arith.index_cast %parallel_loop3A_187 : i32 to index
      %parallel_loop3A_365 = tpu.vector_load %arg13[%parallel_loop3A_364] {strides = array<i32>} : memref<2048xf32, #tpu.memory_space<vmem>>, vector<16xf32>,
      %parallel_loop3A_366 = vector.shape_cast %parallel_loop3A_365 : vector<16xf32> to vector<16xf32>
      %parallel_loop3A_367 = vector.shape_cast %parallel_loop3A_351 : vector<16xf32> to vector<16xf32>
      tpu.vector_store %arg13[%parallel_loop3A_364], %parallel_loop3A_367 {strides = array<i32>} : memref<2048xf32, #tpu.memory_space<vmem>>, vector<16xf32>,
    } {sc.loop_unroll_factor = 2 : i64, sc.parallel_access}
    "tpu.region"() ({
      %run_scoped3A = tpu.sem_alloc : memref<!tpu.dma_semaphore, #tpu.memory_space<semaphore_mem>>
      %dma_start3A_185 = arith.constant 0 : i32
      %dma_start3A_186 = tpu.memref_slice %arg4[%select_n3A, %select_n3A_30, %dma_start3A_185] : memref<4x8x2048xf32, #tpu.memory_space<hbm>> -> memref<1x1x2048xf32, #tpu.memory_space<hbm>>
      %dma_start3A_187 = tpu.memref_squeeze %dma_start3A_186 : memref<1x1x2048xf32, #tpu.memory_space<hbm>> -> memref<2048xf32, #tpu.memory_space<hbm>>
      %dma_start3A_188 = arith.constant 0 : i32
      %dma_start3A_189 = tpu.memref_slice %arg4[%select_n3A, %select_n3A_30, %dma_start3A_188] : memref<4x8x2048xf32, #tpu.memory_space<hbm>> -> memref<1x1x2048xf32, #tpu.memory_space<hbm>>
      %dma_start3A_190 = tpu.memref_squeeze %dma_start3A_189 : memref<1x1x2048xf32, #tpu.memory_space<hbm>> -> memref<2048xf32, #tpu.memory_space<hbm>>
      tpu.enqueue_dma source(%arg10 : memref<2048xf32, #tpu.memory_space<vmem>>) target(%dma_start3A_190 : memref<2048xf32, #tpu.memory_space<hbm>>) target_semaphore(%run_scoped3A : memref<!tpu.dma_semaphore, #tpu.memory_space<semaphore_mem>>)
      %dma_wait3A_191 = arith.constant 0 : i32
      %dma_wait3A_192 = tpu.memref_slice %arg4[%select_n3A, %select_n3A_30, %dma_wait3A_191] : memref<4x8x2048xf32, #tpu.memory_space<hbm>> -> memref<1x1x2048xf32, #tpu.memory_space<hbm>>
      %dma_wait3A_193 = tpu.memref_squeeze %dma_wait3A_192 : memref<1x1x2048xf32, #tpu.memory_space<hbm>> -> memref<2048xf32, #tpu.memory_space<hbm>>
      %dma_wait3A_194 = arith.constant 0 : i32
      %dma_wait3A_195 = tpu.memref_slice %arg4[%select_n3A, %select_n3A_30, %dma_wait3A_194] : memref<4x8x2048xf32, #tpu.memory_space<hbm>> -> memref<1x1x2048xf32, #tpu.memory_space<hbm>>
      %dma_wait3A_196 = tpu.memref_squeeze %dma_wait3A_195 : memref<1x1x2048xf32, #tpu.memory_space<hbm>> -> memref<2048xf32, #tpu.memory_space<hbm>>
      tpu.wait_dma2 semaphore(%run_scoped3A : memref<!tpu.dma_semaphore, #tpu.memory_space<semaphore_mem>>) src(%arg10 : memref<2048xf32, #tpu.memory_space<vmem>>) dst(%dma_wait3A_196 : memref<2048xf32, #tpu.memory_space<hbm>>)
      tpu.yield
    }) : () -> ()
    "tpu.region"() ({
      %run_scoped3A = tpu.sem_alloc : memref<!tpu.dma_semaphore, #tpu.memory_space<semaphore_mem>>
      %dma_start3A_185 = arith.constant 0 : i32
      %dma_start3A_186 = tpu.memref_slice %arg5[%select_n3A, %select_n3A_30, %dma_start3A_185] : memref<4x8x2048xf32, #tpu.memory_space<hbm>> -> memref<1x1x2048xf32, #tpu.memory_space<hbm>>
      %dma_start3A_187 = tpu.memref_squeeze %dma_start3A_186 : memref<1x1x2048xf32, #tpu.memory_space<hbm>> -> memref<2048xf32, #tpu.memory_space<hbm>>
      %dma_start3A_188 = arith.constant 0 : i32
      %dma_start3A_189 = tpu.memref_slice %arg5[%select_n3A, %select_n3A_30, %dma_start3A_188] : memref<4x8x2048xf32, #tpu.memory_space<hbm>> -> memref<1x1x2048xf32, #tpu.memory_space<hbm>>
      %dma_start3A_190 = tpu.memref_squeeze %dma_start3A_189 : memref<1x1x2048xf32, #tpu.memory_space<hbm>> -> memref<2048xf32, #tpu.memory_space<hbm>>
      tpu.enqueue_dma source(%arg11 : memref<2048xf32, #tpu.memory_space<vmem>>) target(%dma_start3A_190 : memref<2048xf32, #tpu.memory_space<hbm>>) target_semaphore(%run_scoped3A : memref<!tpu.dma_semaphore, #tpu.memory_space<semaphore_mem>>)
      %dma_wait3A_191 = arith.constant 0 : i32
      %dma_wait3A_192 = tpu.memref_slice %arg5[%select_n3A, %select_n3A_30, %dma_wait3A_191] : memref<4x8x2048xf32, #tpu.memory_space<hbm>> -> memref<1x1x2048xf32, #tpu.memory_space<hbm>>
      %dma_wait3A_193 = tpu.memref_squeeze %dma_wait3A_192 : memref<1x1x2048xf32, #tpu.memory_space<hbm>> -> memref<2048xf32, #tpu.memory_space<hbm>>
      %dma_wait3A_194 = arith.constant 0 : i32
      %dma_wait3A_195 = tpu.memref_slice %arg5[%select_n3A, %select_n3A_30, %dma_wait3A_194] : memref<4x8x2048xf32, #tpu.memory_space<hbm>> -> memref<1x1x2048xf32, #tpu.memory_space<hbm>>
      %dma_wait3A_196 = tpu.memref_squeeze %dma_wait3A_195 : memref<1x1x2048xf32, #tpu.memory_space<hbm>> -> memref<2048xf32, #tpu.memory_space<hbm>>
      tpu.wait_dma2 semaphore(%run_scoped3A : memref<!tpu.dma_semaphore, #tpu.memory_space<semaphore_mem>>) src(%arg11 : memref<2048xf32, #tpu.memory_space<vmem>>) dst(%dma_wait3A_196 : memref<2048xf32, #tpu.memory_space<hbm>>)
      tpu.yield
    }) : () -> ()
    "tpu.region"() ({
      %run_scoped3A = tpu.sem_alloc : memref<!tpu.dma_semaphore, #tpu.memory_space<semaphore_mem>>
      %dma_start3A_185 = arith.constant 0 : i32
      %dma_start3A_186 = tpu.memref_slice %arg6[%select_n3A, %select_n3A_30, %dma_start3A_185] : memref<4x8x2048xf32, #tpu.memory_space<hbm>> -> memref<1x1x2048xf32, #tpu.memory_space<hbm>>
      %dma_start3A_187 = tpu.memref_squeeze %dma_start3A_186 : memref<1x1x2048xf32, #tpu.memory_space<hbm>> -> memref<2048xf32, #tpu.memory_space<hbm>>
      %dma_start3A_188 = arith.constant 0 : i32
      %dma_start3A_189 = tpu.memref_slice %arg6[%select_n3A, %select_n3A_30, %dma_start3A_188] : memref<4x8x2048xf32, #tpu.memory_space<hbm>> -> memref<1x1x2048xf32, #tpu.memory_space<hbm>>
      %dma_start3A_190 = tpu.memref_squeeze %dma_start3A_189 : memref<1x1x2048xf32, #tpu.memory_space<hbm>> -> memref<2048xf32, #tpu.memory_space<hbm>>
      tpu.enqueue_dma source(%arg12 : memref<2048xf32, #tpu.memory_space<vmem>>) target(%dma_start3A_190 : memref<2048xf32, #tpu.memory_space<hbm>>) target_semaphore(%run_scoped3A : memref<!tpu.dma_semaphore, #tpu.memory_space<semaphore_mem>>)
      %dma_wait3A_191 = arith.constant 0 : i32
      %dma_wait3A_192 = tpu.memref_slice %arg6[%select_n3A, %select_n3A_30, %dma_wait3A_191] : memref<4x8x2048xf32, #tpu.memory_space<hbm>> -> memref<1x1x2048xf32, #tpu.memory_space<hbm>>
      %dma_wait3A_193 = tpu.memref_squeeze %dma_wait3A_192 : memref<1x1x2048xf32, #tpu.memory_space<hbm>> -> memref<2048xf32, #tpu.memory_space<hbm>>
      %dma_wait3A_194 = arith.constant 0 : i32
      %dma_wait3A_195 = tpu.memref_slice %arg6[%select_n3A, %select_n3A_30, %dma_wait3A_194] : memref<4x8x2048xf32, #tpu.memory_space<hbm>> -> memref<1x1x2048xf32, #tpu.memory_space<hbm>>
      %dma_wait3A_196 = tpu.memref_squeeze %dma_wait3A_195 : memref<1x1x2048xf32, #tpu.memory_space<hbm>> -> memref<2048xf32, #tpu.memory_space<hbm>>
      tpu.wait_dma2 semaphore(%run_scoped3A : memref<!tpu.dma_semaphore, #tpu.memory_space<semaphore_mem>>) src(%arg12 : memref<2048xf32, #tpu.memory_space<vmem>>) dst(%dma_wait3A_196 : memref<2048xf32, #tpu.memory_space<hbm>>)
      tpu.yield
    }) : () -> ()
    "tpu.region"() ({
      %run_scoped3A = tpu.sem_alloc : memref<!tpu.dma_semaphore, #tpu.memory_space<semaphore_mem>>
      %dma_start3A_185 = arith.constant 0 : i32
      %dma_start3A_186 = tpu.memref_slice %arg7[%select_n3A, %select_n3A_30, %dma_start3A_185] : memref<4x8x2048xf32, #tpu.memory_space<hbm>> -> memref<1x1x2048xf32, #tpu.memory_space<hbm>>
      %dma_start3A_187 = tpu.memref_squeeze %dma_start3A_186 : memref<1x1x2048xf32, #tpu.memory_space<hbm>> -> memref<2048xf32, #tpu.memory_space<hbm>>
      %dma_start3A_188 = arith.constant 0 : i32
      %dma_start3A_189 = tpu.memref_slice %arg7[%select_n3A, %select_n3A_30, %dma_start3A_188] : memref<4x8x2048xf32, #tpu.memory_space<hbm>> -> memref<1x1x2048xf32, #tpu.memory_space<hbm>>
      %dma_start3A_190 = tpu.memref_squeeze %dma_start3A_189 : memref<1x1x2048xf32, #tpu.memory_space<hbm>> -> memref<2048xf32, #tpu.memory_space<hbm>>
      tpu.enqueue_dma source(%arg13 : memref<2048xf32, #tpu.memory_space<vmem>>) target(%dma_start3A_190 : memref<2048xf32, #tpu.memory_space<hbm>>) target_semaphore(%run_scoped3A : memref<!tpu.dma_semaphore, #tpu.memory_space<semaphore_mem>>)
      %dma_wait3A_191 = arith.constant 0 : i32
      %dma_wait3A_192 = tpu.memref_slice %arg7[%select_n3A, %select_n3A_30, %dma_wait3A_191] : memref<4x8x2048xf32, #tpu.memory_space<hbm>> -> memref<1x1x2048xf32, #tpu.memory_space<hbm>>
      %dma_wait3A_193 = tpu.memref_squeeze %dma_wait3A_192 : memref<1x1x2048xf32, #tpu.memory_space<hbm>> -> memref<2048xf32, #tpu.memory_space<hbm>>
      %dma_wait3A_194 = arith.constant 0 : i32
      %dma_wait3A_195 = tpu.memref_slice %arg7[%select_n3A, %select_n3A_30, %dma_wait3A_194] : memref<4x8x2048xf32, #tpu.memory_space<hbm>> -> memref<1x1x2048xf32, #tpu.memory_space<hbm>>
      %dma_wait3A_196 = tpu.memref_squeeze %dma_wait3A_195 : memref<1x1x2048xf32, #tpu.memory_space<hbm>> -> memref<2048xf32, #tpu.memory_space<hbm>>
      tpu.wait_dma2 semaphore(%run_scoped3A : memref<!tpu.dma_semaphore, #tpu.memory_space<semaphore_mem>>) src(%arg13 : memref<2048xf32, #tpu.memory_space<vmem>>) dst(%dma_wait3A_196 : memref<2048xf32, #tpu.memory_space<hbm>>)
      tpu.yield
    }) : () -> ()
    return
  }
}

module attributes {stable_mosaic.version = 14 : i64} {
  func.func @_combine_body(%arg0: i32, %arg1: memref<1x8x2048xf32, #tpu.memory_space<vmem>>, %arg2: memref<1x8x2048xf32, #tpu.memory_space<vmem>>, %arg3: memref<1x8x2048xf32, #tpu.memory_space<vmem>>, %arg4: memref<1x8x2048xf32, #tpu.memory_space<vmem>>, %arg5: memref<1x8x2048xf32, #tpu.memory_space<vmem>>, %arg6: memref<1x8x2048xf32, #tpu.memory_space<vmem>>, %arg7: memref<1x8x2048xf32, #tpu.memory_space<vmem>>, %arg8: memref<1x8x2048xf32, #tpu.memory_space<vmem>>, %arg9: memref<1x1x2048xf32, #tpu.memory_space<vmem>>, %arg10: memref<1x1x2048xf32, #tpu.memory_space<vmem>>) attributes {dimension_semantics = [#tpu.dimension_semantics<arbitrary>], iteration_bounds = array<i64: 4>, scalar_prefetch = 0 : i64, scratch_operands = 0 : i64, tpu.core_type = #tpu.core_type<tc>, window_params = [{transform_indices = @transform_0, window_bounds = array<i64: 1, 8, 2048>}, {transform_indices = @transform_1, window_bounds = array<i64: 1, 8, 2048>}, {transform_indices = @transform_2, window_bounds = array<i64: 1, 8, 2048>}, {transform_indices = @transform_3, window_bounds = array<i64: 1, 8, 2048>}, {transform_indices = @transform_4, window_bounds = array<i64: 1, 8, 2048>}, {transform_indices = @transform_5, window_bounds = array<i64: 1, 8, 2048>}, {transform_indices = @transform_6, window_bounds = array<i64: 1, 8, 2048>}, {transform_indices = @transform_7, window_bounds = array<i64: 1, 8, 2048>}, {transform_indices = @transform_8, window_bounds = array<i64: 1, 1, 2048>}, {transform_indices = @transform_9, window_bounds = array<i64: 1, 1, 2048>}]} {
    %get3A = arith.constant 0 : index
    %get3A_0 = arith.constant 0 : index
    %get3A_1 = arith.constant 0 : index
    %get3A_2 = vector.load %arg1[%get3A, %get3A_0, %get3A_1] : memref<1x8x2048xf32, #tpu.memory_space<vmem>>, vector<1x8x2048xf32>
    %get3A_3 = vector.shape_cast %get3A_2 : vector<1x8x2048xf32> to vector<8x2048xf32>
    %reduce_sum3A = arith.constant dense<0.000000e+00> : vector<2048xf32>
    %reduce_sum3A_4 = vector.multi_reduction <add>, %get3A_3, %reduce_sum3A [0] : vector<8x2048xf32> to vector<2048xf32>
    %get3A_5 = arith.constant 0 : index
    %get3A_6 = arith.constant 0 : index
    %get3A_7 = arith.constant 0 : index
    %get3A_8 = vector.load %arg5[%get3A_5, %get3A_6, %get3A_7] : memref<1x8x2048xf32, #tpu.memory_space<vmem>>, vector<1x8x2048xf32>
    %get3A_9 = vector.shape_cast %get3A_8 : vector<1x8x2048xf32> to vector<8x2048xf32>
    %reduce_sum3A_10 = arith.constant dense<0.000000e+00> : vector<2048xf32>
    %reduce_sum3A_11 = vector.multi_reduction <add>, %get3A_9, %reduce_sum3A_10 [0] : vector<8x2048xf32> to vector<2048xf32>
    %add3A = arith.addf %reduce_sum3A_4, %reduce_sum3A_11 : vector<2048xf32>
    %get3A_12 = arith.constant 0 : index
    %get3A_13 = arith.constant 0 : index
    %get3A_14 = arith.constant 0 : index
    %get3A_15 = vector.load %arg2[%get3A_12, %get3A_13, %get3A_14] : memref<1x8x2048xf32, #tpu.memory_space<vmem>>, vector<1x8x2048xf32>
    %get3A_16 = vector.shape_cast %get3A_15 : vector<1x8x2048xf32> to vector<8x2048xf32>
    %reduce_sum3A_17 = arith.constant dense<0.000000e+00> : vector<2048xf32>
    %reduce_sum3A_18 = vector.multi_reduction <add>, %get3A_16, %reduce_sum3A_17 [0] : vector<8x2048xf32> to vector<2048xf32>
    %get3A_19 = arith.constant 0 : index
    %get3A_20 = arith.constant 0 : index
    %get3A_21 = arith.constant 0 : index
    %get3A_22 = vector.load %arg6[%get3A_19, %get3A_20, %get3A_21] : memref<1x8x2048xf32, #tpu.memory_space<vmem>>, vector<1x8x2048xf32>
    %get3A_23 = vector.shape_cast %get3A_22 : vector<1x8x2048xf32> to vector<8x2048xf32>
    %reduce_sum3A_24 = arith.constant dense<0.000000e+00> : vector<2048xf32>
    %reduce_sum3A_25 = vector.multi_reduction <add>, %get3A_23, %reduce_sum3A_24 [0] : vector<8x2048xf32> to vector<2048xf32>
    %add3A_26 = arith.addf %reduce_sum3A_18, %reduce_sum3A_25 : vector<2048xf32>
    %get3A_27 = arith.constant 0 : index
    %get3A_28 = arith.constant 0 : index
    %get3A_29 = arith.constant 0 : index
    %get3A_30 = vector.load %arg3[%get3A_27, %get3A_28, %get3A_29] : memref<1x8x2048xf32, #tpu.memory_space<vmem>>, vector<1x8x2048xf32>
    %get3A_31 = vector.shape_cast %get3A_30 : vector<1x8x2048xf32> to vector<8x2048xf32>
    %reduce_sum3A_32 = arith.constant dense<0.000000e+00> : vector<2048xf32>
    %reduce_sum3A_33 = vector.multi_reduction <add>, %get3A_31, %reduce_sum3A_32 [0] : vector<8x2048xf32> to vector<2048xf32>
    %get3A_34 = arith.constant 0 : index
    %get3A_35 = arith.constant 0 : index
    %get3A_36 = arith.constant 0 : index
    %get3A_37 = vector.load %arg7[%get3A_34, %get3A_35, %get3A_36] : memref<1x8x2048xf32, #tpu.memory_space<vmem>>, vector<1x8x2048xf32>
    %get3A_38 = vector.shape_cast %get3A_37 : vector<1x8x2048xf32> to vector<8x2048xf32>
    %reduce_sum3A_39 = arith.constant dense<0.000000e+00> : vector<2048xf32>
    %reduce_sum3A_40 = vector.multi_reduction <add>, %get3A_38, %reduce_sum3A_39 [0] : vector<8x2048xf32> to vector<2048xf32>
    %add3A_41 = arith.addf %reduce_sum3A_33, %reduce_sum3A_40 : vector<2048xf32>
    %get3A_42 = arith.constant 0 : index
    %get3A_43 = arith.constant 0 : index
    %get3A_44 = arith.constant 0 : index
    %get3A_45 = vector.load %arg4[%get3A_42, %get3A_43, %get3A_44] : memref<1x8x2048xf32, #tpu.memory_space<vmem>>, vector<1x8x2048xf32>
    %get3A_46 = vector.shape_cast %get3A_45 : vector<1x8x2048xf32> to vector<8x2048xf32>
    %reduce_max3A = arith.constant dense<0xFF800000> : vector<2048xf32>
    %reduce_max3A_47 = vector.multi_reduction <maximumf>, %get3A_46, %reduce_max3A [0] : vector<8x2048xf32> to vector<2048xf32>
    %get3A_48 = arith.constant 0 : index
    %get3A_49 = arith.constant 0 : index
    %get3A_50 = arith.constant 0 : index
    %get3A_51 = vector.load %arg8[%get3A_48, %get3A_49, %get3A_50] : memref<1x8x2048xf32, #tpu.memory_space<vmem>>, vector<1x8x2048xf32>
    %get3A_52 = vector.shape_cast %get3A_51 : vector<1x8x2048xf32> to vector<8x2048xf32>
    %reduce_max3A_53 = arith.constant dense<0xFF800000> : vector<2048xf32>
    %reduce_max3A_54 = vector.multi_reduction <maximumf>, %get3A_52, %reduce_max3A_53 [0] : vector<8x2048xf32> to vector<2048xf32>
    %max3A = arith.maximumf %reduce_max3A_47, %reduce_max3A_54 : vector<2048xf32>
    %eq3A = arith.constant 0.000000e+00 : f32
    %eq3A_55 = vector.broadcast %eq3A : f32 to vector<2048xf32>
    %eq3A_56 = arith.cmpf oeq, %add3A_26, %eq3A_55 : vector<2048xf32>
    %mul3A = arith.constant 4.8828125E-4 : f32
    %mul3A_57 = vector.broadcast %mul3A : f32 to vector<2048xf32>
    %mul3A_58 = arith.mulf %add3A_41, %mul3A_57 : vector<2048xf32>
    %add3A_59 = arith.constant 9.99999993E-9 : f32
    %add3A_60 = vector.broadcast %add3A_59 : f32 to vector<2048xf32>
    %add3A_61 = arith.addf %add3A_26, %add3A_60 : vector<2048xf32>
    %div3A = arith.divf %add3A, %add3A_61 : vector<2048xf32>
    %select_n3A = arith.select %eq3A_56, %mul3A_58, %div3A : vector<2048xi1>, vector<2048xf32>
    %swap3A = arith.constant 0 : index
    %swap3A_62 = arith.constant 0 : index
    %swap3A_63 = arith.constant 0 : index
    %swap3A_64 = vector.load %arg9[%swap3A, %swap3A_62, %swap3A_63] : memref<1x1x2048xf32, #tpu.memory_space<vmem>>, vector<1x1x2048xf32>
    %swap3A_65 = vector.shape_cast %swap3A_64 : vector<1x1x2048xf32> to vector<2048xf32>
    %swap3A_66 = vector.shape_cast %select_n3A : vector<2048xf32> to vector<1x1x2048xf32>
    tpu.vector_store %arg9[%swap3A, %swap3A_62, %swap3A_63], %swap3A_66 {strides = array<i32>} : memref<1x1x2048xf32, #tpu.memory_space<vmem>>, vector<1x1x2048xf32>,
    %swap3A_67 = arith.constant 0 : index
    %swap3A_68 = arith.constant 0 : index
    %swap3A_69 = arith.constant 0 : index
    %swap3A_70 = vector.load %arg10[%swap3A_67, %swap3A_68, %swap3A_69] : memref<1x1x2048xf32, #tpu.memory_space<vmem>>, vector<1x1x2048xf32>
    %swap3A_71 = vector.shape_cast %swap3A_70 : vector<1x1x2048xf32> to vector<2048xf32>
    %swap3A_72 = vector.shape_cast %max3A : vector<2048xf32> to vector<1x1x2048xf32>
    tpu.vector_store %arg10[%swap3A_67, %swap3A_68, %swap3A_69], %swap3A_72 {strides = array<i32>} : memref<1x1x2048xf32, #tpu.memory_space<vmem>>, vector<1x1x2048xf32>,
    return
  }
  func.func @transform_0(%arg0: i32) -> (i32, i32, i32) {
    %c0_i32 = arith.constant 0 : i32
    %c0_i32_0 = arith.constant 0 : i32
    %c0_i32_1 = arith.constant 0 : i32
    return %arg0, %c0_i32, %c0_i32_0 : i32, i32, i32
  }
  func.func @transform_1(%arg0: i32) -> (i32, i32, i32) {
    %c0_i32 = arith.constant 0 : i32
    %c0_i32_0 = arith.constant 0 : i32
    %c0_i32_1 = arith.constant 0 : i32
    return %arg0, %c0_i32, %c0_i32_0 : i32, i32, i32
  }
  func.func @transform_2(%arg0: i32) -> (i32, i32, i32) {
    %c0_i32 = arith.constant 0 : i32
    %c0_i32_0 = arith.constant 0 : i32
    %c0_i32_1 = arith.constant 0 : i32
    return %arg0, %c0_i32, %c0_i32_0 : i32, i32, i32
  }
  func.func @transform_3(%arg0: i32) -> (i32, i32, i32) {
    %c0_i32 = arith.constant 0 : i32
    %c0_i32_0 = arith.constant 0 : i32
    %c0_i32_1 = arith.constant 0 : i32
    return %arg0, %c0_i32, %c0_i32_0 : i32, i32, i32
  }
  func.func @transform_4(%arg0: i32) -> (i32, i32, i32) {
    %c0_i32 = arith.constant 0 : i32
    %c0_i32_0 = arith.constant 0 : i32
    %c0_i32_1 = arith.constant 0 : i32
    return %arg0, %c0_i32, %c0_i32_0 : i32, i32, i32
  }
  func.func @transform_5(%arg0: i32) -> (i32, i32, i32) {
    %c0_i32 = arith.constant 0 : i32
    %c0_i32_0 = arith.constant 0 : i32
    %c0_i32_1 = arith.constant 0 : i32
    return %arg0, %c0_i32, %c0_i32_0 : i32, i32, i32
  }
  func.func @transform_6(%arg0: i32) -> (i32, i32, i32) {
    %c0_i32 = arith.constant 0 : i32
    %c0_i32_0 = arith.constant 0 : i32
    %c0_i32_1 = arith.constant 0 : i32
    return %arg0, %c0_i32, %c0_i32_0 : i32, i32, i32
  }
  func.func @transform_7(%arg0: i32) -> (i32, i32, i32) {
    %c0_i32 = arith.constant 0 : i32
    %c0_i32_0 = arith.constant 0 : i32
    %c0_i32_1 = arith.constant 0 : i32
    return %arg0, %c0_i32, %c0_i32_0 : i32, i32, i32
  }
  func.func @transform_8(%arg0: i32) -> (i32, i32, i32) {
    %c0_i32 = arith.constant 0 : i32
    %c0_i32_0 = arith.constant 0 : i32
    %c0_i32_1 = arith.constant 0 : i32
    return %arg0, %c0_i32, %c0_i32_0 : i32, i32, i32
  }
  func.func @transform_9(%arg0: i32) -> (i32, i32, i32) {
    %c0_i32 = arith.constant 0 : i32
    %c0_i32_0 = arith.constant 0 : i32
    %c0_i32_1 = arith.constant 0 : i32
    return %arg0, %c0_i32, %c0_i32_0 : i32, i32, i32
  }
}

module attributes {stable_mosaic.version = 14 : i64} {
  func.func @_tc_body(%arg0: i32, %arg1: i32, %arg2: memref<1x256x2048xf32, #tpu.memory_space<vmem>>, %arg3: memref<1x256x2048xf32, #tpu.memory_space<vmem>>, %arg4: memref<1x8x2048xf32, #tpu.memory_space<vmem>>, %arg5: memref<1x8x2048xf32, #tpu.memory_space<vmem>>, %arg6: memref<1x8x2048xf32, #tpu.memory_space<vmem>>, %arg7: memref<1x8x2048xf32, #tpu.memory_space<vmem>>, %arg8: memref<8x2048xf32, #tpu.memory_space<vmem>>, %arg9: memref<8x2048xf32, #tpu.memory_space<vmem>>, %arg10: memref<8x2048xf32, #tpu.memory_space<vmem>>, %arg11: memref<8x2048xf32, #tpu.memory_space<vmem>>) attributes {dimension_semantics = [#tpu.dimension_semantics<arbitrary>, #tpu.dimension_semantics<arbitrary>], iteration_bounds = array<i64: 4, 5>, scalar_prefetch = 0 : i64, scratch_operands = 4 : i64, tpu.core_type = #tpu.core_type<tc>, window_params = [{transform_indices = @transform_0, window_bounds = array<i64: 1, 256, 2048>}, {transform_indices = @transform_1, window_bounds = array<i64: 1, 256, 2048>}, {transform_indices = @transform_2, window_bounds = array<i64: 1, 8, 2048>}, {transform_indices = @transform_3, window_bounds = array<i64: 1, 8, 2048>}, {transform_indices = @transform_4, window_bounds = array<i64: 1, 8, 2048>}, {transform_indices = @transform_5, window_bounds = array<i64: 1, 8, 2048>}]} {
    %eq3A = arith.constant 0 : i32
    %eq3A_0 = arith.cmpi eq, %arg1, %eq3A : i32
    %convert_element_type3A = arith.extui %eq3A_0 : i1 to i32
    %cond3A = arith.constant 0 : i32
    %cond3A_1 = arith.cmpi ne, %convert_element_type3A, %cond3A : i32
    scf.if %cond3A_1 {
      %broadcast_in_dim3A = arith.constant 0.000000e+00 : f32
      %broadcast_in_dim3A_506 = vector.broadcast %broadcast_in_dim3A : f32 to vector<8x2048xf32>
      %swap3A_507 = arith.constant 0 : index
      %swap3A_508 = arith.constant 0 : index
      %swap3A_509 = vector.load %arg8[%swap3A_507, %swap3A_508] : memref<8x2048xf32, #tpu.memory_space<vmem>>, vector<8x2048xf32>
      tpu.vector_store %arg8[%swap3A_507, %swap3A_508], %broadcast_in_dim3A_506 {strides = array<i32>} : memref<8x2048xf32, #tpu.memory_space<vmem>>, vector<8x2048xf32>,
      %broadcast_in_dim3A_510 = arith.constant 0.000000e+00 : f32
      %broadcast_in_dim3A_511 = vector.broadcast %broadcast_in_dim3A_510 : f32 to vector<8x2048xf32>
      %swap3A_512 = arith.constant 0 : index
      %swap3A_513 = arith.constant 0 : index
      %swap3A_514 = vector.load %arg9[%swap3A_512, %swap3A_513] : memref<8x2048xf32, #tpu.memory_space<vmem>>, vector<8x2048xf32>
      tpu.vector_store %arg9[%swap3A_512, %swap3A_513], %broadcast_in_dim3A_511 {strides = array<i32>} : memref<8x2048xf32, #tpu.memory_space<vmem>>, vector<8x2048xf32>,
      %broadcast_in_dim3A_515 = arith.constant 0.000000e+00 : f32
      %broadcast_in_dim3A_516 = vector.broadcast %broadcast_in_dim3A_515 : f32 to vector<8x2048xf32>
      %swap3A_517 = arith.constant 0 : index
      %swap3A_518 = arith.constant 0 : index
      %swap3A_519 = vector.load %arg10[%swap3A_517, %swap3A_518] : memref<8x2048xf32, #tpu.memory_space<vmem>>, vector<8x2048xf32>
      tpu.vector_store %arg10[%swap3A_517, %swap3A_518], %broadcast_in_dim3A_516 {strides = array<i32>} : memref<8x2048xf32, #tpu.memory_space<vmem>>, vector<8x2048xf32>,
      %broadcast_in_dim3A_520 = arith.constant 0xFF800000 : f32
      %broadcast_in_dim3A_521 = vector.broadcast %broadcast_in_dim3A_520 : f32 to vector<8x2048xf32>
      %swap3A_522 = arith.constant 0 : index
      %swap3A_523 = arith.constant 0 : index
      %swap3A_524 = vector.load %arg11[%swap3A_522, %swap3A_523] : memref<8x2048xf32, #tpu.memory_space<vmem>>, vector<8x2048xf32>
      tpu.vector_store %arg11[%swap3A_522, %swap3A_523], %broadcast_in_dim3A_521 {strides = array<i32>} : memref<8x2048xf32, #tpu.memory_space<vmem>>, vector<8x2048xf32>,
    } else {
    }
    %get3A = arith.constant 0 : index
    %get3A_2 = arith.constant 0 : index
    %get3A_3 = vector.load %arg8[%get3A, %get3A_2] : memref<8x2048xf32, #tpu.memory_space<vmem>>, vector<8x2048xf32>
    %get3A_4 = arith.constant 0 : index
    %get3A_5 = arith.constant 0 : index
    %get3A_6 = vector.load %arg9[%get3A_4, %get3A_5] : memref<8x2048xf32, #tpu.memory_space<vmem>>, vector<8x2048xf32>
    %get3A_7 = arith.constant 0 : index
    %get3A_8 = arith.constant 0 : index
    %get3A_9 = vector.load %arg10[%get3A_7, %get3A_8] : memref<8x2048xf32, #tpu.memory_space<vmem>>, vector<8x2048xf32>
    %get3A_10 = arith.constant 0 : index
    %get3A_11 = arith.constant 0 : index
    %get3A_12 = vector.load %arg11[%get3A_10, %get3A_11] : memref<8x2048xf32, #tpu.memory_space<vmem>>, vector<8x2048xf32>
    %get3A_13 = arith.constant 0 : index
    %get3A_14 = arith.constant 0 : index
    %get3A_15 = arith.constant 0 : index
    %get3A_16 = vector.load %arg2[%get3A_13, %get3A_14, %get3A_15] : memref<1x256x2048xf32, #tpu.memory_space<vmem>>, vector<1x8x2048xf32>
    %get3A_17 = vector.shape_cast %get3A_16 : vector<1x8x2048xf32> to vector<8x2048xf32>
    %get3A_18 = arith.constant 0 : index
    %get3A_19 = arith.constant 0 : index
    %get3A_20 = arith.constant 0 : index
    %get3A_21 = vector.load %arg3[%get3A_18, %get3A_19, %get3A_20] : memref<1x256x2048xf32, #tpu.memory_space<vmem>>, vector<1x8x2048xf32>
    %get3A_22 = vector.shape_cast %get3A_21 : vector<1x8x2048xf32> to vector<8x2048xf32>
    %mul3A = arith.mulf %get3A_17, %get3A_22 : vector<8x2048xf32>
    %add3A = arith.addf %get3A_3, %mul3A : vector<8x2048xf32>
    %add3A_23 = arith.addf %get3A_6, %get3A_22 : vector<8x2048xf32>
    %add3A_24 = arith.addf %get3A_9, %get3A_17 : vector<8x2048xf32>
    %max3A = arith.maximumf %get3A_12, %get3A_22 : vector<8x2048xf32>
    %get3A_25 = arith.constant 0 : index
    %get3A_26 = arith.constant 8 : index
    %get3A_27 = arith.constant 0 : index
    %get3A_28 = vector.load %arg2[%get3A_25, %get3A_26, %get3A_27] : memref<1x256x2048xf32, #tpu.memory_space<vmem>>, vector<1x8x2048xf32>
    %get3A_29 = vector.shape_cast %get3A_28 : vector<1x8x2048xf32> to vector<8x2048xf32>
    %get3A_30 = arith.constant 0 : index
    %get3A_31 = arith.constant 8 : index
    %get3A_32 = arith.constant 0 : index
    %get3A_33 = vector.load %arg3[%get3A_30, %get3A_31, %get3A_32] : memref<1x256x2048xf32, #tpu.memory_space<vmem>>, vector<1x8x2048xf32>
    %get3A_34 = vector.shape_cast %get3A_33 : vector<1x8x2048xf32> to vector<8x2048xf32>
    %mul3A_35 = arith.mulf %get3A_29, %get3A_34 : vector<8x2048xf32>
    %add3A_36 = arith.addf %add3A, %mul3A_35 : vector<8x2048xf32>
    %add3A_37 = arith.addf %add3A_23, %get3A_34 : vector<8x2048xf32>
    %add3A_38 = arith.addf %add3A_24, %get3A_29 : vector<8x2048xf32>
    %max3A_39 = arith.maximumf %max3A, %get3A_34 : vector<8x2048xf32>
    %get3A_40 = arith.constant 0 : index
    %get3A_41 = arith.constant 16 : index
    %get3A_42 = arith.constant 0 : index
    %get3A_43 = vector.load %arg2[%get3A_40, %get3A_41, %get3A_42] : memref<1x256x2048xf32, #tpu.memory_space<vmem>>, vector<1x8x2048xf32>
    %get3A_44 = vector.shape_cast %get3A_43 : vector<1x8x2048xf32> to vector<8x2048xf32>
    %get3A_45 = arith.constant 0 : index
    %get3A_46 = arith.constant 16 : index
    %get3A_47 = arith.constant 0 : index
    %get3A_48 = vector.load %arg3[%get3A_45, %get3A_46, %get3A_47] : memref<1x256x2048xf32, #tpu.memory_space<vmem>>, vector<1x8x2048xf32>
    %get3A_49 = vector.shape_cast %get3A_48 : vector<1x8x2048xf32> to vector<8x2048xf32>
    %mul3A_50 = arith.mulf %get3A_44, %get3A_49 : vector<8x2048xf32>
    %add3A_51 = arith.addf %add3A_36, %mul3A_50 : vector<8x2048xf32>
    %add3A_52 = arith.addf %add3A_37, %get3A_49 : vector<8x2048xf32>
    %add3A_53 = arith.addf %add3A_38, %get3A_44 : vector<8x2048xf32>
    %max3A_54 = arith.maximumf %max3A_39, %get3A_49 : vector<8x2048xf32>
    %get3A_55 = arith.constant 0 : index
    %get3A_56 = arith.constant 24 : index
    %get3A_57 = arith.constant 0 : index
    %get3A_58 = vector.load %arg2[%get3A_55, %get3A_56, %get3A_57] : memref<1x256x2048xf32, #tpu.memory_space<vmem>>, vector<1x8x2048xf32>
    %get3A_59 = vector.shape_cast %get3A_58 : vector<1x8x2048xf32> to vector<8x2048xf32>
    %get3A_60 = arith.constant 0 : index
    %get3A_61 = arith.constant 24 : index
    %get3A_62 = arith.constant 0 : index
    %get3A_63 = vector.load %arg3[%get3A_60, %get3A_61, %get3A_62] : memref<1x256x2048xf32, #tpu.memory_space<vmem>>, vector<1x8x2048xf32>
    %get3A_64 = vector.shape_cast %get3A_63 : vector<1x8x2048xf32> to vector<8x2048xf32>
    %mul3A_65 = arith.mulf %get3A_59, %get3A_64 : vector<8x2048xf32>
    %add3A_66 = arith.addf %add3A_51, %mul3A_65 : vector<8x2048xf32>
    %add3A_67 = arith.addf %add3A_52, %get3A_64 : vector<8x2048xf32>
    %add3A_68 = arith.addf %add3A_53, %get3A_59 : vector<8x2048xf32>
    %max3A_69 = arith.maximumf %max3A_54, %get3A_64 : vector<8x2048xf32>
    %get3A_70 = arith.constant 0 : index
    %get3A_71 = arith.constant 32 : index
    %get3A_72 = arith.constant 0 : index
    %get3A_73 = vector.load %arg2[%get3A_70, %get3A_71, %get3A_72] : memref<1x256x2048xf32, #tpu.memory_space<vmem>>, vector<1x8x2048xf32>
    %get3A_74 = vector.shape_cast %get3A_73 : vector<1x8x2048xf32> to vector<8x2048xf32>
    %get3A_75 = arith.constant 0 : index
    %get3A_76 = arith.constant 32 : index
    %get3A_77 = arith.constant 0 : index
    %get3A_78 = vector.load %arg3[%get3A_75, %get3A_76, %get3A_77] : memref<1x256x2048xf32, #tpu.memory_space<vmem>>, vector<1x8x2048xf32>
    %get3A_79 = vector.shape_cast %get3A_78 : vector<1x8x2048xf32> to vector<8x2048xf32>
    %mul3A_80 = arith.mulf %get3A_74, %get3A_79 : vector<8x2048xf32>
    %add3A_81 = arith.addf %add3A_66, %mul3A_80 : vector<8x2048xf32>
    %add3A_82 = arith.addf %add3A_67, %get3A_79 : vector<8x2048xf32>
    %add3A_83 = arith.addf %add3A_68, %get3A_74 : vector<8x2048xf32>
    %max3A_84 = arith.maximumf %max3A_69, %get3A_79 : vector<8x2048xf32>
    %get3A_85 = arith.constant 0 : index
    %get3A_86 = arith.constant 40 : index
    %get3A_87 = arith.constant 0 : index
    %get3A_88 = vector.load %arg2[%get3A_85, %get3A_86, %get3A_87] : memref<1x256x2048xf32, #tpu.memory_space<vmem>>, vector<1x8x2048xf32>
    %get3A_89 = vector.shape_cast %get3A_88 : vector<1x8x2048xf32> to vector<8x2048xf32>
    %get3A_90 = arith.constant 0 : index
    %get3A_91 = arith.constant 40 : index
    %get3A_92 = arith.constant 0 : index
    %get3A_93 = vector.load %arg3[%get3A_90, %get3A_91, %get3A_92] : memref<1x256x2048xf32, #tpu.memory_space<vmem>>, vector<1x8x2048xf32>
    %get3A_94 = vector.shape_cast %get3A_93 : vector<1x8x2048xf32> to vector<8x2048xf32>
    %mul3A_95 = arith.mulf %get3A_89, %get3A_94 : vector<8x2048xf32>
    %add3A_96 = arith.addf %add3A_81, %mul3A_95 : vector<8x2048xf32>
    %add3A_97 = arith.addf %add3A_82, %get3A_94 : vector<8x2048xf32>
    %add3A_98 = arith.addf %add3A_83, %get3A_89 : vector<8x2048xf32>
    %max3A_99 = arith.maximumf %max3A_84, %get3A_94 : vector<8x2048xf32>
    %get3A_100 = arith.constant 0 : index
    %get3A_101 = arith.constant 48 : index
    %get3A_102 = arith.constant 0 : index
    %get3A_103 = vector.load %arg2[%get3A_100, %get3A_101, %get3A_102] : memref<1x256x2048xf32, #tpu.memory_space<vmem>>, vector<1x8x2048xf32>
    %get3A_104 = vector.shape_cast %get3A_103 : vector<1x8x2048xf32> to vector<8x2048xf32>
    %get3A_105 = arith.constant 0 : index
    %get3A_106 = arith.constant 48 : index
    %get3A_107 = arith.constant 0 : index
    %get3A_108 = vector.load %arg3[%get3A_105, %get3A_106, %get3A_107] : memref<1x256x2048xf32, #tpu.memory_space<vmem>>, vector<1x8x2048xf32>
    %get3A_109 = vector.shape_cast %get3A_108 : vector<1x8x2048xf32> to vector<8x2048xf32>
    %mul3A_110 = arith.mulf %get3A_104, %get3A_109 : vector<8x2048xf32>
    %add3A_111 = arith.addf %add3A_96, %mul3A_110 : vector<8x2048xf32>
    %add3A_112 = arith.addf %add3A_97, %get3A_109 : vector<8x2048xf32>
    %add3A_113 = arith.addf %add3A_98, %get3A_104 : vector<8x2048xf32>
    %max3A_114 = arith.maximumf %max3A_99, %get3A_109 : vector<8x2048xf32>
    %get3A_115 = arith.constant 0 : index
    %get3A_116 = arith.constant 56 : index
    %get3A_117 = arith.constant 0 : index
    %get3A_118 = vector.load %arg2[%get3A_115, %get3A_116, %get3A_117] : memref<1x256x2048xf32, #tpu.memory_space<vmem>>, vector<1x8x2048xf32>
    %get3A_119 = vector.shape_cast %get3A_118 : vector<1x8x2048xf32> to vector<8x2048xf32>
    %get3A_120 = arith.constant 0 : index
    %get3A_121 = arith.constant 56 : index
    %get3A_122 = arith.constant 0 : index
    %get3A_123 = vector.load %arg3[%get3A_120, %get3A_121, %get3A_122] : memref<1x256x2048xf32, #tpu.memory_space<vmem>>, vector<1x8x2048xf32>
    %get3A_124 = vector.shape_cast %get3A_123 : vector<1x8x2048xf32> to vector<8x2048xf32>
    %mul3A_125 = arith.mulf %get3A_119, %get3A_124 : vector<8x2048xf32>
    %add3A_126 = arith.addf %add3A_111, %mul3A_125 : vector<8x2048xf32>
    %add3A_127 = arith.addf %add3A_112, %get3A_124 : vector<8x2048xf32>
    %add3A_128 = arith.addf %add3A_113, %get3A_119 : vector<8x2048xf32>
    %max3A_129 = arith.maximumf %max3A_114, %get3A_124 : vector<8x2048xf32>
    %get3A_130 = arith.constant 0 : index
    %get3A_131 = arith.constant 64 : index
    %get3A_132 = arith.constant 0 : index
    %get3A_133 = vector.load %arg2[%get3A_130, %get3A_131, %get3A_132] : memref<1x256x2048xf32, #tpu.memory_space<vmem>>, vector<1x8x2048xf32>
    %get3A_134 = vector.shape_cast %get3A_133 : vector<1x8x2048xf32> to vector<8x2048xf32>
    %get3A_135 = arith.constant 0 : index
    %get3A_136 = arith.constant 64 : index
    %get3A_137 = arith.constant 0 : index
    %get3A_138 = vector.load %arg3[%get3A_135, %get3A_136, %get3A_137] : memref<1x256x2048xf32, #tpu.memory_space<vmem>>, vector<1x8x2048xf32>
    %get3A_139 = vector.shape_cast %get3A_138 : vector<1x8x2048xf32> to vector<8x2048xf32>
    %mul3A_140 = arith.mulf %get3A_134, %get3A_139 : vector<8x2048xf32>
    %add3A_141 = arith.addf %add3A_126, %mul3A_140 : vector<8x2048xf32>
    %add3A_142 = arith.addf %add3A_127, %get3A_139 : vector<8x2048xf32>
    %add3A_143 = arith.addf %add3A_128, %get3A_134 : vector<8x2048xf32>
    %max3A_144 = arith.maximumf %max3A_129, %get3A_139 : vector<8x2048xf32>
    %get3A_145 = arith.constant 0 : index
    %get3A_146 = arith.constant 72 : index
    %get3A_147 = arith.constant 0 : index
    %get3A_148 = vector.load %arg2[%get3A_145, %get3A_146, %get3A_147] : memref<1x256x2048xf32, #tpu.memory_space<vmem>>, vector<1x8x2048xf32>
    %get3A_149 = vector.shape_cast %get3A_148 : vector<1x8x2048xf32> to vector<8x2048xf32>
    %get3A_150 = arith.constant 0 : index
    %get3A_151 = arith.constant 72 : index
    %get3A_152 = arith.constant 0 : index
    %get3A_153 = vector.load %arg3[%get3A_150, %get3A_151, %get3A_152] : memref<1x256x2048xf32, #tpu.memory_space<vmem>>, vector<1x8x2048xf32>
    %get3A_154 = vector.shape_cast %get3A_153 : vector<1x8x2048xf32> to vector<8x2048xf32>
    %mul3A_155 = arith.mulf %get3A_149, %get3A_154 : vector<8x2048xf32>
    %add3A_156 = arith.addf %add3A_141, %mul3A_155 : vector<8x2048xf32>
    %add3A_157 = arith.addf %add3A_142, %get3A_154 : vector<8x2048xf32>
    %add3A_158 = arith.addf %add3A_143, %get3A_149 : vector<8x2048xf32>
    %max3A_159 = arith.maximumf %max3A_144, %get3A_154 : vector<8x2048xf32>
    %get3A_160 = arith.constant 0 : index
    %get3A_161 = arith.constant 80 : index
    %get3A_162 = arith.constant 0 : index
    %get3A_163 = vector.load %arg2[%get3A_160, %get3A_161, %get3A_162] : memref<1x256x2048xf32, #tpu.memory_space<vmem>>, vector<1x8x2048xf32>
    %get3A_164 = vector.shape_cast %get3A_163 : vector<1x8x2048xf32> to vector<8x2048xf32>
    %get3A_165 = arith.constant 0 : index
    %get3A_166 = arith.constant 80 : index
    %get3A_167 = arith.constant 0 : index
    %get3A_168 = vector.load %arg3[%get3A_165, %get3A_166, %get3A_167] : memref<1x256x2048xf32, #tpu.memory_space<vmem>>, vector<1x8x2048xf32>
    %get3A_169 = vector.shape_cast %get3A_168 : vector<1x8x2048xf32> to vector<8x2048xf32>
    %mul3A_170 = arith.mulf %get3A_164, %get3A_169 : vector<8x2048xf32>
    %add3A_171 = arith.addf %add3A_156, %mul3A_170 : vector<8x2048xf32>
    %add3A_172 = arith.addf %add3A_157, %get3A_169 : vector<8x2048xf32>
    %add3A_173 = arith.addf %add3A_158, %get3A_164 : vector<8x2048xf32>
    %max3A_174 = arith.maximumf %max3A_159, %get3A_169 : vector<8x2048xf32>
    %get3A_175 = arith.constant 0 : index
    %get3A_176 = arith.constant 88 : index
    %get3A_177 = arith.constant 0 : index
    %get3A_178 = vector.load %arg2[%get3A_175, %get3A_176, %get3A_177] : memref<1x256x2048xf32, #tpu.memory_space<vmem>>, vector<1x8x2048xf32>
    %get3A_179 = vector.shape_cast %get3A_178 : vector<1x8x2048xf32> to vector<8x2048xf32>
    %get3A_180 = arith.constant 0 : index
    %get3A_181 = arith.constant 88 : index
    %get3A_182 = arith.constant 0 : index
    %get3A_183 = vector.load %arg3[%get3A_180, %get3A_181, %get3A_182] : memref<1x256x2048xf32, #tpu.memory_space<vmem>>, vector<1x8x2048xf32>
    %get3A_184 = vector.shape_cast %get3A_183 : vector<1x8x2048xf32> to vector<8x2048xf32>
    %mul3A_185 = arith.mulf %get3A_179, %get3A_184 : vector<8x2048xf32>
    %add3A_186 = arith.addf %add3A_171, %mul3A_185 : vector<8x2048xf32>
    %add3A_187 = arith.addf %add3A_172, %get3A_184 : vector<8x2048xf32>
    %add3A_188 = arith.addf %add3A_173, %get3A_179 : vector<8x2048xf32>
    %max3A_189 = arith.maximumf %max3A_174, %get3A_184 : vector<8x2048xf32>
    %get3A_190 = arith.constant 0 : index
    %get3A_191 = arith.constant 96 : index
    %get3A_192 = arith.constant 0 : index
    %get3A_193 = vector.load %arg2[%get3A_190, %get3A_191, %get3A_192] : memref<1x256x2048xf32, #tpu.memory_space<vmem>>, vector<1x8x2048xf32>
    %get3A_194 = vector.shape_cast %get3A_193 : vector<1x8x2048xf32> to vector<8x2048xf32>
    %get3A_195 = arith.constant 0 : index
    %get3A_196 = arith.constant 96 : index
    %get3A_197 = arith.constant 0 : index
    %get3A_198 = vector.load %arg3[%get3A_195, %get3A_196, %get3A_197] : memref<1x256x2048xf32, #tpu.memory_space<vmem>>, vector<1x8x2048xf32>
    %get3A_199 = vector.shape_cast %get3A_198 : vector<1x8x2048xf32> to vector<8x2048xf32>
    %mul3A_200 = arith.mulf %get3A_194, %get3A_199 : vector<8x2048xf32>
    %add3A_201 = arith.addf %add3A_186, %mul3A_200 : vector<8x2048xf32>
    %add3A_202 = arith.addf %add3A_187, %get3A_199 : vector<8x2048xf32>
    %add3A_203 = arith.addf %add3A_188, %get3A_194 : vector<8x2048xf32>
    %max3A_204 = arith.maximumf %max3A_189, %get3A_199 : vector<8x2048xf32>
    %get3A_205 = arith.constant 0 : index
    %get3A_206 = arith.constant 104 : index
    %get3A_207 = arith.constant 0 : index
    %get3A_208 = vector.load %arg2[%get3A_205, %get3A_206, %get3A_207] : memref<1x256x2048xf32, #tpu.memory_space<vmem>>, vector<1x8x2048xf32>
    %get3A_209 = vector.shape_cast %get3A_208 : vector<1x8x2048xf32> to vector<8x2048xf32>
    %get3A_210 = arith.constant 0 : index
    %get3A_211 = arith.constant 104 : index
    %get3A_212 = arith.constant 0 : index
    %get3A_213 = vector.load %arg3[%get3A_210, %get3A_211, %get3A_212] : memref<1x256x2048xf32, #tpu.memory_space<vmem>>, vector<1x8x2048xf32>
    %get3A_214 = vector.shape_cast %get3A_213 : vector<1x8x2048xf32> to vector<8x2048xf32>
    %mul3A_215 = arith.mulf %get3A_209, %get3A_214 : vector<8x2048xf32>
    %add3A_216 = arith.addf %add3A_201, %mul3A_215 : vector<8x2048xf32>
    %add3A_217 = arith.addf %add3A_202, %get3A_214 : vector<8x2048xf32>
    %add3A_218 = arith.addf %add3A_203, %get3A_209 : vector<8x2048xf32>
    %max3A_219 = arith.maximumf %max3A_204, %get3A_214 : vector<8x2048xf32>
    %get3A_220 = arith.constant 0 : index
    %get3A_221 = arith.constant 112 : index
    %get3A_222 = arith.constant 0 : index
    %get3A_223 = vector.load %arg2[%get3A_220, %get3A_221, %get3A_222] : memref<1x256x2048xf32, #tpu.memory_space<vmem>>, vector<1x8x2048xf32>
    %get3A_224 = vector.shape_cast %get3A_223 : vector<1x8x2048xf32> to vector<8x2048xf32>
    %get3A_225 = arith.constant 0 : index
    %get3A_226 = arith.constant 112 : index
    %get3A_227 = arith.constant 0 : index
    %get3A_228 = vector.load %arg3[%get3A_225, %get3A_226, %get3A_227] : memref<1x256x2048xf32, #tpu.memory_space<vmem>>, vector<1x8x2048xf32>
    %get3A_229 = vector.shape_cast %get3A_228 : vector<1x8x2048xf32> to vector<8x2048xf32>
    %mul3A_230 = arith.mulf %get3A_224, %get3A_229 : vector<8x2048xf32>
    %add3A_231 = arith.addf %add3A_216, %mul3A_230 : vector<8x2048xf32>
    %add3A_232 = arith.addf %add3A_217, %get3A_229 : vector<8x2048xf32>
    %add3A_233 = arith.addf %add3A_218, %get3A_224 : vector<8x2048xf32>
    %max3A_234 = arith.maximumf %max3A_219, %get3A_229 : vector<8x2048xf32>
    %get3A_235 = arith.constant 0 : index
    %get3A_236 = arith.constant 120 : index
    %get3A_237 = arith.constant 0 : index
    %get3A_238 = vector.load %arg2[%get3A_235, %get3A_236, %get3A_237] : memref<1x256x2048xf32, #tpu.memory_space<vmem>>, vector<1x8x2048xf32>
    %get3A_239 = vector.shape_cast %get3A_238 : vector<1x8x2048xf32> to vector<8x2048xf32>
    %get3A_240 = arith.constant 0 : index
    %get3A_241 = arith.constant 120 : index
    %get3A_242 = arith.constant 0 : index
    %get3A_243 = vector.load %arg3[%get3A_240, %get3A_241, %get3A_242] : memref<1x256x2048xf32, #tpu.memory_space<vmem>>, vector<1x8x2048xf32>
    %get3A_244 = vector.shape_cast %get3A_243 : vector<1x8x2048xf32> to vector<8x2048xf32>
    %mul3A_245 = arith.mulf %get3A_239, %get3A_244 : vector<8x2048xf32>
    %add3A_246 = arith.addf %add3A_231, %mul3A_245 : vector<8x2048xf32>
    %add3A_247 = arith.addf %add3A_232, %get3A_244 : vector<8x2048xf32>
    %add3A_248 = arith.addf %add3A_233, %get3A_239 : vector<8x2048xf32>
    %max3A_249 = arith.maximumf %max3A_234, %get3A_244 : vector<8x2048xf32>
    %get3A_250 = arith.constant 0 : index
    %get3A_251 = arith.constant 128 : index
    %get3A_252 = arith.constant 0 : index
    %get3A_253 = vector.load %arg2[%get3A_250, %get3A_251, %get3A_252] : memref<1x256x2048xf32, #tpu.memory_space<vmem>>, vector<1x8x2048xf32>
    %get3A_254 = vector.shape_cast %get3A_253 : vector<1x8x2048xf32> to vector<8x2048xf32>
    %get3A_255 = arith.constant 0 : index
    %get3A_256 = arith.constant 128 : index
    %get3A_257 = arith.constant 0 : index
    %get3A_258 = vector.load %arg3[%get3A_255, %get3A_256, %get3A_257] : memref<1x256x2048xf32, #tpu.memory_space<vmem>>, vector<1x8x2048xf32>
    %get3A_259 = vector.shape_cast %get3A_258 : vector<1x8x2048xf32> to vector<8x2048xf32>
    %mul3A_260 = arith.mulf %get3A_254, %get3A_259 : vector<8x2048xf32>
    %add3A_261 = arith.addf %add3A_246, %mul3A_260 : vector<8x2048xf32>
    %add3A_262 = arith.addf %add3A_247, %get3A_259 : vector<8x2048xf32>
    %add3A_263 = arith.addf %add3A_248, %get3A_254 : vector<8x2048xf32>
    %max3A_264 = arith.maximumf %max3A_249, %get3A_259 : vector<8x2048xf32>
    %get3A_265 = arith.constant 0 : index
    %get3A_266 = arith.constant 136 : index
    %get3A_267 = arith.constant 0 : index
    %get3A_268 = vector.load %arg2[%get3A_265, %get3A_266, %get3A_267] : memref<1x256x2048xf32, #tpu.memory_space<vmem>>, vector<1x8x2048xf32>
    %get3A_269 = vector.shape_cast %get3A_268 : vector<1x8x2048xf32> to vector<8x2048xf32>
    %get3A_270 = arith.constant 0 : index
    %get3A_271 = arith.constant 136 : index
    %get3A_272 = arith.constant 0 : index
    %get3A_273 = vector.load %arg3[%get3A_270, %get3A_271, %get3A_272] : memref<1x256x2048xf32, #tpu.memory_space<vmem>>, vector<1x8x2048xf32>
    %get3A_274 = vector.shape_cast %get3A_273 : vector<1x8x2048xf32> to vector<8x2048xf32>
    %mul3A_275 = arith.mulf %get3A_269, %get3A_274 : vector<8x2048xf32>
    %add3A_276 = arith.addf %add3A_261, %mul3A_275 : vector<8x2048xf32>
    %add3A_277 = arith.addf %add3A_262, %get3A_274 : vector<8x2048xf32>
    %add3A_278 = arith.addf %add3A_263, %get3A_269 : vector<8x2048xf32>
    %max3A_279 = arith.maximumf %max3A_264, %get3A_274 : vector<8x2048xf32>
    %get3A_280 = arith.constant 0 : index
    %get3A_281 = arith.constant 144 : index
    %get3A_282 = arith.constant 0 : index
    %get3A_283 = vector.load %arg2[%get3A_280, %get3A_281, %get3A_282] : memref<1x256x2048xf32, #tpu.memory_space<vmem>>, vector<1x8x2048xf32>
    %get3A_284 = vector.shape_cast %get3A_283 : vector<1x8x2048xf32> to vector<8x2048xf32>
    %get3A_285 = arith.constant 0 : index
    %get3A_286 = arith.constant 144 : index
    %get3A_287 = arith.constant 0 : index
    %get3A_288 = vector.load %arg3[%get3A_285, %get3A_286, %get3A_287] : memref<1x256x2048xf32, #tpu.memory_space<vmem>>, vector<1x8x2048xf32>
    %get3A_289 = vector.shape_cast %get3A_288 : vector<1x8x2048xf32> to vector<8x2048xf32>
    %mul3A_290 = arith.mulf %get3A_284, %get3A_289 : vector<8x2048xf32>
    %add3A_291 = arith.addf %add3A_276, %mul3A_290 : vector<8x2048xf32>
    %add3A_292 = arith.addf %add3A_277, %get3A_289 : vector<8x2048xf32>
    %add3A_293 = arith.addf %add3A_278, %get3A_284 : vector<8x2048xf32>
    %max3A_294 = arith.maximumf %max3A_279, %get3A_289 : vector<8x2048xf32>
    %get3A_295 = arith.constant 0 : index
    %get3A_296 = arith.constant 152 : index
    %get3A_297 = arith.constant 0 : index
    %get3A_298 = vector.load %arg2[%get3A_295, %get3A_296, %get3A_297] : memref<1x256x2048xf32, #tpu.memory_space<vmem>>, vector<1x8x2048xf32>
    %get3A_299 = vector.shape_cast %get3A_298 : vector<1x8x2048xf32> to vector<8x2048xf32>
    %get3A_300 = arith.constant 0 : index
    %get3A_301 = arith.constant 152 : index
    %get3A_302 = arith.constant 0 : index
    %get3A_303 = vector.load %arg3[%get3A_300, %get3A_301, %get3A_302] : memref<1x256x2048xf32, #tpu.memory_space<vmem>>, vector<1x8x2048xf32>
    %get3A_304 = vector.shape_cast %get3A_303 : vector<1x8x2048xf32> to vector<8x2048xf32>
    %mul3A_305 = arith.mulf %get3A_299, %get3A_304 : vector<8x2048xf32>
    %add3A_306 = arith.addf %add3A_291, %mul3A_305 : vector<8x2048xf32>
    %add3A_307 = arith.addf %add3A_292, %get3A_304 : vector<8x2048xf32>
    %add3A_308 = arith.addf %add3A_293, %get3A_299 : vector<8x2048xf32>
    %max3A_309 = arith.maximumf %max3A_294, %get3A_304 : vector<8x2048xf32>
    %get3A_310 = arith.constant 0 : index
    %get3A_311 = arith.constant 160 : index
    %get3A_312 = arith.constant 0 : index
    %get3A_313 = vector.load %arg2[%get3A_310, %get3A_311, %get3A_312] : memref<1x256x2048xf32, #tpu.memory_space<vmem>>, vector<1x8x2048xf32>
    %get3A_314 = vector.shape_cast %get3A_313 : vector<1x8x2048xf32> to vector<8x2048xf32>
    %get3A_315 = arith.constant 0 : index
    %get3A_316 = arith.constant 160 : index
    %get3A_317 = arith.constant 0 : index
    %get3A_318 = vector.load %arg3[%get3A_315, %get3A_316, %get3A_317] : memref<1x256x2048xf32, #tpu.memory_space<vmem>>, vector<1x8x2048xf32>
    %get3A_319 = vector.shape_cast %get3A_318 : vector<1x8x2048xf32> to vector<8x2048xf32>
    %mul3A_320 = arith.mulf %get3A_314, %get3A_319 : vector<8x2048xf32>
    %add3A_321 = arith.addf %add3A_306, %mul3A_320 : vector<8x2048xf32>
    %add3A_322 = arith.addf %add3A_307, %get3A_319 : vector<8x2048xf32>
    %add3A_323 = arith.addf %add3A_308, %get3A_314 : vector<8x2048xf32>
    %max3A_324 = arith.maximumf %max3A_309, %get3A_319 : vector<8x2048xf32>
    %get3A_325 = arith.constant 0 : index
    %get3A_326 = arith.constant 168 : index
    %get3A_327 = arith.constant 0 : index
    %get3A_328 = vector.load %arg2[%get3A_325, %get3A_326, %get3A_327] : memref<1x256x2048xf32, #tpu.memory_space<vmem>>, vector<1x8x2048xf32>
    %get3A_329 = vector.shape_cast %get3A_328 : vector<1x8x2048xf32> to vector<8x2048xf32>
    %get3A_330 = arith.constant 0 : index
    %get3A_331 = arith.constant 168 : index
    %get3A_332 = arith.constant 0 : index
    %get3A_333 = vector.load %arg3[%get3A_330, %get3A_331, %get3A_332] : memref<1x256x2048xf32, #tpu.memory_space<vmem>>, vector<1x8x2048xf32>
    %get3A_334 = vector.shape_cast %get3A_333 : vector<1x8x2048xf32> to vector<8x2048xf32>
    %mul3A_335 = arith.mulf %get3A_329, %get3A_334 : vector<8x2048xf32>
    %add3A_336 = arith.addf %add3A_321, %mul3A_335 : vector<8x2048xf32>
    %add3A_337 = arith.addf %add3A_322, %get3A_334 : vector<8x2048xf32>
    %add3A_338 = arith.addf %add3A_323, %get3A_329 : vector<8x2048xf32>
    %max3A_339 = arith.maximumf %max3A_324, %get3A_334 : vector<8x2048xf32>
    %get3A_340 = arith.constant 0 : index
    %get3A_341 = arith.constant 176 : index
    %get3A_342 = arith.constant 0 : index
    %get3A_343 = vector.load %arg2[%get3A_340, %get3A_341, %get3A_342] : memref<1x256x2048xf32, #tpu.memory_space<vmem>>, vector<1x8x2048xf32>
    %get3A_344 = vector.shape_cast %get3A_343 : vector<1x8x2048xf32> to vector<8x2048xf32>
    %get3A_345 = arith.constant 0 : index
    %get3A_346 = arith.constant 176 : index
    %get3A_347 = arith.constant 0 : index
    %get3A_348 = vector.load %arg3[%get3A_345, %get3A_346, %get3A_347] : memref<1x256x2048xf32, #tpu.memory_space<vmem>>, vector<1x8x2048xf32>
    %get3A_349 = vector.shape_cast %get3A_348 : vector<1x8x2048xf32> to vector<8x2048xf32>
    %mul3A_350 = arith.mulf %get3A_344, %get3A_349 : vector<8x2048xf32>
    %add3A_351 = arith.addf %add3A_336, %mul3A_350 : vector<8x2048xf32>
    %add3A_352 = arith.addf %add3A_337, %get3A_349 : vector<8x2048xf32>
    %add3A_353 = arith.addf %add3A_338, %get3A_344 : vector<8x2048xf32>
    %max3A_354 = arith.maximumf %max3A_339, %get3A_349 : vector<8x2048xf32>
    %get3A_355 = arith.constant 0 : index
    %get3A_356 = arith.constant 184 : index
    %get3A_357 = arith.constant 0 : index
    %get3A_358 = vector.load %arg2[%get3A_355, %get3A_356, %get3A_357] : memref<1x256x2048xf32, #tpu.memory_space<vmem>>, vector<1x8x2048xf32>
    %get3A_359 = vector.shape_cast %get3A_358 : vector<1x8x2048xf32> to vector<8x2048xf32>
    %get3A_360 = arith.constant 0 : index
    %get3A_361 = arith.constant 184 : index
    %get3A_362 = arith.constant 0 : index
    %get3A_363 = vector.load %arg3[%get3A_360, %get3A_361, %get3A_362] : memref<1x256x2048xf32, #tpu.memory_space<vmem>>, vector<1x8x2048xf32>
    %get3A_364 = vector.shape_cast %get3A_363 : vector<1x8x2048xf32> to vector<8x2048xf32>
    %mul3A_365 = arith.mulf %get3A_359, %get3A_364 : vector<8x2048xf32>
    %add3A_366 = arith.addf %add3A_351, %mul3A_365 : vector<8x2048xf32>
    %add3A_367 = arith.addf %add3A_352, %get3A_364 : vector<8x2048xf32>
    %add3A_368 = arith.addf %add3A_353, %get3A_359 : vector<8x2048xf32>
    %max3A_369 = arith.maximumf %max3A_354, %get3A_364 : vector<8x2048xf32>
    %get3A_370 = arith.constant 0 : index
    %get3A_371 = arith.constant 192 : index
    %get3A_372 = arith.constant 0 : index
    %get3A_373 = vector.load %arg2[%get3A_370, %get3A_371, %get3A_372] : memref<1x256x2048xf32, #tpu.memory_space<vmem>>, vector<1x8x2048xf32>
    %get3A_374 = vector.shape_cast %get3A_373 : vector<1x8x2048xf32> to vector<8x2048xf32>
    %get3A_375 = arith.constant 0 : index
    %get3A_376 = arith.constant 192 : index
    %get3A_377 = arith.constant 0 : index
    %get3A_378 = vector.load %arg3[%get3A_375, %get3A_376, %get3A_377] : memref<1x256x2048xf32, #tpu.memory_space<vmem>>, vector<1x8x2048xf32>
    %get3A_379 = vector.shape_cast %get3A_378 : vector<1x8x2048xf32> to vector<8x2048xf32>
    %mul3A_380 = arith.mulf %get3A_374, %get3A_379 : vector<8x2048xf32>
    %add3A_381 = arith.addf %add3A_366, %mul3A_380 : vector<8x2048xf32>
    %add3A_382 = arith.addf %add3A_367, %get3A_379 : vector<8x2048xf32>
    %add3A_383 = arith.addf %add3A_368, %get3A_374 : vector<8x2048xf32>
    %max3A_384 = arith.maximumf %max3A_369, %get3A_379 : vector<8x2048xf32>
    %get3A_385 = arith.constant 0 : index
    %get3A_386 = arith.constant 200 : index
    %get3A_387 = arith.constant 0 : index
    %get3A_388 = vector.load %arg2[%get3A_385, %get3A_386, %get3A_387] : memref<1x256x2048xf32, #tpu.memory_space<vmem>>, vector<1x8x2048xf32>
    %get3A_389 = vector.shape_cast %get3A_388 : vector<1x8x2048xf32> to vector<8x2048xf32>
    %get3A_390 = arith.constant 0 : index
    %get3A_391 = arith.constant 200 : index
    %get3A_392 = arith.constant 0 : index
    %get3A_393 = vector.load %arg3[%get3A_390, %get3A_391, %get3A_392] : memref<1x256x2048xf32, #tpu.memory_space<vmem>>, vector<1x8x2048xf32>
    %get3A_394 = vector.shape_cast %get3A_393 : vector<1x8x2048xf32> to vector<8x2048xf32>
    %mul3A_395 = arith.mulf %get3A_389, %get3A_394 : vector<8x2048xf32>
    %add3A_396 = arith.addf %add3A_381, %mul3A_395 : vector<8x2048xf32>
    %add3A_397 = arith.addf %add3A_382, %get3A_394 : vector<8x2048xf32>
    %add3A_398 = arith.addf %add3A_383, %get3A_389 : vector<8x2048xf32>
    %max3A_399 = arith.maximumf %max3A_384, %get3A_394 : vector<8x2048xf32>
    %get3A_400 = arith.constant 0 : index
    %get3A_401 = arith.constant 208 : index
    %get3A_402 = arith.constant 0 : index
    %get3A_403 = vector.load %arg2[%get3A_400, %get3A_401, %get3A_402] : memref<1x256x2048xf32, #tpu.memory_space<vmem>>, vector<1x8x2048xf32>
    %get3A_404 = vector.shape_cast %get3A_403 : vector<1x8x2048xf32> to vector<8x2048xf32>
    %get3A_405 = arith.constant 0 : index
    %get3A_406 = arith.constant 208 : index
    %get3A_407 = arith.constant 0 : index
    %get3A_408 = vector.load %arg3[%get3A_405, %get3A_406, %get3A_407] : memref<1x256x2048xf32, #tpu.memory_space<vmem>>, vector<1x8x2048xf32>
    %get3A_409 = vector.shape_cast %get3A_408 : vector<1x8x2048xf32> to vector<8x2048xf32>
    %mul3A_410 = arith.mulf %get3A_404, %get3A_409 : vector<8x2048xf32>
    %add3A_411 = arith.addf %add3A_396, %mul3A_410 : vector<8x2048xf32>
    %add3A_412 = arith.addf %add3A_397, %get3A_409 : vector<8x2048xf32>
    %add3A_413 = arith.addf %add3A_398, %get3A_404 : vector<8x2048xf32>
    %max3A_414 = arith.maximumf %max3A_399, %get3A_409 : vector<8x2048xf32>
    %get3A_415 = arith.constant 0 : index
    %get3A_416 = arith.constant 216 : index
    %get3A_417 = arith.constant 0 : index
    %get3A_418 = vector.load %arg2[%get3A_415, %get3A_416, %get3A_417] : memref<1x256x2048xf32, #tpu.memory_space<vmem>>, vector<1x8x2048xf32>
    %get3A_419 = vector.shape_cast %get3A_418 : vector<1x8x2048xf32> to vector<8x2048xf32>
    %get3A_420 = arith.constant 0 : index
    %get3A_421 = arith.constant 216 : index
    %get3A_422 = arith.constant 0 : index
    %get3A_423 = vector.load %arg3[%get3A_420, %get3A_421, %get3A_422] : memref<1x256x2048xf32, #tpu.memory_space<vmem>>, vector<1x8x2048xf32>
    %get3A_424 = vector.shape_cast %get3A_423 : vector<1x8x2048xf32> to vector<8x2048xf32>
    %mul3A_425 = arith.mulf %get3A_419, %get3A_424 : vector<8x2048xf32>
    %add3A_426 = arith.addf %add3A_411, %mul3A_425 : vector<8x2048xf32>
    %add3A_427 = arith.addf %add3A_412, %get3A_424 : vector<8x2048xf32>
    %add3A_428 = arith.addf %add3A_413, %get3A_419 : vector<8x2048xf32>
    %max3A_429 = arith.maximumf %max3A_414, %get3A_424 : vector<8x2048xf32>
    %get3A_430 = arith.constant 0 : index
    %get3A_431 = arith.constant 224 : index
    %get3A_432 = arith.constant 0 : index
    %get3A_433 = vector.load %arg2[%get3A_430, %get3A_431, %get3A_432] : memref<1x256x2048xf32, #tpu.memory_space<vmem>>, vector<1x8x2048xf32>
    %get3A_434 = vector.shape_cast %get3A_433 : vector<1x8x2048xf32> to vector<8x2048xf32>
    %get3A_435 = arith.constant 0 : index
    %get3A_436 = arith.constant 224 : index
    %get3A_437 = arith.constant 0 : index
    %get3A_438 = vector.load %arg3[%get3A_435, %get3A_436, %get3A_437] : memref<1x256x2048xf32, #tpu.memory_space<vmem>>, vector<1x8x2048xf32>
    %get3A_439 = vector.shape_cast %get3A_438 : vector<1x8x2048xf32> to vector<8x2048xf32>
    %mul3A_440 = arith.mulf %get3A_434, %get3A_439 : vector<8x2048xf32>
    %add3A_441 = arith.addf %add3A_426, %mul3A_440 : vector<8x2048xf32>
    %add3A_442 = arith.addf %add3A_427, %get3A_439 : vector<8x2048xf32>
    %add3A_443 = arith.addf %add3A_428, %get3A_434 : vector<8x2048xf32>
    %max3A_444 = arith.maximumf %max3A_429, %get3A_439 : vector<8x2048xf32>
    %get3A_445 = arith.constant 0 : index
    %get3A_446 = arith.constant 232 : index
    %get3A_447 = arith.constant 0 : index
    %get3A_448 = vector.load %arg2[%get3A_445, %get3A_446, %get3A_447] : memref<1x256x2048xf32, #tpu.memory_space<vmem>>, vector<1x8x2048xf32>
    %get3A_449 = vector.shape_cast %get3A_448 : vector<1x8x2048xf32> to vector<8x2048xf32>
    %get3A_450 = arith.constant 0 : index
    %get3A_451 = arith.constant 232 : index
    %get3A_452 = arith.constant 0 : index
    %get3A_453 = vector.load %arg3[%get3A_450, %get3A_451, %get3A_452] : memref<1x256x2048xf32, #tpu.memory_space<vmem>>, vector<1x8x2048xf32>
    %get3A_454 = vector.shape_cast %get3A_453 : vector<1x8x2048xf32> to vector<8x2048xf32>
    %mul3A_455 = arith.mulf %get3A_449, %get3A_454 : vector<8x2048xf32>
    %add3A_456 = arith.addf %add3A_441, %mul3A_455 : vector<8x2048xf32>
    %add3A_457 = arith.addf %add3A_442, %get3A_454 : vector<8x2048xf32>
    %add3A_458 = arith.addf %add3A_443, %get3A_449 : vector<8x2048xf32>
    %max3A_459 = arith.maximumf %max3A_444, %get3A_454 : vector<8x2048xf32>
    %get3A_460 = arith.constant 0 : index
    %get3A_461 = arith.constant 240 : index
    %get3A_462 = arith.constant 0 : index
    %get3A_463 = vector.load %arg2[%get3A_460, %get3A_461, %get3A_462] : memref<1x256x2048xf32, #tpu.memory_space<vmem>>, vector<1x8x2048xf32>
    %get3A_464 = vector.shape_cast %get3A_463 : vector<1x8x2048xf32> to vector<8x2048xf32>
    %get3A_465 = arith.constant 0 : index
    %get3A_466 = arith.constant 240 : index
    %get3A_467 = arith.constant 0 : index
    %get3A_468 = vector.load %arg3[%get3A_465, %get3A_466, %get3A_467] : memref<1x256x2048xf32, #tpu.memory_space<vmem>>, vector<1x8x2048xf32>
    %get3A_469 = vector.shape_cast %get3A_468 : vector<1x8x2048xf32> to vector<8x2048xf32>
    %mul3A_470 = arith.mulf %get3A_464, %get3A_469 : vector<8x2048xf32>
    %add3A_471 = arith.addf %add3A_456, %mul3A_470 : vector<8x2048xf32>
    %add3A_472 = arith.addf %add3A_457, %get3A_469 : vector<8x2048xf32>
    %add3A_473 = arith.addf %add3A_458, %get3A_464 : vector<8x2048xf32>
    %max3A_474 = arith.maximumf %max3A_459, %get3A_469 : vector<8x2048xf32>
    %get3A_475 = arith.constant 0 : index
    %get3A_476 = arith.constant 248 : index
    %get3A_477 = arith.constant 0 : index
    %get3A_478 = vector.load %arg2[%get3A_475, %get3A_476, %get3A_477] : memref<1x256x2048xf32, #tpu.memory_space<vmem>>, vector<1x8x2048xf32>
    %get3A_479 = vector.shape_cast %get3A_478 : vector<1x8x2048xf32> to vector<8x2048xf32>
    %get3A_480 = arith.constant 0 : index
    %get3A_481 = arith.constant 248 : index
    %get3A_482 = arith.constant 0 : index
    %get3A_483 = vector.load %arg3[%get3A_480, %get3A_481, %get3A_482] : memref<1x256x2048xf32, #tpu.memory_space<vmem>>, vector<1x8x2048xf32>
    %get3A_484 = vector.shape_cast %get3A_483 : vector<1x8x2048xf32> to vector<8x2048xf32>
    %mul3A_485 = arith.mulf %get3A_479, %get3A_484 : vector<8x2048xf32>
    %add3A_486 = arith.addf %add3A_471, %mul3A_485 : vector<8x2048xf32>
    %add3A_487 = arith.addf %add3A_472, %get3A_484 : vector<8x2048xf32>
    %add3A_488 = arith.addf %add3A_473, %get3A_479 : vector<8x2048xf32>
    %max3A_489 = arith.maximumf %max3A_474, %get3A_484 : vector<8x2048xf32>
    %swap3A = arith.constant 0 : index
    %swap3A_490 = arith.constant 0 : index
    %swap3A_491 = vector.load %arg8[%swap3A, %swap3A_490] : memref<8x2048xf32, #tpu.memory_space<vmem>>, vector<8x2048xf32>
    tpu.vector_store %arg8[%swap3A, %swap3A_490], %add3A_486 {strides = array<i32>} : memref<8x2048xf32, #tpu.memory_space<vmem>>, vector<8x2048xf32>,
    %swap3A_492 = arith.constant 0 : index
    %swap3A_493 = arith.constant 0 : index
    %swap3A_494 = vector.load %arg9[%swap3A_492, %swap3A_493] : memref<8x2048xf32, #tpu.memory_space<vmem>>, vector<8x2048xf32>
    tpu.vector_store %arg9[%swap3A_492, %swap3A_493], %add3A_487 {strides = array<i32>} : memref<8x2048xf32, #tpu.memory_space<vmem>>, vector<8x2048xf32>,
    %swap3A_495 = arith.constant 0 : index
    %swap3A_496 = arith.constant 0 : index
    %swap3A_497 = vector.load %arg10[%swap3A_495, %swap3A_496] : memref<8x2048xf32, #tpu.memory_space<vmem>>, vector<8x2048xf32>
    tpu.vector_store %arg10[%swap3A_495, %swap3A_496], %add3A_488 {strides = array<i32>} : memref<8x2048xf32, #tpu.memory_space<vmem>>, vector<8x2048xf32>,
    %swap3A_498 = arith.constant 0 : index
    %swap3A_499 = arith.constant 0 : index
    %swap3A_500 = vector.load %arg11[%swap3A_498, %swap3A_499] : memref<8x2048xf32, #tpu.memory_space<vmem>>, vector<8x2048xf32>
    tpu.vector_store %arg11[%swap3A_498, %swap3A_499], %max3A_489 {strides = array<i32>} : memref<8x2048xf32, #tpu.memory_space<vmem>>, vector<8x2048xf32>,
    %eq3A_501 = arith.constant 4 : i32
    %eq3A_502 = arith.cmpi eq, %arg1, %eq3A_501 : i32
    %convert_element_type3A_503 = arith.extui %eq3A_502 : i1 to i32
    %cond3A_504 = arith.constant 0 : i32
    %cond3A_505 = arith.cmpi ne, %convert_element_type3A_503, %cond3A_504 : i32
    scf.if %cond3A_505 {
      %get3A_506 = arith.constant 0 : index
      %get3A_507 = arith.constant 0 : index
      %get3A_508 = vector.load %arg8[%get3A_506, %get3A_507] : memref<8x2048xf32, #tpu.memory_space<vmem>>, vector<8x2048xf32>
      %swap3A_509 = arith.constant 0 : index
      %swap3A_510 = arith.constant 0 : index
      %swap3A_511 = arith.constant 0 : index
      %swap3A_512 = vector.load %arg4[%swap3A_509, %swap3A_510, %swap3A_511] : memref<1x8x2048xf32, #tpu.memory_space<vmem>>, vector<1x8x2048xf32>
      %swap3A_513 = vector.shape_cast %swap3A_512 : vector<1x8x2048xf32> to vector<8x2048xf32>
      %swap3A_514 = vector.shape_cast %get3A_508 : vector<8x2048xf32> to vector<1x8x2048xf32>
      tpu.vector_store %arg4[%swap3A_509, %swap3A_510, %swap3A_511], %swap3A_514 {strides = array<i32>} : memref<1x8x2048xf32, #tpu.memory_space<vmem>>, vector<1x8x2048xf32>,
      %get3A_515 = arith.constant 0 : index
      %get3A_516 = arith.constant 0 : index
      %get3A_517 = vector.load %arg9[%get3A_515, %get3A_516] : memref<8x2048xf32, #tpu.memory_space<vmem>>, vector<8x2048xf32>
      %swap3A_518 = arith.constant 0 : index
      %swap3A_519 = arith.constant 0 : index
      %swap3A_520 = arith.constant 0 : index
      %swap3A_521 = vector.load %arg5[%swap3A_518, %swap3A_519, %swap3A_520] : memref<1x8x2048xf32, #tpu.memory_space<vmem>>, vector<1x8x2048xf32>
      %swap3A_522 = vector.shape_cast %swap3A_521 : vector<1x8x2048xf32> to vector<8x2048xf32>
      %swap3A_523 = vector.shape_cast %get3A_517 : vector<8x2048xf32> to vector<1x8x2048xf32>
      tpu.vector_store %arg5[%swap3A_518, %swap3A_519, %swap3A_520], %swap3A_523 {strides = array<i32>} : memref<1x8x2048xf32, #tpu.memory_space<vmem>>, vector<1x8x2048xf32>,
      %get3A_524 = arith.constant 0 : index
      %get3A_525 = arith.constant 0 : index
      %get3A_526 = vector.load %arg10[%get3A_524, %get3A_525] : memref<8x2048xf32, #tpu.memory_space<vmem>>, vector<8x2048xf32>
      %swap3A_527 = arith.constant 0 : index
      %swap3A_528 = arith.constant 0 : index
      %swap3A_529 = arith.constant 0 : index
      %swap3A_530 = vector.load %arg6[%swap3A_527, %swap3A_528, %swap3A_529] : memref<1x8x2048xf32, #tpu.memory_space<vmem>>, vector<1x8x2048xf32>
      %swap3A_531 = vector.shape_cast %swap3A_530 : vector<1x8x2048xf32> to vector<8x2048xf32>
      %swap3A_532 = vector.shape_cast %get3A_526 : vector<8x2048xf32> to vector<1x8x2048xf32>
      tpu.vector_store %arg6[%swap3A_527, %swap3A_528, %swap3A_529], %swap3A_532 {strides = array<i32>} : memref<1x8x2048xf32, #tpu.memory_space<vmem>>, vector<1x8x2048xf32>,
      %get3A_533 = arith.constant 0 : index
      %get3A_534 = arith.constant 0 : index
      %get3A_535 = vector.load %arg11[%get3A_533, %get3A_534] : memref<8x2048xf32, #tpu.memory_space<vmem>>, vector<8x2048xf32>
      %swap3A_536 = arith.constant 0 : index
      %swap3A_537 = arith.constant 0 : index
      %swap3A_538 = arith.constant 0 : index
      %swap3A_539 = vector.load %arg7[%swap3A_536, %swap3A_537, %swap3A_538] : memref<1x8x2048xf32, #tpu.memory_space<vmem>>, vector<1x8x2048xf32>
      %swap3A_540 = vector.shape_cast %swap3A_539 : vector<1x8x2048xf32> to vector<8x2048xf32>
      %swap3A_541 = vector.shape_cast %get3A_535 : vector<8x2048xf32> to vector<1x8x2048xf32>
      tpu.vector_store %arg7[%swap3A_536, %swap3A_537, %swap3A_538], %swap3A_541 {strides = array<i32>} : memref<1x8x2048xf32, #tpu.memory_space<vmem>>, vector<1x8x2048xf32>,
    } else {
    }
    return
  }
  func.func @transform_0(%arg0: i32, %arg1: i32) -> (i32, i32, i32) {
    %add3A = arith.constant 8 : i32
    %add3A_0 = arith.addi %add3A, %arg1 : i32
    %c0_i32 = arith.constant 0 : i32
    %c0_i32_1 = arith.constant 0 : i32
    return %arg0, %add3A_0, %c0_i32 : i32, i32, i32
  }
  func.func @transform_1(%arg0: i32, %arg1: i32) -> (i32, i32, i32) {
    %add3A = arith.constant 8 : i32
    %add3A_0 = arith.addi %add3A, %arg1 : i32
    %c0_i32 = arith.constant 0 : i32
    %c0_i32_1 = arith.constant 0 : i32
    return %arg0, %add3A_0, %c0_i32 : i32, i32, i32
  }
  func.func @transform_2(%arg0: i32, %arg1: i32) -> (i32, i32, i32) {
    %c0_i32 = arith.constant 0 : i32
    %c0_i32_0 = arith.constant 0 : i32
    %c0_i32_1 = arith.constant 0 : i32
    return %arg0, %c0_i32, %c0_i32_0 : i32, i32, i32
  }
  func.func @transform_3(%arg0: i32, %arg1: i32) -> (i32, i32, i32) {
    %c0_i32 = arith.constant 0 : i32
    %c0_i32_0 = arith.constant 0 : i32
    %c0_i32_1 = arith.constant 0 : i32
    return %arg0, %c0_i32, %c0_i32_0 : i32, i32, i32
  }
  func.func @transform_4(%arg0: i32, %arg1: i32) -> (i32, i32, i32) {
    %c0_i32 = arith.constant 0 : i32
    %c0_i32_0 = arith.constant 0 : i32
    %c0_i32_1 = arith.constant 0 : i32
    return %arg0, %c0_i32, %c0_i32_0 : i32, i32, i32
  }
  func.func @transform_5(%arg0: i32, %arg1: i32) -> (i32, i32, i32) {
    %c0_i32 = arith.constant 0 : i32
    %c0_i32_0 = arith.constant 0 : i32
    %c0_i32_1 = arith.constant 0 : i32
    return %arg0, %c0_i32, %c0_i32_0 : i32, i32, i32
  }
}

</mosaic_0001>

<sc_bundles>
// kernel: kernel.5.cloned.1.call-start
scs
__scs_entry_jumppad:
0x0: {  	(pc) =	sbr.rel $0x88, $3  }
0x1: {  	(tag) =	ssettag $0x0;
	lr =	simm.s32 $0x1  }
0x2: {  	[smem:$0x3F9F] =	sst lr;
	_ =	strace $0xD0000000  }
0x3: {  	_ = 	snop  }
0x4: {  	_ = 	snop  }
0x5: {  	_ = 	snop  }
0x6: {  	_ = 	snop  }
0x7: {  	_ = 	snop  }
__scs_overlays_trampoline_lowered:
0x8: {  	[smem:$0x3FAE] =	sst s0  }
0x9: {  	[smem:$0x3FAF] =	sst s1  }
0xa: {  	[smem:$0x3FB0] =	sst s2  }
0xb: {  	[smem:$0x3FB1] =	sst s3  }
0xc: {  	[smem:$0x3FB2] =	sst s4  }
0xd: {  	[smem:$0x3FB3] =	sst s5  }
0xe: {  	[smem:$0x3FB4] =	sst s6  }
0xf: {  	[smem:$0x3FB5] =	sst s7  }
0x10: {  	[smem:$0x3FB6] =	sst s8  }
0x11: {  	[smem:$0x3FB7] =	sst s9;
	s0 =	simm.s32 @!p0 $0x0  }
0x12: {  	s1 =	sld [smem:$0x3F9D];
	s0 =	simm.s32 @p0 $0x1  }
0x13: {  	[smem:$0x3FB8] =	sst s0;
	s0 =	simm.s32 @!p1 $0x0  }
0x14: {  	s2 =	sld [smem:$0x3F9C];
	s0 =	simm.s32 @p1 $0x1  }
0x15: {  	[smem:$0x3FB9] =	sst s0;
	s0 =	simm.s32 @!p2 $0x0  }
0x16: {  	s3 =	sld [smem:$0x3FDB];
	s0 =	simm.s32 @p2 $0x1  }
0x17: {  	s4 =	simm.s32 $0x1BF5;
	[smem:$0x3FBB] =	sst s0  }
0x18: {  	s0 =	sld [smem:$0x3F9E];
	_ =	swait.ge [sflag:s4], $0x0  }
0x19: {  	s7 =	sld [smem:$0x3F9F]  }
0x1a: {  	s8 =	sadd.s32 $0xFFFFE003, lr  }
0x1b: {  	s9 =	sadd.s32 $0xFFFFFEF7, lr;
	s5 =	simm.s32 $0xFFFFFFFF;
	p2 =	slt.u32 s8, $0xFFFFF086  }
0x1c: {  	p1 =	slt.u32 s9, $0xF7A;
	s5 =	simm.s32 @!p2 $0x0  }
0x1d: {  	s5 =	simm.s32 @p1 $0x1;
	p0 =	seq.s32 s7, s2  }
0x1e: {  	s7 =	smul.u32 @!p0 $0xF7A, s2;
	p2 =	seq.s32 @!p0 s5, $0x0  }
0x1f: {  	s9 =	smul.u32 $0xF7A, s1;
	s8 =	simm.s32 @!p0 $0x1BF5;
	p2 =	por !p2, p0  }
0x20: {  	[sflag:s8] =	ssyncset.s32 @!p0 $0xFFFFF086;
	s6 =	sadd.s32 @!p0 s3, s7;
	s7 =	simm.s32 @!p0 $0x108  }
0x21: {  	s3 =	sadd.s32 s3, s9;
	s6 =	sadd.s32 @!p0 $0x88, s6;
	s7 =	simm.s32 @p2 $0x1082  }
0x22: {  	[simem:s7], [sflag:s8] =	dma.local @!p0 [hbm:s6], $0xF7A  }
0x23: {  	s9 =	sor.u32 $0xD0000000, s2;
	s6 =	simm.s32 $0x108;
	_ =	swait.ge @!p0 [sflag:s8], $0x0  }
0x24: {  	s3 =	sadd.s32 $0x88, s3;
	s6 =	simm.s32 @!p1 $0x1082;
	[sflag:s4] =	ssyncset.s32 $0xFFFFF086  }
0x25: {  	[simem:s6], [sflag:s4] =	dma.local [hbm:s3], $0xF7A  }
0x26: {  	[smem:$0x3F9F] =	sst s1;
	(tag) =	ssettag s2;
	_ =	strace s9  }
0x27: {  	s1 =	sld [smem:$0x3FAF]  }
0x28: {  	s2 =	sld [smem:$0x3FB0]  }
0x29: {  	s4 =	sld [smem:$0x3FB2]  }
0x2a: {  	p0 =	seq.s32 s5, $0x0;
	s5 =	sld [smem:$0x3FB3]  }
0x2b: {  	s6 =	sld [smem:$0x3FB4]  }
0x2c: {  	s7 =	sld [smem:$0x3FB5]  }
0x2d: {  	s3 =	simm.s32 $0x108;
	s8 =	sld [smem:$0x3FB6]  }
0x2e: {  	s3 =	simm.s32 @!p0 $0x1082;
	s9 =	sld [smem:$0x3FB7]  }
0x2f: {  	lr =	sadd.s32 s0, s3;
	s0 =	sld [smem:$0x3FAE]  }
0x30: {  	s3 =	sld [smem:$0x3FB1]  }
0x31: {  	[smem:$0x3FBA] =	sst s10  }
0x32: {  	s10 =	sld [smem:$0x3FB8];
	_ =	sdelay $0x3  }
0x33: {  	p0 =	seq.s32 s10, $0x1;
	s10 =	sld [smem:$0x3FBA];
	_ =	sdelay $0x3  }
0x34: {  	[smem:$0x3FBA] =	sst s10  }
0x35: {  	s10 =	sld [smem:$0x3FB9];
	_ =	sdelay $0x3  }
0x36: {  	p1 =	seq.s32 s10, $0x1;
	s10 =	sld [smem:$0x3FBA];
	_ =	sdelay $0x3  }
0x37: {  	[smem:$0x3FBA] =	sst s10  }
0x38: {  	s10 =	sld [smem:$0x3FBB]  }
0x39: {  	_ = 	snop;
	(pc) =	sbr.ind lr, $3  }
0x3a: {  	_ = 	snop  }
0x3b: {  	_ = 	snop  }
0x3c: {  	p2 =	seq.s32 s10, $0x1;
	s10 =	sld [smem:$0x3FBA]  }
0x3d: {  	_ =	shalt  }
0x3e: {  	_ =	shalt  }
0x3f: {  	_ =	shalt  }
0x40: {  	_ =	shalt  }
0x41: {  	_ =	shalt  }
0x42: {  	_ =	shalt  }
0x43: {  	_ =	shalt  }
0x44: {  	_ =	shalt  }
0x45: {  	_ =	shalt  }
0x46: {  	_ =	shalt  }
0x47: {  	_ =	shalt  }
0x48: {  	_ =	shalt  }
0x49: {  	_ =	shalt  }
0x4a: {  	_ =	shalt  }
0x4b: {  	_ =	shalt  }
0x4c: {  	_ =	shalt  }
0x4d: {  	_ =	shalt  }
0x4e: {  	_ =	shalt  }
0x4f: {  	_ =	shalt  }
0x50: {  	_ =	shalt  }
0x51: {  	_ =	shalt  }
0x52: {  	_ =	shalt  }
0x53: {  	_ =	shalt  }
0x54: {  	_ =	shalt  }
0x55: {  	_ =	shalt  }
0x56: {  	_ =	shalt  }
0x57: {  	_ =	shalt  }
0x58: {  	_ =	shalt  }
0x59: {  	_ =	shalt  }
0x5a: {  	_ =	shalt  }
0x5b: {  	_ =	shalt  }
0x5c: {  	_ =	shalt  }
0x5d: {  	_ =	shalt  }
0x5e: {  	_ =	shalt  }
0x5f: {  	_ =	shalt  }
0x60: {  	_ =	shalt  }
0x61: {  	_ =	shalt  }
0x62: {  	_ =	shalt  }
0x63: {  	_ =	shalt  }
0x64: {  	_ =	shalt  }
0x65: {  	_ =	shalt  }
0x66: {  	_ =	shalt  }
0x67: {  	_ =	shalt  }
0x68: {  	_ =	shalt  }
0x69: {  	_ =	shalt  }
0x6a: {  	_ =	shalt  }
0x6b: {  	_ =	shalt  }
0x6c: {  	_ =	shalt  }
0x6d: {  	_ =	shalt  }
0x6e: {  	_ =	shalt  }
0x6f: {  	_ =	shalt  }
0x70: {  	_ =	shalt  }
0x71: {  	_ =	shalt  }
0x72: {  	_ =	shalt  }
0x73: {  	_ =	shalt  }
0x74: {  	_ =	shalt  }
0x75: {  	_ =	shalt  }
0x76: {  	_ =	shalt  }
0x77: {  	_ =	shalt  }
0x78: {  	_ =	shalt  }
0x79: {  	_ =	shalt  }
0x7a: {  	_ =	shalt  }
0x7b: {  	_ =	shalt  }
0x7c: {  	_ =	shalt  }
0x7d: {  	_ =	shalt  }
0x7e: {  	_ =	shalt  }
0x7f: {  	_ =	shalt  }
0x80: {  	_ =	shalt  }
0x81: {  	_ =	shalt  }
0x82: {  	_ =	shalt  }
0x83: {  	_ =	shalt  }
0x84: {  	_ =	shalt  }
0x85: {  	_ =	shalt  }
0x86: {  	_ =	shalt  }
0x87: {  	_ =	shalt  }
.Lfunc_end0:
.L_simem_size_0:
called_computation_lowered:
.L_overlay_start_0:
0x88: {  	s2 =	sld [smem:$0x3FD9]  }
0x89: {  	s3 =	sld [smem:$0x3FFE];
	_ =	sdelay $0x1  }
0x8a: {  	s1 =	srdreg.scid  }
0x8b: {  	s0 =	sand.u32 $0x1, s1  }
0x8c: {  	s17 =	sshll.u32 s0, $0xA;
	s2 =	sadd.s32 s3, s2  }
0x8d: {  	s2 =	sadd.s32 s2, s17  }
0x8e: {  	[smem:$0x3FC6] =	sst s2  }
0x8f: {  	_ = 	snop  }
0x90: {  	s2 =	sld [smem:$0x3FC9]  }
0x91: {  	s18 =	sld [smem:$0x3FC8];
	(tm) =	ssettm $0x1  }
0x92: {  	s4 =	sld [smem:$0x3FFB];
	_ =	sdelay $0x3  }
0x93: {  	_ =	strace s4  }
0x94: {  	s4 =	sld [smem:$0x3FFC];
	_ =	sdelay $0x3  }
0x95: {  	_ =	strace s4  }
0x96: {  	s4 =	sld [smem:$0x3FFD];
	_ =	sdelay $0x3  }
0x97: {  	_ =	strace s4  }
0x98: {  	_ =	strace $0x8FFFFFFF  }
0x99: {  	s19 =	sld [smem:$0x3FDB];
	_ =	sdelay $0x1  }
0x9a: {  	s5 =	simm.s32 $_scs_section_size  }
0x9b: {  	s6 =	simm.s32 $_size__tile_overlayer_lowered;
	s7 =	simm.s32 $_tile_overlayer_lowered  }
0x9c: {  	s22 =	simm.s32 $0x1BFF;
	s21 =	sshll.u32 s7, $0x1;
	s4 =	sadd.s32 s5, s19  }
0x9d: {  	s8 =	simm.s32 $0x0;
	s20 =	sshll.u32 s6, $0x1;
	s6 =	sadd.s32 s21, s4  }
0x9e: {  	[timem:s8], [sflag:s22] =	dma.local [hbm:s6], s20  }
0x9f: {  	_ =	swait.ge [sflag:s22], s20  }
0xa0: {  	s5 =	ssub.s32 $0x0, s20;
	[sflag:s22] =	ssyncset.done $0x0  }
0xa1: {  	[sflag:s22] =	ssyncadd.s32 s5;
	_ =	sdelay $0x1  }
0xa2: {  	s23 =	simm.s32 $0x1B8B  }
0xa3: {  	_ =	swait.ge [sflag:s23], $0x1  }
0xa4: {  	[sflag:s23] =	ssyncset.done $0x0  }
0xa5: {  	s25 =	simm.s32 $0x1B8E;
	s24 =	sld [smem:$0x3FFE];
	[sflag:s23] =	ssyncadd.s32 $0xFFFFFFFF  }
0xa6: {  	s26 =	simm.s32 $execute0_lowered;
	[smem:$0x3FD2] =	sst s25  }
0xa7: {  	s6 =	sshll.u32 s26, $0x1;
	_ =	strace $0x80000046;
	[dreg:$0x1] =	wrdreg $0xFFFFFFFF  }
0xa8: {  	s28 =	simm.s32 $_size_execute0_lowered;
	s4 =	sadd.s32 s4, s6;
	[dreg:$0x0] =	wrdreg $0x0  }
0xa9: {  	s6 =	sshll.u32 s28, $0x1;
	[dreg:$0x2] =	wrdreg s4  }
0xaa: {  	[dreg:$0x3] =	wrdreg s6  }
0xab: {  	[dreg:$0x4] =	wrdreg $0xC0  }
0xac: {  	_ =	task [dreg:s8], $0x5FFFF  }
0xad: {  	[dreg:$0x1] =	wrdreg $0xFFFFFFFF  }
0xae: {  	[dreg:$0x0] =	wrdreg $0x60  }
0xaf: {  	[dreg:$0x2] =	wrdreg s2  }
0xb0: {  	[dreg:$0x3] =	wrdreg s18  }
0xb1: {  	[dreg:$0x4] =	wrdreg s24  }
0xb2: {  	[dreg:$0x5] =	wrdreg $0x9  }
0xb3: {  	_ =	task.clear_ibuf [dreg:s8], $0x6FFFF;
	_ =	strace $0x90000046  }
0xb4: {  	s29 =	simm.s32 $0x9;
	_ =	strace $0x80000048  }
0xb5: {  	_ =	swait.ge [sflag:s29], $0x1  }
0xb6: {  	[sflag:s29] =	ssyncadd.s32 $0xFFFFFFFF  }
0xb7: {  	_ =	strace $0x90000048  }
0xb8: {  	_ =	sfence  }
0xb9: {  	s30 =	sld [smem:$0x0];
	_ =	sdelay $0x2  }
0xba: {  	s31 =	sshll.u32 s1, $0xD;
	s1 =	sshrl.u32 s1, $0x2  }
0xbb: {  	s3 =	sand.u32 $0x4000, s31;
	s1 =	sadd.s32 s1, s30  }
0xbc: {  	s0 =	sor.u32 s3, s0;
	s1 =	sshll.u32 s1, $0x11  }
0xbd: {  	s0 =	sor.u32 s1, s0  }
0xbe: {  	s0 =	sadd.s32 $0x8F2B, s0  }
0xbf: {  	[sflag:s0] =	ssyncadd.remote.s32 $0x1  }
0xc0: {  	_ =	sfence.sel $0xFFFF  }
0xc1: {  	[dreg:$0x0] =	wrdreg $0xFFFFFFFF;
	(pc) =	sbr.abs _section_cstart, $3  }
0xc2: {  	[dreg:$0x1] =	wrdreg $0xFFFFFFFF  }
0xc3: {  	_ =	task.clear_ibuf [dreg:s8], $0x2FFFF;
	_ =	strace $0x9FFFFFFF  }
0xc4: {  	(tm) =	ssettm $0x7FFFFFFF  }
0xc5: {  	_ =	shalt  }
tec
execute0_lowered:
.L_overlay_start_1:
0x0: {  	(tag) =	ssettag $0x1  }
0x1: {  	s2 =	rddreg [dreg:$0x0]  }
0x2: {  	s3 =	rddreg [dreg:$0x1]  }
0x3: {  	s0 =	rddreg [dreg:$0x2]  }
0x4: {  	s6 =	stileid.u32;
	s1 =	srdreg.scid  }
0x5: {  	s4 =	simm.s32 $0x0;
	s20 =	simm.s32 $0x1;
	s5 =	sshll.u32 s6, $0x1  }
0x6: {  	s1 =	sand.u32 $0x1, s1;
	[smem:$0x7FF] =	sst s4;
	s6 =	sshrl.u32 s6, $0x2  }
0x7: {  	s5 =	sand.u32 $0x6, s5;
	_ =	strace $0x80000047;
	s8 =	sshll.u32 s6, $0xB  }
0x8: {  	s7 =	sor.u32 s1, s5;
	s1 =	ssub.s32 $0x2, s1;
	s5 =	sshll.u32 s6, $0x17  }
0x9: {  	s9 =	smul.u32 $0x30000, s7;
	s10 =	sshll.u32 s7, $0x4;
	s22 =	sshrl.u32 s1, $0x1  }
0xa: {  	s7 =	smul.u32 $0x60, s7;
	s21 =	sor.u32 s8, s10;
	s1 =	ssub.s32 s1, s22  }
0xb: {  	s22 =	simm.s32 $0x2;
	s0 =	sadd.s32 s21, s0;
	s31 =	smax.u32 s1, $0x1  }
0xc: {  	s9 =	sor.u32 s5, s9;
	s28 =	sadd.s32 $0x1200, s0;
	[dreg:$0xc] =	wrdreg s31  }
0xd: {  	s10 =	sadd.s32 $0xD10, s7;
	s29 =	sadd.s32 $0x3200, s0;
	[dreg:$0x8] =	wrdreg s28  }
0xe: {  	s23 =	sshrl.u32 s9, $0x3;
	s30 =	sadd.s32 $0x5200, s0;
	[dreg:$0x9] =	wrdreg s29  }
0xf: {  	s0 =	sadd.s32 $0x7200, s0;
	s6 =	sadd.s32 $0xD0000, s23;
	[dreg:$0xa] =	wrdreg s30  }
0x10: {  	s24 =	sadd.s32 $0x684000, s9;
	[dreg:$0xb] =	wrdreg s0;
	s25 =	sadd.s32 s2, s6  }
0x11: {  	s26 =	sshrl.u32 s24, $0x3;
	s6 =	sadd.s32 s3, s6;
	[dreg:$0x4] =	wrdreg s25  }
0x12: {  	s11 =	sadd.s32 $0xD18, s7;
	s8 =	sadd.s32 s2, s26;
	[dreg:$0x5] =	wrdreg s6  }
0x13: {  	s21 =	simm.s32 $0x3;
	[dreg:$0x6] =	wrdreg s8;
	s6 =	sadd.s32 s3, s26  }
0x14: {  	v0 =	vimm.f32 $0.0e+00;
	v1 =	vimm.f32 $-Inf;
	s1 =	simm.s32 $0x0;
	s23 =	simm.s32 $0x4;
	[dreg:$0x7] =	wrdreg s6  }
.LBB2_1:
0x15: {  	[dreg:$0xd] =	wrdreg s1;
	s7 =	simm.s32 $0x10020  }
0x16: {  	[tilespmem:s7+$0xFFFFFFF0] =	vst v0  }
0x17: {  	[tilespmem:s7+$0x0] =	vst v0  }
0x18: {  	[tilespmem:s7+$0x10] =	vst v0  }
0x19: {  	s0 =	simm.s32 $0x10820;
	[tilespmem:s7+$0xFFFFFFE0] =	vst v0  }
0x1a: {  	[tilespmem:s0+$0xFFFFFFF0] =	vst v0  }
0x1b: {  	[tilespmem:s0+$0x0] =	vst v0  }
0x1c: {  	[tilespmem:s0+$0x10] =	vst v0  }
0x1d: {  	s1 =	simm.s32 $0x11020;
	[tilespmem:s0+$0xFFFFFFE0] =	vst v0  }
0x1e: {  	[tilespmem:s1+$0xFFFFFFF0] =	vst v0  }
0x1f: {  	[tilespmem:s1+$0x0] =	vst v0  }
0x20: {  	[tilespmem:s1+$0x10] =	vst v0  }
0x21: {  	s6 =	simm.s32 $0x11820;
	[tilespmem:s1+$0xFFFFFFE0] =	vst v0  }
0x22: {  	[tilespmem:s6+$0xFFFFFFF0] =	vst v1  }
0x23: {  	[tilespmem:s6+$0x0] =	vst v1  }
0x24: {  	[tilespmem:s6+$0x10] =	vst v1  }
0x25: {  	s8 =	simm.s32 $0x10060;
	s7 =	simm.s32 $0x0;
	[tilespmem:s6+$0xFFFFFFE0] =	vst v1  }
.LBB2_2:
0x26: {  	[tilespmem:s8+$0xFFFFFFF0] =	vst v0;
	s0 =	sadd.s32 $0x40, s0  }
0x27: {  	s1 =	sadd.s32 $0x40, s1;
	[tilespmem:s0+$0xFFFFFFF0] =	vst v0  }
0x28: {  	s6 =	sadd.s32 $0x40, s6;
	[tilespmem:s1+$0xFFFFFFF0] =	vst v0  }
0x29: {  	[tilespmem:s6+$0xFFFFFFF0] =	vst v1  }
0x2a: {  	[tilespmem:s8+$0x0] =	vst v0  }
0x2b: {  	[tilespmem:s0+$0x0] =	vst v0  }
0x2c: {  	[tilespmem:s1+$0x0] =	vst v0  }
0x2d: {  	[tilespmem:s6+$0x0] =	vst v1  }
0x2e: {  	[tilespmem:s8+$0x10] =	vst v0  }
0x2f: {  	s7 =	sadd.s32 $0x4, s7;
	[tilespmem:s0+$0x10] =	vst v0  }
0x30: {  	p0 =	slt.u32 s7, $0x7C;
	[tilespmem:s1+$0x10] =	vst v0  }
.Ltmp0:
0x31: {  	[tilespmem:s6+$0x10] =	vst v1;
	(pc) =	sbr.rel @p0 .LBB2_2-.Ltmp0, $4  }
0x32: {  	[tilespmem:s8+$0xFFFFFFE0] =	vst v0  }
0x33: {  	[tilespmem:s0+$0xFFFFFFE0] =	vst v0  }
0x34: {  	[tilespmem:s1+$0xFFFFFFE0] =	vst v0  }
0x35: {  	s8 =	sadd.s32 $0x40, s8;
	[tilespmem:s6+$0xFFFFFFE0] =	vst v1  }
0x36: {  	s1 =	simm.s32 $0x0;
	s0 =	rddreg [dreg:$0x4]  }
0x37: {  	[tilespmem:s1], [sflag:$0x1] =	stream.linear.gather [hbm4b:s0+s1], $0x4000, $0x38;
	[tilespmem:$0x12000] =	vst v63  }
0x38: {  	s26 =	rddreg [dreg:$0x5];
	s6 =	simm.s32 $0x8000  }
0x39: {  	[tilespmem:s6], [sflag:$0x3] =	stream.linear.gather [hbm4b:s26+s1], $0x4000, $0x38;
	[tilespmem:$0x12000] =	vst v63  }
0x3a: {  	s28 =	rddreg [dreg:$0x6];
	s29 =	simm.s32 $0x4000  }
0x3b: {  	[tilespmem:s29], [sflag:$0x2] =	stream.linear.gather [hbm4b:s28+s1], $0x4000, $0x38;
	[tilespmem:$0x12000] =	vst v63  }
0x3c: {  	s30 =	rddreg [dreg:$0x7];
	s31 =	simm.s32 $0xC000;
	s26 =	simm.s32 $0x0  }
0x3d: {  	[tilespmem:s31], [sflag:$0x4] =	stream.linear.gather [hbm4b:s30+s1], $0x4000, $0x38;
	[tilespmem:$0x12000] =	vst v63  }
.LBB2_4:
0x3e: {  	_ =	swait.ge [sflag:s20], $0x4000  }
0x3f: {  	[sflag:s20] =	ssyncset.done $0x0  }
0x40: {  	[sflag:s20] =	ssyncadd.s32 $0xFFFFC000  }
0x41: {  	_ =	swait.ge [sflag:s21], $0x4000  }
0x42: {  	[sflag:s21] =	ssyncset.done $0x0  }
0x43: {  	s30 =	simm.s32 $0x11800;
	[sflag:s21] =	ssyncadd.s32 $0xFFFFC000  }
0x44: {  	s7 =	simm.s32 $0x10800;
	s9 =	sand.u32 $0x60, s1;
	v11 =	vld [tilespmem:s30+$0x0]  }
0x45: {  	s8 =	simm.s32 $0x11000;
	s12 =	sand.u32 $0x780, s1;
	s0 =	sor.u32 $0x10, s9;
	v13 =	vld [tilespmem:s7+$0x0]  }
0x46: {  	s13 =	sand.u32 $0x3C00, s1;
	s31 =	sor.u32 s12, s0;
	v14 =	vld [tilespmem:s8+$0x0]  }
0x47: {  	s18 =	sor.u32 s13, s0;
	v2 =	vld [tilespmem:s31+$0x10000]  }
0x48: {  	v15 =	vld [tilespmem:s18+$0x0]  }
0x49: {  	v19 =	vld [tilespmem:s18+$0x8000]  }
0x4a: {  	v16 =	vld [tilespmem:s18+$0x80]  }
0x4b: {  	v26 =	vld [tilespmem:s18+$0x8080]  }
0x4c: {  	v17 =	vld [tilespmem:s18+$0x100]  }
0x4d: {  	v3 =	vld [tilespmem:s18+$0x8100]  }
0x4e: {  	s19 =	sand.u32 $0x3, s1;
	v18 =	vld [tilespmem:s18+$0x180]  }
0x4f: {  	s0 =	sshll.u32 s19, $0x5;
	v5 =	vld [tilespmem:s18+$0x8180]  }
0x50: {  	s0 =	sadd.s32 $0x0, s0;
	v24 =	vld [tilespmem:s18+$0x200];
	v4 =	vmul.f32 v19, v15  }
0x51: {  	s14 =	sadd.s32 $0x10, s0;
	v7 =	vld [tilespmem:s18+$0x8200]  }
0x52: {  	s24 =	sor.u32 $0x300, s14;
	v10 =	vld [tilespmem:s18+$0x280];
	v2 =	vadd.f32 v4, v2;
	v4 =	vmul.f32 v26, v16  }
0x53: {  	s25 =	sor.u32 $0x380, s14;
	v9 =	vld [tilespmem:s24+$0x0]  }
0x54: {  	v8 =	vld [tilespmem:s25+$0x0];
	v6 =	vmul.f32 v3, v17;
	v2 =	vadd.f32 v4, v2  }
0x55: {  	s9 =	sor.u32 s9, s13;
	v4 =	vld [tilespmem:s18+$0x8280]  }
0x56: {  	v22 =	vld [tilespmem:s9+$0x0];
	v20 =	vmul.f32 v5, v18;
	v6 =	vadd.f32 v6, v2  }
0x57: {  	v2 =	vld [tilespmem:s24+$0x8000]  }
0x58: {  	v23 =	vld [tilespmem:s9+$0x8000];
	v21 =	vmul.f32 v7, v24;
	v20 =	vadd.f32 v20, v6  }
0x59: {  	v6 =	vld [tilespmem:s25+$0x8000]  }
0x5a: {  	v27 =	vld [tilespmem:s31+$0x11000];
	v20 =	vadd.f32 v21, v20;
	v21 =	vmul.f32 v4, v10  }
0x5b: {  	s6 =	simm.s32 $0x10000;
	v25 =	vld [tilespmem:s31+$0x10800]  }
0x5c: {  	v12 =	vld [tilespmem:s6+$0x0];
	v20 =	vadd.f32 v21, v20;
	v21 =	vmul.f32 v2, v9  }
0x5d: {  	v28 =	vld [tilespmem:s9+$0x80]  }
0x5e: {  	v29 =	vld [tilespmem:s9+$0x8080];
	v14 =	vadd.f32 v22, v14;
	v20 =	vadd.f32 v21, v20;
	v21 =	vmul.f32 v6, v8  }
0x5f: {  	v30 =	vld [tilespmem:s9+$0x100];
	v22 =	vmul.f32 v23, v22;
	v13 =	vadd.f32 v23, v13;
	v15 =	vadd.f32 v15, v27  }
0x60: {  	v25 =	vadd.f32 v19, v25;
	v20 =	vadd.f32 v21, v20;
	v21 =	vld [tilespmem:s9+$0x8100]  }
0x61: {  	v31 =	vld [tilespmem:s9+$0x180];
	v12 =	vadd.f32 v22, v12;
	v16 =	vadd.f32 v16, v15  }
0x62: {  	v11 =	vmax.f32 v11, v23;
	v23 =	vld [tilespmem:s9+$0x8180];
	v14 =	vadd.f32 v28, v14;
	v22 =	vadd.f32 v26, v25  }
0x63: {  	v27 =	vld [tilespmem:s9+$0x200];
	v25 =	vmul.f32 v29, v28;
	v13 =	vadd.f32 v29, v13;
	v17 =	vadd.f32 v17, v16  }
0x64: {  	v15 =	vld [tilespmem:s9+$0x8200];
	v14 =	vadd.f32 v30, v14;
	[tilespmem:s31+$0x10000] =	vst v20;
	v20 =	vadd.f32 v3, v22  }
0x65: {  	v61 =	vld [tilespmem:s31+$0x11800];
	v12 =	vadd.f32 v25, v12;
	v63 =	vadd.f32 v18, v17;
	v25 =	vmul.f32 v21, v30  }
0x66: {  	v11 =	vmax.f32 v11, v29;
	v16 =	vld [tilespmem:s9+$0x8280];
	v62 =	vadd.f32 v5, v20;
	v13 =	vadd.f32 v21, v13  }
0x67: {  	s28 =	sor.u32 $0x300, s0;
	v22 =	vld [tilespmem:s9+$0x280];
	v11 =	vmax.f32 v11, v21;
	v12 =	vadd.f32 v25, v12;
	v25 =	vmul.f32 v23, v31  }
0x68: {  	v17 =	vld [tilespmem:s28+$0x8000];
	v21 =	vmax.f32 v11, v23;
	v13 =	vadd.f32 v23, v13;
	v31 =	vadd.f32 v31, v14  }
0x69: {  	s15 =	simm.s32 $0x11820;
	s29 =	simm.s32 $0x0;
	s0 =	sor.u32 $0x380, s0;
	v20 =	vld [tilespmem:s28+$0x0];
	v14 =	vadd.f32 v7, v62;
	v11 =	vadd.f32 v25, v12;
	v12 =	vmul.f32 v15, v27  }
0x6a: {  	s16 =	simm.s32 $0x0;
	s12 =	simm.s32 $0x10000;
	s13 =	simm.s32 $0x10800;
	v18 =	vld [tilespmem:s0+$0x0];
	v23 =	vadd.f32 v15, v13;
	v13 =	vmax.f32 v61, v19;
	v25 =	vadd.f32 v24, v63  }
0x6b: {  	s14 =	simm.s32 $0x0;
	s24 =	simm.s32 $0x0;
	s9 =	simm.s32 $0x11000;
	v24 =	vadd.f32 v27, v31;
	v19 =	vld [tilespmem:s0+$0x8000];
	v11 =	vadd.f32 v12, v11;
	v12 =	vmax.f32 v13, v26  }
.LBB2_5:
0x6c: {  	v13 =	vld [tilespmem:s15+$0x0];
	v26 =	vmul.f32 v16, v22;
	v27 =	vadd.f32 v4, v14;
	v10 =	vadd.f32 v10, v25;
	s29 =	sadd.s32 $0x20, s29;
	s6 =	sadd.s32 $0x20, s6  }
0x6d: {  	v23 =	vadd.f32 v16, v23;
	v3 =	vmax.f32 v12, v3;
	s7 =	sadd.s32 $0x20, s7;
	s8 =	sadd.s32 $0x20, s8;
	s17 =	sand.u32 $0x60, s29;
	v14 =	vld [tilespmem:s6+$0x0];
	v22 =	vadd.f32 v22, v24  }
0x6e: {  	s16 =	sadd.s32 $0x100, s16;
	s0 =	sand.u32 $0x780, s29;
	v3 =	vmax.f32 v3, v5;
	v24 =	vld [tilespmem:s7+$0x0];
	s18 =	sor.u32 $0x10, s17;
	v11 =	vadd.f32 v26, v11;
	v12 =	vmul.f32 v17, v20  }
0x6f: {  	s14 =	sadd.s32 $0x2, s14;
	s28 =	sand.u32 $0x3C00, s16;
	v3 =	vmax.f32 v3, v7;
	v5 =	vadd.f32 v2, v27;
	v7 =	vadd.f32 v9, v10;
	v25 =	vld [tilespmem:s8+$0x0];
	s0 =	sor.u32 s0, s18  }
0x70: {  	p0 =	slt.u32 s14, $0x7E;
	s25 =	sor.u32 s17, s28;
	v10 =	vmax.f32 v21, v15;
	v15 =	vadd.f32 v17, v23;
	s17 =	sor.u32 s28, s18;
	v9 =	vld [tilespmem:s0+$0x10000];
	v12 =	vadd.f32 v12, v11  }
0x71: {  	v20 =	vadd.f32 v20, v22;
	v3 =	vmax.f32 v3, v4;
	v22 =	vmul.f32 v19, v18;
	v21 =	vld [tilespmem:s17+$0x0]  }
0x72: {  	v4 =	vmax.f32 v10, v16;
	v5 =	vadd.f32 v6, v5;
	v7 =	vadd.f32 v8, v7;
	v11 =	vld [tilespmem:s17+$0x8000]  }
0x73: {  	v10 =	vadd.f32 v19, v15;
	v2 =	vmax.f32 v3, v2;
	v8 =	vadd.f32 v22, v12;
	v16 =	vld [tilespmem:s17+$0x80]  }
0x74: {  	v3 =	vmax.f32 v4, v17;
	v4 =	vadd.f32 v18, v20;
	v2 =	vmax.f32 v2, v6;
	v12 =	vld [tilespmem:s17+$0x8080];
	[tilespmem:s31+$0x10800] =	vst v5  }
0x75: {  	v6 =	vmax.f32 v3, v19;
	v17 =	vld [tilespmem:s17+$0x100];
	[tilespmem:s12+$0x0] =	vst v8;
	s12 =	smov.u32 s6  }
0x76: {  	v3 =	vld [tilespmem:s17+$0x8100];
	[tilespmem:s13+$0x0] =	vst v10;
	s13 =	smov.u32 s7  }
0x77: {  	s24 =	sadd.s32 $0x1, s24;
	v8 =	vmul.f32 v11, v21;
	v18 =	vld [tilespmem:s17+$0x180];
	[tilespmem:s9+$0x0] =	vst v4;
	s9 =	smov.u32 s8  }
0x78: {  	s18 =	sand.u32 $0x3, s24;
	v5 =	vld [tilespmem:s17+$0x8180];
	[tilespmem:s30+$0x0] =	vst v6;
	s30 =	smov.u32 s15  }
0x79: {  	s18 =	sshll.u32 s18, $0x5;
	v4 =	vadd.f32 v8, v9;
	v6 =	vmul.f32 v12, v16;
	v19 =	vld [tilespmem:s17+$0x200];
	[tilespmem:s31+$0x11000] =	vst v7  }
0x7a: {  	s18 =	sadd.s32 s18, s16;
	v7 =	vld [tilespmem:s17+$0x8200];
	[tilespmem:s31+$0x11800] =	vst v2;
	s31 =	smov.u32 s0  }
0x7b: {  	s28 =	sor.u32 $0x380, s18;
	s0 =	sor.u32 $0x300, s18;
	s18 =	sadd.s32 $0x10, s18;
	v2 =	vadd.f32 v6, v4;
	v6 =	vmul.f32 v3, v17;
	v10 =	vld [tilespmem:s17+$0x280]  }
0x7c: {  	v4 =	vld [tilespmem:s17+$0x8280];
	s17 =	sor.u32 $0x300, s18  }
0x7d: {  	v6 =	vadd.f32 v6, v2;
	v8 =	vmul.f32 v5, v18;
	v9 =	vld [tilespmem:s17+$0x0]  }
0x7e: {  	v2 =	vld [tilespmem:s17+$0x8000];
	s17 =	sor.u32 $0x380, s18  }
0x7f: {  	v15 =	vadd.f32 v8, v6;
	v20 =	vmul.f32 v7, v19;
	v8 =	vld [tilespmem:s17+$0x0]  }
0x80: {  	v6 =	vld [tilespmem:s17+$0x8000]  }
0x81: {  	v22 =	vld [tilespmem:s25+$0x0];
	v15 =	vadd.f32 v20, v15;
	v20 =	vmul.f32 v4, v10  }
0x82: {  	v23 =	vld [tilespmem:s25+$0x8000]  }
0x83: {  	v26 =	vld [tilespmem:s31+$0x10800];
	v15 =	vadd.f32 v20, v15;
	v20 =	vmul.f32 v2, v9  }
0x84: {  	v27 =	vld [tilespmem:s31+$0x11000]  }
0x85: {  	v28 =	vld [tilespmem:s25+$0x80];
	v15 =	vadd.f32 v20, v15;
	v20 =	vmul.f32 v6, v8  }
0x86: {  	v25 =	vadd.f32 v22, v25;
	v29 =	vld [tilespmem:s25+$0x8080]  }
0x87: {  	v22 =	vmul.f32 v23, v22;
	v24 =	vadd.f32 v23, v24;
	v30 =	vld [tilespmem:s25+$0x100];
	v15 =	vadd.f32 v20, v15  }
0x88: {  	v13 =	vmax.f32 v13, v23;
	v20 =	vld [tilespmem:s25+$0x8100];
	v23 =	vadd.f32 v11, v26  }
0x89: {  	v14 =	vadd.f32 v22, v14;
	v26 =	vld [tilespmem:s25+$0x180];
	v21 =	vadd.f32 v21, v27;
	[tilespmem:s31+$0x10000] =	vst v15  }
0x8a: {  	v15 =	vadd.f32 v28, v25;
	v25 =	vld [tilespmem:s25+$0x8180];
	v22 =	vadd.f32 v12, v23  }
0x8b: {  	v23 =	vmul.f32 v29, v28;
	v24 =	vadd.f32 v29, v24;
	v27 =	vld [tilespmem:s25+$0x200];
	v16 =	vadd.f32 v16, v21  }
0x8c: {  	v13 =	vmax.f32 v13, v29;
	v21 =	vadd.f32 v30, v15;
	v15 =	vld [tilespmem:s25+$0x8200];
	v28 =	vadd.f32 v3, v22  }
0x8d: {  	v14 =	vadd.f32 v23, v14;
	v23 =	vmul.f32 v20, v30;
	v29 =	vld [tilespmem:s31+$0x11800];
	v17 =	vadd.f32 v17, v16  }
0x8e: {  	v24 =	vadd.f32 v20, v24;
	v13 =	vmax.f32 v13, v20;
	v22 =	vld [tilespmem:s25+$0x280];
	v28 =	vadd.f32 v5, v28  }
.Ltmp1:
0x8f: {  	v14 =	vadd.f32 v23, v14;
	v23 =	vmul.f32 v25, v26;
	v16 =	vld [tilespmem:s25+$0x8280];
	v30 =	vadd.f32 v18, v17;
	(pc) =	sbr.rel @p0 .LBB2_5-.Ltmp1, $4  }
0x90: {  	v18 =	vadd.f32 v25, v24;
	v24 =	vadd.f32 v26, v21;
	v21 =	vmax.f32 v13, v25;
	v20 =	vld [tilespmem:s0+$0x0]  }
0x91: {  	v13 =	vadd.f32 v23, v14;
	v26 =	vmul.f32 v15, v27;
	v17 =	vld [tilespmem:s0+$0x8000];
	v14 =	vadd.f32 v7, v28  }
0x92: {  	v23 =	vadd.f32 v15, v18;
	v25 =	vadd.f32 v19, v30;
	v18 =	vld [tilespmem:s28+$0x0];
	v28 =	vmax.f32 v29, v11  }
0x93: {  	s15 =	sadd.s32 $0x20, s15;
	v24 =	vadd.f32 v27, v24;
	v11 =	vadd.f32 v26, v13;
	v19 =	vld [tilespmem:s28+$0x8000];
	v12 =	vmax.f32 v28, v12  }
0x94: {  	v13 =	vmul.f32 v16, v22;
	v14 =	vadd.f32 v4, v14  }
0x95: {  	v10 =	vadd.f32 v10, v25;
	v23 =	vadd.f32 v16, v23;
	v3 =	vmax.f32 v12, v3  }
0x96: {  	v3 =	vmax.f32 v3, v5;
	v11 =	vadd.f32 v13, v11;
	v14 =	vadd.f32 v2, v14  }
0x97: {  	v13 =	vmul.f32 v17, v20;
	v9 =	vadd.f32 v9, v10;
	v3 =	vmax.f32 v3, v7  }
0x98: {  	v22 =	vadd.f32 v22, v24;
	v3 =	vmax.f32 v3, v4;
	v14 =	vadd.f32 v6, v14  }
0x99: {  	v11 =	vadd.f32 v13, v11;
	v13 =	vmul.f32 v19, v18;
	v4 =	vadd.f32 v8, v9  }
0x9a: {  	v23 =	vadd.f32 v17, v23;
	v2 =	vmax.f32 v3, v2;
	[tilespmem:s31+$0x10800] =	vst v14  }
0x9b: {  	s29 =	sshll.u32 s26, $0x4;
	v12 =	vadd.f32 v20, v22;
	v2 =	vmax.f32 v2, v6;
	v11 =	vadd.f32 v13, v11;
	[tilespmem:s31+$0x11000] =	vst v4  }
0x9c: {  	v5 =	vmax.f32 v21, v15;
	s0 =	sadd.s32 s29, s10;
	v13 =	vadd.f32 v19, v23;
	[tilespmem:s31+$0x11800] =	vst v2  }
0x9d: {  	v5 =	vmax.f32 v5, v16;
	s0 =	sshll.u32 s0, $0xB;
	v10 =	vadd.f32 v18, v12;
	[tilespmem:s12+$0x0] =	vst v11  }
0x9e: {  	v5 =	vmax.f32 v5, v17;
	s0 =	sadd.s32 s5, s0;
	[tilespmem:s13+$0x0] =	vst v13  }
0x9f: {  	v5 =	vmax.f32 v5, v19;
	s0 =	sshrl.u32 s0, $0x3;
	[tilespmem:s9+$0x0] =	vst v10  }
0xa0: {  	s6 =	simm.s32 $0x0;
	s7 =	sadd.s32 s2, s0;
	[tilespmem:s30+$0x0] =	vst v5  }
0xa1: {  	[tilespmem:s6], [sflag:$0x1] =	stream.linear.gather [hbm4b:s7+s6], $0x4000, $0x38;
	[tilespmem:$0x12000] =	vst v63  }
0xa2: {  	s25 =	simm.s32 $0x8000;
	s0 =	sadd.s32 s3, s0  }
0xa3: {  	[tilespmem:s25], [sflag:$0x3] =	stream.linear.gather [hbm4b:s0+s6], $0x4000, $0x38;
	[tilespmem:$0x12000] =	vst v63  }
0xa4: {  	_ =	swait.ge [sflag:s22], $0x4000  }
0xa5: {  	[sflag:s22] =	ssyncset.done $0x0  }
0xa6: {  	[sflag:s22] =	ssyncadd.s32 $0xFFFFC000  }
0xa7: {  	_ =	swait.ge [sflag:s23], $0x4000  }
0xa8: {  	[sflag:s23] =	ssyncset.done $0x0  }
0xa9: {  	s30 =	simm.s32 $0x11800;
	[sflag:s23] =	ssyncadd.s32 $0xFFFFC000  }
0xaa: {  	s8 =	simm.s32 $0x10800;
	s28 =	sand.u32 $0x60, s6;
	v11 =	vld [tilespmem:s30+$0x0]  }
0xab: {  	s17 =	sand.u32 $0x780, s6;
	s16 =	sor.u32 $0x10, s28;
	s9 =	simm.s32 $0x11000;
	v13 =	vld [tilespmem:s8+$0x0]  }
0xac: {  	s14 =	sand.u32 $0x3C00, s6;
	s31 =	sor.u32 s17, s16;
	v14 =	vld [tilespmem:s9+$0x0]  }
0xad: {  	s18 =	sor.u32 s14, s16;
	v2 =	vld [tilespmem:s31+$0x10000]  }
0xae: {  	v15 =	vld [tilespmem:s18+$0x4000]  }
0xaf: {  	v19 =	vld [tilespmem:s18+$0xC000]  }
0xb0: {  	v16 =	vld [tilespmem:s18+$0x4080]  }
0xb1: {  	v26 =	vld [tilespmem:s18+$0xC080]  }
0xb2: {  	v17 =	vld [tilespmem:s18+$0x4100]  }
0xb3: {  	v3 =	vld [tilespmem:s18+$0xC100]  }
0xb4: {  	s19 =	sand.u32 $0x3, s6;
	v18 =	vld [tilespmem:s18+$0x4180]  }
0xb5: {  	s0 =	sshll.u32 s19, $0x5;
	v5 =	vld [tilespmem:s18+$0xC180]  }
0xb6: {  	s0 =	sadd.s32 $0x0, s0;
	v24 =	vld [tilespmem:s18+$0x4200];
	v4 =	vmul.f32 v19, v15  }
0xb7: {  	s15 =	sadd.s32 $0x10, s0;
	v7 =	vld [tilespmem:s18+$0xC200]  }
0xb8: {  	s24 =	sor.u32 $0x4300, s15;
	v10 =	vld [tilespmem:s18+$0x4280];
	v2 =	vadd.f32 v4, v2;
	v4 =	vmul.f32 v26, v16  }
0xb9: {  	s25 =	sor.u32 $0x4380, s15;
	v9 =	vld [tilespmem:s24+$0x0]  }
0xba: {  	v8 =	vld [tilespmem:s25+$0x0];
	v6 =	vmul.f32 v3, v17;
	v2 =	vadd.f32 v4, v2  }
0xbb: {  	s12 =	sor.u32 s28, s14;
	v4 =	vld [tilespmem:s18+$0xC280]  }
0xbc: {  	v22 =	vld [tilespmem:s12+$0x4000];
	v20 =	vmul.f32 v5, v18;
	v6 =	vadd.f32 v6, v2  }
0xbd: {  	v2 =	vld [tilespmem:s24+$0x8000]  }
0xbe: {  	v23 =	vld [tilespmem:s12+$0xC000];
	v21 =	vmul.f32 v7, v24;
	v20 =	vadd.f32 v20, v6  }
0xbf: {  	v6 =	vld [tilespmem:s25+$0x8000]  }
0xc0: {  	v27 =	vld [tilespmem:s31+$0x11000];
	v20 =	vadd.f32 v21, v20;
	v21 =	vmul.f32 v4, v10  }
0xc1: {  	s7 =	simm.s32 $0x10000;
	v25 =	vld [tilespmem:s31+$0x10800]  }
0xc2: {  	v12 =	vld [tilespmem:s7+$0x0];
	v20 =	vadd.f32 v21, v20;
	v21 =	vmul.f32 v2, v9  }
0xc3: {  	v28 =	vld [tilespmem:s12+$0x4080]  }
0xc4: {  	v29 =	vld [tilespmem:s12+$0xC080];
	v14 =	vadd.f32 v22, v14;
	v20 =	vadd.f32 v21, v20;
	v21 =	vmul.f32 v6, v8  }
0xc5: {  	v30 =	vld [tilespmem:s12+$0x4100];
	v22 =	vmul.f32 v23, v22;
	v13 =	vadd.f32 v23, v13;
	v15 =	vadd.f32 v15, v27  }
0xc6: {  	v25 =	vadd.f32 v19, v25;
	v20 =	vadd.f32 v21, v20;
	v21 =	vld [tilespmem:s12+$0xC100]  }
0xc7: {  	v31 =	vld [tilespmem:s12+$0x4180];
	v12 =	vadd.f32 v22, v12;
	v16 =	vadd.f32 v16, v15  }
0xc8: {  	v11 =	vmax.f32 v11, v23;
	v23 =	vld [tilespmem:s12+$0xC180];
	v14 =	vadd.f32 v28, v14;
	v22 =	vadd.f32 v26, v25  }
0xc9: {  	v27 =	vld [tilespmem:s12+$0x4200];
	v25 =	vmul.f32 v29, v28;
	v13 =	vadd.f32 v29, v13;
	v17 =	vadd.f32 v17, v16  }
0xca: {  	v15 =	vld [tilespmem:s12+$0xC200];
	v14 =	vadd.f32 v30, v14;
	[tilespmem:s31+$0x10000] =	vst v20;
	v20 =	vadd.f32 v3, v22  }
0xcb: {  	v61 =	vld [tilespmem:s31+$0x11800];
	v12 =	vadd.f32 v25, v12;
	v63 =	vadd.f32 v18, v17;
	v25 =	vmul.f32 v21, v30  }
0xcc: {  	v11 =	vmax.f32 v11, v29;
	v16 =	vld [tilespmem:s12+$0xC280];
	v62 =	vadd.f32 v5, v20;
	v13 =	vadd.f32 v21, v13  }
0xcd: {  	s28 =	sor.u32 $0x4300, s0;
	v22 =	vld [tilespmem:s12+$0x4280];
	v11 =	vmax.f32 v11, v21;
	v12 =	vadd.f32 v25, v12;
	v25 =	vmul.f32 v23, v31  }
0xce: {  	v17 =	vld [tilespmem:s28+$0x8000];
	v21 =	vmax.f32 v11, v23;
	v13 =	vadd.f32 v23, v13;
	v31 =	vadd.f32 v31, v14  }
0xcf: {  	s16 =	simm.s32 $0x11820;
	s0 =	sor.u32 $0x4380, s0;
	v20 =	vld [tilespmem:s28+$0x0];
	v14 =	vadd.f32 v7, v62;
	v11 =	vadd.f32 v25, v12;
	v12 =	vmul.f32 v15, v27  }
0xd0: {  	s14 =	simm.s32 $0x10800;
	s13 =	simm.s32 $0x10000;
	s15 =	simm.s32 $0x0;
	v18 =	vld [tilespmem:s0+$0x0];
	v23 =	vadd.f32 v15, v13;
	v13 =	vmax.f32 v61, v19;
	v25 =	vadd.f32 v24, v63  }
0xd1: {  	s24 =	simm.s32 $0x0;
	s25 =	simm.s32 $0x0;
	s12 =	simm.s32 $0x11000;
	v24 =	vadd.f32 v27, v31;
	v19 =	vld [tilespmem:s0+$0x8000];
	v11 =	vadd.f32 v12, v11;
	v12 =	vmax.f32 v13, v26  }
.LBB2_7:
0xd2: {  	v13 =	vld [tilespmem:s16+$0x0];
	v26 =	vmul.f32 v16, v22;
	v27 =	vadd.f32 v4, v14;
	v10 =	vadd.f32 v10, v25;
	s6 =	sadd.s32 $0x20, s6;
	s7 =	sadd.s32 $0x20, s7  }
0xd3: {  	v23 =	vadd.f32 v16, v23;
	v3 =	vmax.f32 v12, v3;
	s8 =	sadd.s32 $0x20, s8;
	s9 =	sadd.s32 $0x20, s9;
	s17 =	sand.u32 $0x60, s6;
	v14 =	vld [tilespmem:s7+$0x0];
	v22 =	vadd.f32 v22, v24  }
0xd4: {  	s24 =	sadd.s32 $0x100, s24;
	s0 =	sand.u32 $0x780, s6;
	v3 =	vmax.f32 v3, v5;
	v24 =	vld [tilespmem:s8+$0x0];
	s18 =	sor.u32 $0x10, s17;
	v11 =	vadd.f32 v26, v11;
	v12 =	vmul.f32 v17, v20  }
0xd5: {  	s15 =	sadd.s32 $0x2, s15;
	s19 =	sand.u32 $0x3C00, s24;
	v3 =	vmax.f32 v3, v7;
	v5 =	vadd.f32 v2, v27;
	v7 =	vadd.f32 v9, v10;
	v25 =	vld [tilespmem:s9+$0x0];
	s0 =	sor.u32 s0, s18  }
0xd6: {  	p0 =	slt.u32 s15, $0x7E;
	s28 =	sor.u32 s17, s19;
	v10 =	vmax.f32 v21, v15;
	v15 =	vadd.f32 v17, v23;
	s18 =	sor.u32 s19, s18;
	v9 =	vld [tilespmem:s0+$0x10000];
	v12 =	vadd.f32 v12, v11  }
0xd7: {  	v20 =	vadd.f32 v20, v22;
	v3 =	vmax.f32 v3, v4;
	v22 =	vmul.f32 v19, v18;
	v21 =	vld [tilespmem:s18+$0x4000]  }
0xd8: {  	v4 =	vmax.f32 v10, v16;
	v5 =	vadd.f32 v6, v5;
	v7 =	vadd.f32 v8, v7;
	v11 =	vld [tilespmem:s18+$0xC000]  }
0xd9: {  	v10 =	vadd.f32 v19, v15;
	v2 =	vmax.f32 v3, v2;
	v8 =	vadd.f32 v22, v12;
	v16 =	vld [tilespmem:s18+$0x4080]  }
0xda: {  	v3 =	vmax.f32 v4, v17;
	v4 =	vadd.f32 v18, v20;
	v2 =	vmax.f32 v2, v6;
	v12 =	vld [tilespmem:s18+$0xC080];
	[tilespmem:s31+$0x10800] =	vst v5  }
0xdb: {  	v6 =	vmax.f32 v3, v19;
	v17 =	vld [tilespmem:s18+$0x4100];
	[tilespmem:s13+$0x0] =	vst v8;
	s13 =	smov.u32 s7  }
0xdc: {  	v3 =	vld [tilespmem:s18+$0xC100];
	[tilespmem:s14+$0x0] =	vst v10;
	s14 =	smov.u32 s8  }
0xdd: {  	s25 =	sadd.s32 $0x1, s25;
	v8 =	vmul.f32 v11, v21;
	v18 =	vld [tilespmem:s18+$0x4180];
	[tilespmem:s12+$0x0] =	vst v4;
	s12 =	smov.u32 s9  }
0xde: {  	s17 =	sand.u32 $0x3, s25;
	v5 =	vld [tilespmem:s18+$0xC180];
	[tilespmem:s30+$0x0] =	vst v6;
	s30 =	smov.u32 s16  }
0xdf: {  	s17 =	sshll.u32 s17, $0x5;
	v4 =	vadd.f32 v8, v9;
	v6 =	vmul.f32 v12, v16;
	v19 =	vld [tilespmem:s18+$0x4200];
	[tilespmem:s31+$0x11000] =	vst v7  }
0xe0: {  	s19 =	sadd.s32 s17, s24;
	v7 =	vld [tilespmem:s18+$0xC200];
	[tilespmem:s31+$0x11800] =	vst v2;
	s31 =	smov.u32 s0  }
0xe1: {  	s17 =	sor.u32 $0x4300, s19;
	s0 =	sor.u32 $0x4380, s19;
	s19 =	sadd.s32 $0x10, s19;
	v2 =	vadd.f32 v6, v4;
	v6 =	vmul.f32 v3, v17;
	v10 =	vld [tilespmem:s18+$0x4280]  }
0xe2: {  	v4 =	vld [tilespmem:s18+$0xC280];
	s18 =	sor.u32 $0x4300, s19  }
0xe3: {  	v6 =	vadd.f32 v6, v2;
	v8 =	vmul.f32 v5, v18;
	v9 =	vld [tilespmem:s18+$0x0]  }
0xe4: {  	v2 =	vld [tilespmem:s18+$0x8000];
	s18 =	sor.u32 $0x4380, s19  }
0xe5: {  	v15 =	vadd.f32 v8, v6;
	v20 =	vmul.f32 v7, v19;
	v8 =	vld [tilespmem:s18+$0x0]  }
0xe6: {  	v6 =	vld [tilespmem:s18+$0x8000]  }
0xe7: {  	v22 =	vld [tilespmem:s28+$0x4000];
	v15 =	vadd.f32 v20, v15;
	v20 =	vmul.f32 v4, v10  }
0xe8: {  	v23 =	vld [tilespmem:s28+$0xC000]  }
0xe9: {  	v26 =	vld [tilespmem:s31+$0x10800];
	v15 =	vadd.f32 v20, v15;
	v20 =	vmul.f32 v2, v9  }
0xea: {  	v27 =	vld [tilespmem:s31+$0x11000]  }
0xeb: {  	v28 =	vld [tilespmem:s28+$0x4080];
	v15 =	vadd.f32 v20, v15;
	v20 =	vmul.f32 v6, v8  }
0xec: {  	v25 =	vadd.f32 v22, v25;
	v29 =	vld [tilespmem:s28+$0xC080]  }
0xed: {  	v22 =	vmul.f32 v23, v22;
	v24 =	vadd.f32 v23, v24;
	v30 =	vld [tilespmem:s28+$0x4100];
	v15 =	vadd.f32 v20, v15  }
0xee: {  	v13 =	vmax.f32 v13, v23;
	v20 =	vld [tilespmem:s28+$0xC100];
	v23 =	vadd.f32 v11, v26  }
0xef: {  	v14 =	vadd.f32 v22, v14;
	v26 =	vld [tilespmem:s28+$0x4180];
	v21 =	vadd.f32 v21, v27;
	[tilespmem:s31+$0x10000] =	vst v15  }
0xf0: {  	v15 =	vadd.f32 v28, v25;
	v25 =	vld [tilespmem:s28+$0xC180];
	v22 =	vadd.f32 v12, v23  }
0xf1: {  	v23 =	vmul.f32 v29, v28;
	v24 =	vadd.f32 v29, v24;
	v27 =	vld [tilespmem:s28+$0x4200];
	v16 =	vadd.f32 v16, v21  }
0xf2: {  	v13 =	vmax.f32 v13, v29;
	v21 =	vadd.f32 v30, v15;
	v15 =	vld [tilespmem:s28+$0xC200];
	v28 =	vadd.f32 v3, v22  }
0xf3: {  	v14 =	vadd.f32 v23, v14;
	v23 =	vmul.f32 v20, v30;
	v29 =	vld [tilespmem:s31+$0x11800];
	v17 =	vadd.f32 v17, v16  }
0xf4: {  	v24 =	vadd.f32 v20, v24;
	v13 =	vmax.f32 v13, v20;
	v22 =	vld [tilespmem:s28+$0x4280];
	v28 =	vadd.f32 v5, v28  }
.Ltmp2:
0xf5: {  	v14 =	vadd.f32 v23, v14;
	v23 =	vmul.f32 v25, v26;
	v16 =	vld [tilespmem:s28+$0xC280];
	v30 =	vadd.f32 v18, v17;
	(pc) =	sbr.rel @p0 .LBB2_7-.Ltmp2, $4  }
0xf6: {  	v18 =	vadd.f32 v25, v24;
	v24 =	vadd.f32 v26, v21;
	v21 =	vmax.f32 v13, v25;
	v20 =	vld [tilespmem:s17+$0x0]  }
0xf7: {  	v13 =	vadd.f32 v23, v14;
	v26 =	vmul.f32 v15, v27;
	v17 =	vld [tilespmem:s17+$0x8000];
	v14 =	vadd.f32 v7, v28  }
0xf8: {  	v23 =	vadd.f32 v15, v18;
	v25 =	vadd.f32 v19, v30;
	v18 =	vld [tilespmem:s0+$0x0];
	v28 =	vmax.f32 v29, v11  }
0xf9: {  	s16 =	sadd.s32 $0x20, s16;
	v24 =	vadd.f32 v27, v24;
	v11 =	vadd.f32 v26, v13;
	v19 =	vld [tilespmem:s0+$0x8000];
	v12 =	vmax.f32 v28, v12  }
0xfa: {  	v13 =	vmul.f32 v16, v22;
	v14 =	vadd.f32 v4, v14  }
0xfb: {  	v10 =	vadd.f32 v10, v25;
	v23 =	vadd.f32 v16, v23;
	v3 =	vmax.f32 v12, v3  }
0xfc: {  	v3 =	vmax.f32 v3, v5;
	v11 =	vadd.f32 v13, v11;
	v14 =	vadd.f32 v2, v14  }
0xfd: {  	v56 =	vmul.f32 v17, v20;
	v9 =	vadd.f32 v9, v10;
	v3 =	vmax.f32 v3, v7  }
0xfe: {  	v57 =	vadd.f32 v22, v24;
	v3 =	vmax.f32 v3, v4;
	v14 =	vadd.f32 v6, v14  }
0xff: {  	v11 =	vadd.f32 v56, v11;
	v58 =	vmul.f32 v19, v18;
	v63 =	vadd.f32 v8, v9  }
0x100: {  	v23 =	vadd.f32 v17, v23;
	v2 =	vmax.f32 v3, v2;
	[tilespmem:s31+$0x10800] =	vst v14  }
0x101: {  	v59 =	vadd.f32 v20, v57;
	v2 =	vmax.f32 v2, v6;
	v11 =	vadd.f32 v58, v11;
	[tilespmem:s31+$0x11000] =	vst v63  }
0x102: {  	v60 =	vmax.f32 v21, v15;
	s0 =	sadd.s32 s29, s11;
	v61 =	vadd.f32 v19, v23;
	[tilespmem:s31+$0x11800] =	vst v2  }
0x103: {  	s26 =	sadd.s32 $0x1, s26;
	v5 =	vmax.f32 v60, v16;
	s0 =	sshll.u32 s0, $0xB;
	v62 =	vadd.f32 v18, v59;
	[tilespmem:s13+$0x0] =	vst v11  }
0x104: {  	p0 =	sne.s32 s26, $0x5;
	v5 =	vmax.f32 v5, v17;
	s0 =	sadd.s32 s5, s0;
	[tilespmem:s14+$0x0] =	vst v61  }
.Ltmp3:
0x105: {  	s0 =	sshrl.u32 s0, $0x3;
	v5 =	vmax.f32 v5, v19;
	[tilespmem:s12+$0x0] =	vst v62;
	(pc) =	sbr.rel @p0 .LBB2_4-.Ltmp3, $4  }
0x106: {  	s7 =	simm.s32 $0x4000;
	s6 =	sadd.s32 s2, s0;
	[tilespmem:s30+$0x0] =	vst v5  }
0x107: {  	[tilespmem:s7], [sflag:$0x2] =	stream.linear.gather [hbm4b:s6+s4], $0x4000, $0x38;
	[tilespmem:$0x12000] =	vst v63  }
0x108: {  	s0 =	sadd.s32 s3, s0;
	s31 =	simm.s32 $0xC000  }
0x109: {  	[tilespmem:s31], [sflag:$0x4] =	stream.linear.gather [hbm4b:s0+s4], $0x4000, $0x38;
	[tilespmem:$0x12000] =	vst v63  }
0x10a: {  	_ =	swait.ge [sflag:s20], $0x4000  }
0x10b: {  	[sflag:s20] =	ssyncset.done $0x0  }
0x10c: {  	[sflag:s20] =	ssyncadd.s32 $0xFFFFC000  }
0x10d: {  	_ =	swait.ge [sflag:s21], $0x4000  }
0x10e: {  	[sflag:s21] =	ssyncset.done $0x0  }
0x10f: {  	s1 =	simm.s32 $0x11800;
	s6 =	simm.s32 $0x0;
	[sflag:s21] =	ssyncadd.s32 $0xFFFFC000  }
0x110: {  	s8 =	simm.s32 $0x10800;
	s12 =	sand.u32 $0x60, s6;
	v11 =	vld [tilespmem:s1+$0x0]  }
0x111: {  	s9 =	simm.s32 $0x11000;
	s13 =	sand.u32 $0x780, s6;
	s0 =	sor.u32 $0x10, s12;
	v13 =	vld [tilespmem:s8+$0x0]  }
0x112: {  	s14 =	sand.u32 $0x3C00, s6;
	s26 =	sor.u32 s13, s0;
	v14 =	vld [tilespmem:s9+$0x0]  }
0x113: {  	s25 =	sor.u32 s14, s0;
	v3 =	vld [tilespmem:s26+$0x10000]  }
0x114: {  	v15 =	vld [tilespmem:s25+$0x0]  }
0x115: {  	v19 =	vld [tilespmem:s25+$0x8000]  }
0x116: {  	v16 =	vld [tilespmem:s25+$0x80]  }
0x117: {  	v26 =	vld [tilespmem:s25+$0x8080]  }
0x118: {  	v17 =	vld [tilespmem:s25+$0x100]  }
0x119: {  	v2 =	vld [tilespmem:s25+$0x8100]  }
0x11a: {  	v18 =	vld [tilespmem:s25+$0x180]  }
0x11b: {  	v5 =	vld [tilespmem:s25+$0x8180]  }
0x11c: {  	v24 =	vld [tilespmem:s25+$0x200];
	v4 =	vmul.f32 v19, v15  }
0x11d: {  	s28 =	sand.u32 $0x3, s6;
	v6 =	vld [tilespmem:s25+$0x8200]  }
0x11e: {  	s12 =	sor.u32 s12, s14;
	s0 =	sshll.u32 s28, $0x5;
	v10 =	vld [tilespmem:s25+$0x280];
	v3 =	vadd.f32 v4, v3;
	v4 =	vmul.f32 v26, v16  }
0x11f: {  	s0 =	sadd.s32 $0x0, s0;
	v22 =	vld [tilespmem:s12+$0x0]  }
0x120: {  	s15 =	sadd.s32 $0x10, s0;
	v23 =	vld [tilespmem:s12+$0x8000];
	v7 =	vmul.f32 v2, v17;
	v3 =	vadd.f32 v4, v3  }
0x121: {  	s29 =	sor.u32 $0x300, s15;
	v4 =	vld [tilespmem:s25+$0x8280]  }
0x122: {  	v9 =	vld [tilespmem:s29+$0x0];
	v20 =	vmul.f32 v5, v18;
	v7 =	vadd.f32 v7, v3  }
0x123: {  	s30 =	sor.u32 $0x380, s15;
	v3 =	vld [tilespmem:s29+$0x8000]  }
0x124: {  	v8 =	vld [tilespmem:s30+$0x0];
	v21 =	vmul.f32 v6, v24;
	v20 =	vadd.f32 v20, v7  }
0x125: {  	v7 =	vld [tilespmem:s30+$0x8000]  }
0x126: {  	v27 =	vld [tilespmem:s26+$0x11000];
	v20 =	vadd.f32 v21, v20;
	v21 =	vmul.f32 v4, v10  }
0x127: {  	s7 =	simm.s32 $0x10000;
	v25 =	vld [tilespmem:s26+$0x10800]  }
0x128: {  	v12 =	vld [tilespmem:s7+$0x0];
	v20 =	vadd.f32 v21, v20;
	v21 =	vmul.f32 v3, v9  }
0x129: {  	v28 =	vld [tilespmem:s12+$0x80]  }
0x12a: {  	v29 =	vld [tilespmem:s12+$0x8080];
	v14 =	vadd.f32 v22, v14;
	v20 =	vadd.f32 v21, v20;
	v21 =	vmul.f32 v7, v8  }
0x12b: {  	v30 =	vld [tilespmem:s12+$0x100];
	v22 =	vmul.f32 v23, v22;
	v13 =	vadd.f32 v23, v13;
	v15 =	vadd.f32 v15, v27  }
0x12c: {  	v25 =	vadd.f32 v19, v25;
	v20 =	vadd.f32 v21, v20;
	v21 =	vld [tilespmem:s12+$0x8100]  }
0x12d: {  	v31 =	vld [tilespmem:s12+$0x180];
	v12 =	vadd.f32 v22, v12;
	v16 =	vadd.f32 v16, v15  }
0x12e: {  	v11 =	vmax.f32 v11, v23;
	v23 =	vld [tilespmem:s12+$0x8180];
	v14 =	vadd.f32 v28, v14;
	v22 =	vadd.f32 v26, v25  }
0x12f: {  	v27 =	vld [tilespmem:s12+$0x200];
	v25 =	vmul.f32 v29, v28;
	v13 =	vadd.f32 v29, v13;
	v17 =	vadd.f32 v17, v16  }
0x130: {  	v15 =	vld [tilespmem:s12+$0x8200];
	v14 =	vadd.f32 v30, v14;
	[tilespmem:s26+$0x10000] =	vst v20;
	v20 =	vadd.f32 v2, v22  }
0x131: {  	v61 =	vld [tilespmem:s26+$0x11800];
	v12 =	vadd.f32 v25, v12;
	v63 =	vadd.f32 v18, v17;
	v25 =	vmul.f32 v21, v30  }
0x132: {  	v11 =	vmax.f32 v11, v29;
	v16 =	vld [tilespmem:s12+$0x8280];
	v62 =	vadd.f32 v5, v20;
	v13 =	vadd.f32 v21, v13  }
0x133: {  	s31 =	sor.u32 $0x300, s0;
	v22 =	vld [tilespmem:s12+$0x280];
	v11 =	vmax.f32 v11, v21;
	v12 =	vadd.f32 v25, v12;
	v25 =	vmul.f32 v23, v31  }
0x134: {  	v17 =	vld [tilespmem:s31+$0x8000];
	v21 =	vmax.f32 v11, v23;
	v13 =	vadd.f32 v23, v13;
	v31 =	vadd.f32 v31, v14  }
0x135: {  	s16 =	simm.s32 $0x11820;
	s0 =	sor.u32 $0x380, s0;
	v20 =	vld [tilespmem:s31+$0x0];
	v14 =	vadd.f32 v6, v62;
	v11 =	vadd.f32 v25, v12;
	v12 =	vmul.f32 v15, v27  }
0x136: {  	s24 =	simm.s32 $0x0;
	s14 =	simm.s32 $0x10800;
	s13 =	simm.s32 $0x11000;
	v18 =	vld [tilespmem:s0+$0x0];
	v23 =	vadd.f32 v15, v13;
	v13 =	vmax.f32 v61, v19;
	v25 =	vadd.f32 v24, v63  }
0x137: {  	s15 =	simm.s32 $0x0;
	s25 =	simm.s32 $0x0;
	s12 =	simm.s32 $0x10000;
	v24 =	vadd.f32 v27, v31;
	v19 =	vld [tilespmem:s0+$0x8000];
	v11 =	vadd.f32 v12, v11;
	v12 =	vmax.f32 v13, v26  }
.LBB2_10:
0x138: {  	v13 =	vld [tilespmem:s16+$0x0];
	v26 =	vmul.f32 v16, v22;
	v27 =	vadd.f32 v4, v14;
	v10 =	vadd.f32 v10, v25;
	s6 =	sadd.s32 $0x20, s6;
	s7 =	sadd.s32 $0x20, s7  }
0x139: {  	v23 =	vadd.f32 v16, v23;
	v2 =	vmax.f32 v12, v2;
	s8 =	sadd.s32 $0x20, s8;
	s9 =	sadd.s32 $0x20, s9;
	s17 =	sand.u32 $0x60, s6;
	v14 =	vld [tilespmem:s7+$0x0];
	v22 =	vadd.f32 v22, v24  }
0x13a: {  	s24 =	sadd.s32 $0x100, s24;
	s0 =	sand.u32 $0x780, s6;
	v2 =	vmax.f32 v2, v5;
	v24 =	vld [tilespmem:s8+$0x0];
	s18 =	sor.u32 $0x10, s17;
	v11 =	vadd.f32 v26, v11;
	v12 =	vmul.f32 v17, v20  }
0x13b: {  	s15 =	sadd.s32 $0x2, s15;
	s19 =	sand.u32 $0x3C00, s24;
	v2 =	vmax.f32 v2, v6;
	v5 =	vadd.f32 v3, v27;
	v6 =	vadd.f32 v9, v10;
	v25 =	vld [tilespmem:s9+$0x0];
	s0 =	sor.u32 s0, s18  }
0x13c: {  	p0 =	slt.u32 s15, $0x7E;
	s28 =	sor.u32 s17, s19;
	v10 =	vmax.f32 v21, v15;
	v15 =	vadd.f32 v17, v23;
	s18 =	sor.u32 s19, s18;
	v9 =	vld [tilespmem:s0+$0x10000];
	v12 =	vadd.f32 v12, v11  }
0x13d: {  	v20 =	vadd.f32 v20, v22;
	v2 =	vmax.f32 v2, v4;
	v22 =	vmul.f32 v19, v18;
	v21 =	vld [tilespmem:s18+$0x0]  }
0x13e: {  	v4 =	vmax.f32 v10, v16;
	v5 =	vadd.f32 v7, v5;
	v6 =	vadd.f32 v8, v6;
	v11 =	vld [tilespmem:s18+$0x8000]  }
0x13f: {  	v10 =	vadd.f32 v19, v15;
	v2 =	vmax.f32 v2, v3;
	v8 =	vadd.f32 v22, v12;
	v16 =	vld [tilespmem:s18+$0x80]  }
0x140: {  	v3 =	vmax.f32 v4, v17;
	v4 =	vadd.f32 v18, v20;
	v7 =	vmax.f32 v2, v7;
	v12 =	vld [tilespmem:s18+$0x8080];
	[tilespmem:s26+$0x10800] =	vst v5  }
0x141: {  	v3 =	vmax.f32 v3, v19;
	v17 =	vld [tilespmem:s18+$0x100];
	[tilespmem:s12+$0x0] =	vst v8;
	s12 =	smov.u32 s7  }
0x142: {  	v2 =	vld [tilespmem:s18+$0x8100];
	[tilespmem:s14+$0x0] =	vst v10;
	s14 =	smov.u32 s8  }
0x143: {  	s25 =	sadd.s32 $0x1, s25;
	v8 =	vmul.f32 v11, v21;
	v18 =	vld [tilespmem:s18+$0x180];
	[tilespmem:s13+$0x0] =	vst v4;
	s13 =	smov.u32 s9  }
0x144: {  	s17 =	sand.u32 $0x3, s25;
	v5 =	vld [tilespmem:s18+$0x8180];
	[tilespmem:s1+$0x0] =	vst v3;
	s1 =	smov.u32 s16  }
0x145: {  	s17 =	sshll.u32 s17, $0x5;
	v3 =	vadd.f32 v8, v9;
	v4 =	vmul.f32 v12, v16;
	v19 =	vld [tilespmem:s18+$0x200];
	[tilespmem:s26+$0x11000] =	vst v6  }
0x146: {  	s19 =	sadd.s32 s17, s24;
	v6 =	vld [tilespmem:s18+$0x8200];
	[tilespmem:s26+$0x11800] =	vst v7;
	s26 =	smov.u32 s0  }
0x147: {  	s17 =	sor.u32 $0x300, s19;
	s0 =	sor.u32 $0x380, s19;
	s19 =	sadd.s32 $0x10, s19;
	v3 =	vadd.f32 v4, v3;
	v7 =	vmul.f32 v2, v17;
	v10 =	vld [tilespmem:s18+$0x280]  }
0x148: {  	v4 =	vld [tilespmem:s18+$0x8280];
	s18 =	sor.u32 $0x300, s19  }
0x149: {  	v7 =	vadd.f32 v7, v3;
	v8 =	vmul.f32 v5, v18;
	v9 =	vld [tilespmem:s18+$0x0]  }
0x14a: {  	v3 =	vld [tilespmem:s18+$0x8000];
	s18 =	sor.u32 $0x380, s19  }
0x14b: {  	v15 =	vadd.f32 v8, v7;
	v20 =	vmul.f32 v6, v19;
	v8 =	vld [tilespmem:s18+$0x0]  }
0x14c: {  	v7 =	vld [tilespmem:s18+$0x8000]  }
0x14d: {  	v22 =	vld [tilespmem:s28+$0x0];
	v15 =	vadd.f32 v20, v15;
	v20 =	vmul.f32 v4, v10  }
0x14e: {  	v23 =	vld [tilespmem:s28+$0x8000]  }
0x14f: {  	v26 =	vld [tilespmem:s26+$0x10800];
	v15 =	vadd.f32 v20, v15;
	v20 =	vmul.f32 v3, v9  }
0x150: {  	v27 =	vld [tilespmem:s26+$0x11000]  }
0x151: {  	v28 =	vld [tilespmem:s28+$0x80];
	v15 =	vadd.f32 v20, v15;
	v20 =	vmul.f32 v7, v8  }
0x152: {  	v25 =	vadd.f32 v22, v25;
	v29 =	vld [tilespmem:s28+$0x8080]  }
0x153: {  	v22 =	vmul.f32 v23, v22;
	v24 =	vadd.f32 v23, v24;
	v30 =	vld [tilespmem:s28+$0x100];
	v15 =	vadd.f32 v20, v15  }
0x154: {  	v13 =	vmax.f32 v13, v23;
	v20 =	vld [tilespmem:s28+$0x8100];
	v23 =	vadd.f32 v11, v26  }
0x155: {  	v14 =	vadd.f32 v22, v14;
	v26 =	vld [tilespmem:s28+$0x180];
	v21 =	vadd.f32 v21, v27;
	[tilespmem:s26+$0x10000] =	vst v15  }
0x156: {  	v15 =	vadd.f32 v28, v25;
	v25 =	vld [tilespmem:s28+$0x8180];
	v22 =	vadd.f32 v12, v23  }
0x157: {  	v23 =	vmul.f32 v29, v28;
	v24 =	vadd.f32 v29, v24;
	v27 =	vld [tilespmem:s28+$0x200];
	v16 =	vadd.f32 v16, v21  }
0x158: {  	v13 =	vmax.f32 v13, v29;
	v21 =	vadd.f32 v30, v15;
	v15 =	vld [tilespmem:s28+$0x8200];
	v28 =	vadd.f32 v2, v22  }
0x159: {  	v14 =	vadd.f32 v23, v14;
	v23 =	vmul.f32 v20, v30;
	v29 =	vld [tilespmem:s26+$0x11800];
	v17 =	vadd.f32 v17, v16  }
0x15a: {  	v24 =	vadd.f32 v20, v24;
	v13 =	vmax.f32 v13, v20;
	v22 =	vld [tilespmem:s28+$0x280];
	v28 =	vadd.f32 v5, v28  }
.Ltmp4:
0x15b: {  	v14 =	vadd.f32 v23, v14;
	v23 =	vmul.f32 v25, v26;
	v16 =	vld [tilespmem:s28+$0x8280];
	v30 =	vadd.f32 v18, v17;
	(pc) =	sbr.rel @p0 .LBB2_10-.Ltmp4, $4  }
0x15c: {  	v18 =	vadd.f32 v25, v24;
	v24 =	vadd.f32 v26, v21;
	v21 =	vmax.f32 v13, v25;
	v20 =	vld [tilespmem:s17+$0x0]  }
0x15d: {  	v13 =	vadd.f32 v23, v14;
	v26 =	vmul.f32 v15, v27;
	v17 =	vld [tilespmem:s17+$0x8000];
	v14 =	vadd.f32 v6, v28  }
0x15e: {  	v23 =	vadd.f32 v15, v18;
	v25 =	vadd.f32 v19, v30;
	v18 =	vld [tilespmem:s0+$0x0];
	v28 =	vmax.f32 v29, v11  }
0x15f: {  	s16 =	sadd.s32 $0x20, s16;
	v24 =	vadd.f32 v27, v24;
	v11 =	vadd.f32 v26, v13;
	v19 =	vld [tilespmem:s0+$0x8000];
	v12 =	vmax.f32 v28, v12  }
0x160: {  	v13 =	vmul.f32 v16, v22;
	v14 =	vadd.f32 v4, v14  }
0x161: {  	v10 =	vadd.f32 v10, v25;
	v23 =	vadd.f32 v16, v23;
	v2 =	vmax.f32 v12, v2  }
0x162: {  	v2 =	vmax.f32 v2, v5;
	v11 =	vadd.f32 v13, v11;
	v14 =	vadd.f32 v3, v14  }
0x163: {  	v13 =	vmul.f32 v17, v20;
	v9 =	vadd.f32 v9, v10;
	v2 =	vmax.f32 v2, v6  }
0x164: {  	v22 =	vadd.f32 v22, v24;
	v2 =	vmax.f32 v2, v4;
	v14 =	vadd.f32 v7, v14  }
0x165: {  	v11 =	vadd.f32 v13, v11;
	v13 =	vmul.f32 v19, v18;
	v4 =	vadd.f32 v8, v9  }
0x166: {  	v23 =	vadd.f32 v17, v23;
	v2 =	vmax.f32 v2, v3;
	[tilespmem:s26+$0x10800] =	vst v14  }
0x167: {  	v12 =	vadd.f32 v20, v22;
	v2 =	vmax.f32 v2, v7;
	v11 =	vadd.f32 v13, v11;
	[tilespmem:s26+$0x11000] =	vst v4  }
0x168: {  	v5 =	vmax.f32 v21, v15;
	v13 =	vadd.f32 v19, v23;
	[tilespmem:s26+$0x11800] =	vst v2  }
0x169: {  	v5 =	vmax.f32 v5, v16;
	v10 =	vadd.f32 v18, v12;
	[tilespmem:s12+$0x0] =	vst v11  }
0x16a: {  	v5 =	vmax.f32 v5, v17;
	[tilespmem:s14+$0x0] =	vst v13  }
0x16b: {  	v5 =	vmax.f32 v5, v19;
	[tilespmem:s13+$0x0] =	vst v10  }
0x16c: {  	[tilespmem:s1+$0x0] =	vst v5  }
0x16d: {  	_ =	swait.ge [sflag:s22], $0x4000  }
0x16e: {  	[sflag:s22] =	ssyncset.done $0x0  }
0x16f: {  	[sflag:s22] =	ssyncadd.s32 $0xFFFFC000  }
0x170: {  	_ =	swait.ge [sflag:s23], $0x4000  }
0x171: {  	[sflag:s23] =	ssyncset.done $0x0  }
0x172: {  	s6 =	simm.s32 $0x0;
	s1 =	simm.s32 $0x11800;
	[sflag:s23] =	ssyncadd.s32 $0xFFFFC000  }
0x173: {  	s8 =	simm.s32 $0x10800;
	s18 =	sand.u32 $0x60, s6;
	v11 =	vld [tilespmem:s1+$0x0]  }
0x174: {  	s9 =	simm.s32 $0x11000;
	s19 =	sand.u32 $0x780, s6;
	s0 =	sor.u32 $0x10, s18;
	v13 =	vld [tilespmem:s8+$0x0]  }
0x175: {  	s24 =	sand.u32 $0x3C00, s6;
	s26 =	sor.u32 s19, s0;
	v14 =	vld [tilespmem:s9+$0x0]  }
0x176: {  	s25 =	sor.u32 s24, s0;
	v3 =	vld [tilespmem:s26+$0x10000]  }
0x177: {  	v15 =	vld [tilespmem:s25+$0x4000]  }
0x178: {  	v19 =	vld [tilespmem:s25+$0xC000]  }
0x179: {  	v16 =	vld [tilespmem:s25+$0x4080]  }
0x17a: {  	v26 =	vld [tilespmem:s25+$0xC080]  }
0x17b: {  	v17 =	vld [tilespmem:s25+$0x4100]  }
0x17c: {  	v2 =	vld [tilespmem:s25+$0xC100]  }
0x17d: {  	s28 =	sand.u32 $0x3, s6;
	v18 =	vld [tilespmem:s25+$0x4180]  }
0x17e: {  	s0 =	sshll.u32 s28, $0x5;
	v5 =	vld [tilespmem:s25+$0xC180]  }
0x17f: {  	s0 =	sadd.s32 $0x0, s0;
	v24 =	vld [tilespmem:s25+$0x4200];
	v4 =	vmul.f32 v19, v15  }
0x180: {  	s15 =	sadd.s32 $0x10, s0;
	v6 =	vld [tilespmem:s25+$0xC200]  }
0x181: {  	s29 =	sor.u32 $0x4300, s15;
	v10 =	vld [tilespmem:s25+$0x4280];
	v3 =	vadd.f32 v4, v3;
	v4 =	vmul.f32 v26, v16  }
0x182: {  	s30 =	sor.u32 $0x4380, s15;
	v9 =	vld [tilespmem:s29+$0x0]  }
0x183: {  	v8 =	vld [tilespmem:s30+$0x0];
	v7 =	vmul.f32 v2, v17;
	v3 =	vadd.f32 v4, v3  }
0x184: {  	s12 =	sor.u32 s18, s24;
	v4 =	vld [tilespmem:s25+$0xC280]  }
0x185: {  	v22 =	vld [tilespmem:s12+$0x4000];
	v20 =	vmul.f32 v5, v18;
	v7 =	vadd.f32 v7, v3  }
0x186: {  	v3 =	vld [tilespmem:s29+$0x8000]  }
0x187: {  	v23 =	vld [tilespmem:s12+$0xC000];
	v21 =	vmul.f32 v6, v24;
	v20 =	vadd.f32 v20, v7  }
0x188: {  	v7 =	vld [tilespmem:s30+$0x8000]  }
0x189: {  	v27 =	vld [tilespmem:s26+$0x11000];
	v20 =	vadd.f32 v21, v20;
	v21 =	vmul.f32 v4, v10  }
0x18a: {  	s7 =	simm.s32 $0x10000;
	v25 =	vld [tilespmem:s26+$0x10800]  }
0x18b: {  	v12 =	vld [tilespmem:s7+$0x0];
	v20 =	vadd.f32 v21, v20;
	v21 =	vmul.f32 v3, v9  }
0x18c: {  	v28 =	vld [tilespmem:s12+$0x4080]  }
0x18d: {  	v29 =	vld [tilespmem:s12+$0xC080];
	v14 =	vadd.f32 v22, v14;
	v20 =	vadd.f32 v21, v20;
	v21 =	vmul.f32 v7, v8  }
0x18e: {  	v30 =	vld [tilespmem:s12+$0x4100];
	v22 =	vmul.f32 v23, v22;
	v13 =	vadd.f32 v23, v13;
	v15 =	vadd.f32 v15, v27  }
0x18f: {  	v25 =	vadd.f32 v19, v25;
	v20 =	vadd.f32 v21, v20;
	v21 =	vld [tilespmem:s12+$0xC100]  }
0x190: {  	v31 =	vld [tilespmem:s12+$0x4180];
	v12 =	vadd.f32 v22, v12;
	v16 =	vadd.f32 v16, v15  }
0x191: {  	v11 =	vmax.f32 v11, v23;
	v23 =	vld [tilespmem:s12+$0xC180];
	v14 =	vadd.f32 v28, v14;
	v22 =	vadd.f32 v26, v25  }
0x192: {  	v27 =	vld [tilespmem:s12+$0x4200];
	v25 =	vmul.f32 v29, v28;
	v13 =	vadd.f32 v29, v13;
	v17 =	vadd.f32 v17, v16  }
0x193: {  	v15 =	vld [tilespmem:s12+$0xC200];
	v14 =	vadd.f32 v30, v14;
	[tilespmem:s26+$0x10000] =	vst v20;
	v20 =	vadd.f32 v2, v22  }
0x194: {  	v61 =	vld [tilespmem:s26+$0x11800];
	v12 =	vadd.f32 v25, v12;
	v63 =	vadd.f32 v18, v17;
	v25 =	vmul.f32 v21, v30  }
0x195: {  	v11 =	vmax.f32 v11, v29;
	v16 =	vld [tilespmem:s12+$0xC280];
	v62 =	vadd.f32 v5, v20;
	v13 =	vadd.f32 v21, v13  }
0x196: {  	s31 =	sor.u32 $0x4300, s0;
	v22 =	vld [tilespmem:s12+$0x4280];
	v11 =	vmax.f32 v11, v21;
	v12 =	vadd.f32 v25, v12;
	v25 =	vmul.f32 v23, v31  }
0x197: {  	v17 =	vld [tilespmem:s31+$0x8000];
	v21 =	vmax.f32 v11, v23;
	v13 =	vadd.f32 v23, v13;
	v31 =	vadd.f32 v31, v14  }
0x198: {  	s16 =	simm.s32 $0x11820;
	s0 =	sor.u32 $0x4380, s0;
	v20 =	vld [tilespmem:s31+$0x0];
	v14 =	vadd.f32 v6, v62;
	v11 =	vadd.f32 v25, v12;
	v12 =	vmul.f32 v15, v27  }
0x199: {  	s24 =	simm.s32 $0x0;
	s15 =	simm.s32 $0x0;
	s14 =	simm.s32 $0x10800;
	v18 =	vld [tilespmem:s0+$0x0];
	v23 =	vadd.f32 v15, v13;
	v13 =	vmax.f32 v61, v19;
	v25 =	vadd.f32 v24, v63  }
0x19a: {  	s13 =	simm.s32 $0x11000;
	s25 =	simm.s32 $0x0;
	s12 =	simm.s32 $0x10000;
	v24 =	vadd.f32 v27, v31;
	v19 =	vld [tilespmem:s0+$0x8000];
	v11 =	vadd.f32 v12, v11;
	v12 =	vmax.f32 v13, v26  }
.LBB2_12:
0x19b: {  	v13 =	vld [tilespmem:s16+$0x0];
	v26 =	vmul.f32 v16, v22;
	v27 =	vadd.f32 v4, v14;
	v10 =	vadd.f32 v10, v25;
	s6 =	sadd.s32 $0x20, s6;
	s7 =	sadd.s32 $0x20, s7  }
0x19c: {  	v23 =	vadd.f32 v16, v23;
	v2 =	vmax.f32 v12, v2;
	s8 =	sadd.s32 $0x20, s8;
	s9 =	sadd.s32 $0x20, s9;
	s17 =	sand.u32 $0x60, s6;
	v14 =	vld [tilespmem:s7+$0x0];
	v22 =	vadd.f32 v22, v24  }
0x19d: {  	s24 =	sadd.s32 $0x100, s24;
	s0 =	sand.u32 $0x780, s6;
	v2 =	vmax.f32 v2, v5;
	v24 =	vld [tilespmem:s8+$0x0];
	s18 =	sor.u32 $0x10, s17;
	v11 =	vadd.f32 v26, v11;
	v12 =	vmul.f32 v17, v20  }
0x19e: {  	s15 =	sadd.s32 $0x2, s15;
	s19 =	sand.u32 $0x3C00, s24;
	v2 =	vmax.f32 v2, v6;
	v5 =	vadd.f32 v3, v27;
	v6 =	vadd.f32 v9, v10;
	v25 =	vld [tilespmem:s9+$0x0];
	s0 =	sor.u32 s0, s18  }
0x19f: {  	p0 =	slt.u32 s15, $0x7E;
	s28 =	sor.u32 s17, s19;
	v10 =	vmax.f32 v21, v15;
	v15 =	vadd.f32 v17, v23;
	s18 =	sor.u32 s19, s18;
	v9 =	vld [tilespmem:s0+$0x10000];
	v12 =	vadd.f32 v12, v11  }
0x1a0: {  	v20 =	vadd.f32 v20, v22;
	v2 =	vmax.f32 v2, v4;
	v22 =	vmul.f32 v19, v18;
	v21 =	vld [tilespmem:s18+$0x4000]  }
0x1a1: {  	v4 =	vmax.f32 v10, v16;
	v5 =	vadd.f32 v7, v5;
	v6 =	vadd.f32 v8, v6;
	v11 =	vld [tilespmem:s18+$0xC000]  }
0x1a2: {  	v10 =	vadd.f32 v19, v15;
	v2 =	vmax.f32 v2, v3;
	v8 =	vadd.f32 v22, v12;
	v16 =	vld [tilespmem:s18+$0x4080]  }
0x1a3: {  	v3 =	vmax.f32 v4, v17;
	v4 =	vadd.f32 v18, v20;
	v7 =	vmax.f32 v2, v7;
	v12 =	vld [tilespmem:s18+$0xC080];
	[tilespmem:s26+$0x10800] =	vst v5  }
0x1a4: {  	v3 =	vmax.f32 v3, v19;
	v17 =	vld [tilespmem:s18+$0x4100];
	[tilespmem:s12+$0x0] =	vst v8;
	s12 =	smov.u32 s7  }
0x1a5: {  	v2 =	vld [tilespmem:s18+$0xC100];
	[tilespmem:s14+$0x0] =	vst v10;
	s14 =	smov.u32 s8  }
0x1a6: {  	s25 =	sadd.s32 $0x1, s25;
	v8 =	vmul.f32 v11, v21;
	v18 =	vld [tilespmem:s18+$0x4180];
	[tilespmem:s13+$0x0] =	vst v4;
	s13 =	smov.u32 s9  }
0x1a7: {  	s17 =	sand.u32 $0x3, s25;
	v5 =	vld [tilespmem:s18+$0xC180];
	[tilespmem:s1+$0x0] =	vst v3;
	s1 =	smov.u32 s16  }
0x1a8: {  	s17 =	sshll.u32 s17, $0x5;
	v3 =	vadd.f32 v8, v9;
	v4 =	vmul.f32 v12, v16;
	v19 =	vld [tilespmem:s18+$0x4200];
	[tilespmem:s26+$0x11000] =	vst v6  }
0x1a9: {  	s19 =	sadd.s32 s17, s24;
	v6 =	vld [tilespmem:s18+$0xC200];
	[tilespmem:s26+$0x11800] =	vst v7;
	s26 =	smov.u32 s0  }
0x1aa: {  	s17 =	sor.u32 $0x4300, s19;
	s0 =	sor.u32 $0x4380, s19;
	s19 =	sadd.s32 $0x10, s19;
	v3 =	vadd.f32 v4, v3;
	v7 =	vmul.f32 v2, v17;
	v10 =	vld [tilespmem:s18+$0x4280]  }
0x1ab: {  	v4 =	vld [tilespmem:s18+$0xC280];
	s18 =	sor.u32 $0x4300, s19  }
0x1ac: {  	v7 =	vadd.f32 v7, v3;
	v8 =	vmul.f32 v5, v18;
	v9 =	vld [tilespmem:s18+$0x0]  }
0x1ad: {  	v3 =	vld [tilespmem:s18+$0x8000];
	s18 =	sor.u32 $0x4380, s19  }
0x1ae: {  	v15 =	vadd.f32 v8, v7;
	v20 =	vmul.f32 v6, v19;
	v8 =	vld [tilespmem:s18+$0x0]  }
0x1af: {  	v7 =	vld [tilespmem:s18+$0x8000]  }
0x1b0: {  	v22 =	vld [tilespmem:s28+$0x4000];
	v15 =	vadd.f32 v20, v15;
	v20 =	vmul.f32 v4, v10  }
0x1b1: {  	v23 =	vld [tilespmem:s28+$0xC000]  }
0x1b2: {  	v26 =	vld [tilespmem:s26+$0x10800];
	v15 =	vadd.f32 v20, v15;
	v20 =	vmul.f32 v3, v9  }
0x1b3: {  	v27 =	vld [tilespmem:s26+$0x11000]  }
0x1b4: {  	v28 =	vld [tilespmem:s28+$0x4080];
	v15 =	vadd.f32 v20, v15;
	v20 =	vmul.f32 v7, v8  }
0x1b5: {  	v25 =	vadd.f32 v22, v25;
	v29 =	vld [tilespmem:s28+$0xC080]  }
0x1b6: {  	v22 =	vmul.f32 v23, v22;
	v24 =	vadd.f32 v23, v24;
	v30 =	vld [tilespmem:s28+$0x4100];
	v15 =	vadd.f32 v20, v15  }
0x1b7: {  	v13 =	vmax.f32 v13, v23;
	v20 =	vld [tilespmem:s28+$0xC100];
	v23 =	vadd.f32 v11, v26  }
0x1b8: {  	v14 =	vadd.f32 v22, v14;
	v26 =	vld [tilespmem:s28+$0x4180];
	v21 =	vadd.f32 v21, v27;
	[tilespmem:s26+$0x10000] =	vst v15  }
0x1b9: {  	v15 =	vadd.f32 v28, v25;
	v25 =	vld [tilespmem:s28+$0xC180];
	v22 =	vadd.f32 v12, v23  }
0x1ba: {  	v23 =	vmul.f32 v29, v28;
	v24 =	vadd.f32 v29, v24;
	v27 =	vld [tilespmem:s28+$0x4200];
	v16 =	vadd.f32 v16, v21  }
0x1bb: {  	v13 =	vmax.f32 v13, v29;
	v21 =	vadd.f32 v30, v15;
	v15 =	vld [tilespmem:s28+$0xC200];
	v28 =	vadd.f32 v2, v22  }
0x1bc: {  	v14 =	vadd.f32 v23, v14;
	v23 =	vmul.f32 v20, v30;
	v29 =	vld [tilespmem:s26+$0x11800];
	v17 =	vadd.f32 v17, v16  }
0x1bd: {  	v24 =	vadd.f32 v20, v24;
	v13 =	vmax.f32 v13, v20;
	v22 =	vld [tilespmem:s28+$0x4280];
	v28 =	vadd.f32 v5, v28  }
.Ltmp5:
0x1be: {  	v14 =	vadd.f32 v23, v14;
	v23 =	vmul.f32 v25, v26;
	v16 =	vld [tilespmem:s28+$0xC280];
	v30 =	vadd.f32 v18, v17;
	(pc) =	sbr.rel @p0 .LBB2_12-.Ltmp5, $4  }
0x1bf: {  	v18 =	vadd.f32 v25, v24;
	v24 =	vadd.f32 v26, v21;
	v21 =	vmax.f32 v13, v25;
	v20 =	vld [tilespmem:s17+$0x0]  }
0x1c0: {  	v13 =	vadd.f32 v23, v14;
	v26 =	vmul.f32 v15, v27;
	v17 =	vld [tilespmem:s17+$0x8000];
	v14 =	vadd.f32 v6, v28  }
0x1c1: {  	v23 =	vadd.f32 v15, v18;
	v25 =	vadd.f32 v19, v30;
	v18 =	vld [tilespmem:s0+$0x0];
	v28 =	vmax.f32 v29, v11  }
0x1c2: {  	s16 =	sadd.s32 $0x20, s16;
	v24 =	vadd.f32 v27, v24;
	v11 =	vadd.f32 v26, v13;
	v19 =	vld [tilespmem:s0+$0x8000];
	v12 =	vmax.f32 v28, v12  }
0x1c3: {  	v13 =	vmul.f32 v16, v22;
	v14 =	vadd.f32 v4, v14  }
0x1c4: {  	v10 =	vadd.f32 v10, v25;
	v23 =	vadd.f32 v16, v23;
	v2 =	vmax.f32 v12, v2  }
0x1c5: {  	v2 =	vmax.f32 v2, v5;
	v11 =	vadd.f32 v13, v11;
	v14 =	vadd.f32 v3, v14  }
0x1c6: {  	v56 =	vmul.f32 v17, v20;
	v9 =	vadd.f32 v9, v10;
	v2 =	vmax.f32 v2, v6  }
0x1c7: {  	v57 =	vadd.f32 v22, v24;
	v2 =	vmax.f32 v2, v4;
	v14 =	vadd.f32 v7, v14  }
0x1c8: {  	v11 =	vadd.f32 v56, v11;
	v58 =	vmul.f32 v19, v18;
	v63 =	vadd.f32 v8, v9  }
0x1c9: {  	v23 =	vadd.f32 v17, v23;
	v2 =	vmax.f32 v2, v3;
	[tilespmem:s26+$0x10800] =	vst v14  }
0x1ca: {  	v59 =	vadd.f32 v20, v57;
	v2 =	vmax.f32 v2, v7;
	v11 =	vadd.f32 v58, v11;
	[tilespmem:s26+$0x11000] =	vst v63  }
0x1cb: {  	v60 =	vmax.f32 v21, v15;
	v61 =	vadd.f32 v19, v23;
	[tilespmem:s26+$0x11800] =	vst v2  }
0x1cc: {  	v5 =	vmax.f32 v60, v16;
	v62 =	vadd.f32 v18, v59;
	[tilespmem:s12+$0x0] =	vst v11  }
0x1cd: {  	v5 =	vmax.f32 v5, v17;
	[tilespmem:s14+$0x0] =	vst v61  }
0x1ce: {  	v5 =	vmax.f32 v5, v19;
	[tilespmem:s13+$0x0] =	vst v62  }
0x1cf: {  	s18 =	simm.s32 $0x80;
	s6 =	simm.s32 $0x400;
	[tilespmem:s1+$0x0] =	vst v5  }
0x1d0: {  	s7 =	simm.s32 $0x10000;
	s19 =	simm.s32 $0x5;
	s0 =	rddreg [dreg:$0x8]  }
0x1d1: {  	[hbm4b:s0+s18] =	stream.strided.scatter [tilespmem:s7], [sflag:$0x5], $0x800, s6, s18, $0x38;
	[tilespmem:$0x12000] =	vst v63  }
0x1d2: {  	_ =	swait.ge [sflag:s19], $0x800  }
0x1d3: {  	[sflag:s19] =	ssyncset.done $0x0  }
0x1d4: {  	s8 =	simm.s32 $0x10800;
	s24 =	rddreg [dreg:$0x9];
	[sflag:s19] =	ssyncadd.s32 $0xFFFFF800  }
0x1d5: {  	[hbm4b:s24+s18] =	stream.strided.scatter [tilespmem:s8], [sflag:$0x5], $0x800, s6, s18, $0x38;
	[tilespmem:$0x12000] =	vst v63  }
0x1d6: {  	_ =	swait.ge [sflag:s19], $0x800  }
0x1d7: {  	[sflag:s19] =	ssyncset.done $0x0  }
0x1d8: {  	s26 =	simm.s32 $0x11000;
	s25 =	rddreg [dreg:$0xa];
	[sflag:s19] =	ssyncadd.s32 $0xFFFFF800  }
0x1d9: {  	[hbm4b:s25+s18] =	stream.strided.scatter [tilespmem:s26], [sflag:$0x5], $0x800, s6, s18, $0x38;
	[tilespmem:$0x12000] =	vst v63  }
0x1da: {  	_ =	swait.ge [sflag:s19], $0x800  }
0x1db: {  	[sflag:s19] =	ssyncset.done $0x0  }
0x1dc: {  	s29 =	simm.s32 $0x11800;
	s28 =	rddreg [dreg:$0xb];
	[sflag:s19] =	ssyncadd.s32 $0xFFFFF800  }
0x1dd: {  	[hbm4b:s28+s18] =	stream.strided.scatter [tilespmem:s29], [sflag:$0x5], $0x800, s6, s18, $0x38;
	[tilespmem:$0x12000] =	vst v63  }
0x1de: {  	_ =	swait.ge [sflag:s19], $0x800  }
0x1df: {  	s30 =	rddreg [dreg:$0xd]  }
0x1e0: {  	s31 =	rddreg [dreg:$0xc];
	s1 =	sadd.s32 $0x1, s30  }
0x1e1: {  	p0 =	sne.s32 s1, s31  }
.Ltmp6:
0x1e2: {  	_ = 	snop;
	(pc) =	sbr.rel @p0 .LBB2_1-.Ltmp6, $3  }
0x1e3: {  	_ =	sdelay $0x1  }
0x1e4: {  	[sflag:s19] =	ssyncset.done $0x0  }
0x1e5: {  	[sflag:s19] =	ssyncadd.s32 $0xFFFFF800  }
0x1e6: {  	_ =	sfence.sel $0x180000  }
0x1e7: {  	[bflag:$0x0] =	sbarrier.arrive $0xFFFF  }
0x1e8: {  	_ =	strace $0x90000047  }
0x1e9: {  	s0 =	stileid.u32;
	[bflag:$0x2] =	sbarrier.arrive $0xFFFF  }
0x1ea: {  	p0 =	sne.s32 s0, $0x0;
	s0 =	rddreg [dreg:$0x3]  }
0x1eb: {  	s0 =	sadd.s32 @!p0 $0x100000, s0  }
0x1ec: {  	[sflag:s0] =	ssyncadd.tile.s32 @!p0 $0x1;
	_ =	shalt  }
.Lfunc_end2:
_tile_overlayer_lowered:
.L_overlay_start_2:
0x1ed: {  	(tag) =	ssettag $0x2  }
0x1ee: {  	s0 =	rddreg [dreg:$0x0];
	s2 =	stileid.u32  }
0x1ef: {  	s1 =	rddreg [dreg:$0x1];
	p0 =	sne.s32 s2, $0x0  }
0x1f0: {  	s3 =	rddreg [dreg:$0x2];
	[bflag:$0x3] =	sbarrier.arrive $0xFFFF;
	s2 =	simm.s32 @!p0 $0x1C05  }
0x1f1: {  	[timem:s3], [sflag:s2] =	dma.local @!p0 [hbm:s0], s1  }
0x1f2: {  	s0 =	simm.s32 @!p0 $0x5  }
0x1f3: {  	_ =	swait.ge @!p0 [sflag:s0], s1  }
0x1f4: {  	s1 =	ssub.s32 @!p0 $0x0, s1;
	[sflag:s0] =	ssyncset.done @!p0 $0x0  }
0x1f5: {  	[sflag:s0] =	ssyncadd.s32 @!p0 s1  }
0x1f6: {  	[bflag:$0x3] =	sbarrier.arrive $0xFFFF  }
0x1f7: {  	_ =	shalt  }

</sc_bundles>
